<compile_context>
chip_gen: v7x
topology: tpu7x:2x2x1
jax: 0.10.2.dev20260603
libtpu: 0.0.44.dev20260713+nightly
codegen_flags: <defaults>
</compile_context>

<pallas_src>
import math

import jax
import jax.numpy as jnp
from jax import lax
from jax.experimental import pallas as pl
from jax.experimental.pallas import tpu as pltpu
from jax.experimental.pallas import tpu_sc as plsc

NUM_BIN = 12
B, MAX_OBJS, H, W = 16, 128, 152, 152
C = 2 * NUM_BIN
HW = H * W
NOBJ = B * MAX_OBJS
C_HALF = C // 2


NBUF = 3


def _gather_body(feat_hbm, ind_hbm, pred_hbm, indv, hv, wv, buf_a, buf_b,
                 buf_c, out_v, sem_a, sem_b, sem_c):
    wid = lax.axis_index("s") * 2 + lax.axis_index("c")
    b = lax.shift_right_logical(wid, 1)
    half = jnp.bitwise_and(wid, 1)
    base_o = b * MAX_OBJS

    bufs = (buf_a, buf_b, buf_c)
    sems = (sem_a, sem_b, sem_c)

    def fire(k):
        return pltpu.async_copy(feat_hbm.at[b, half * C_HALF + k],
                                bufs[k % NBUF], sems[k % NBUF])

    head = [fire(k) for k in range(NBUF - 1)]

    pltpu.sync_copy(ind_hbm.at[pl.ds(base_o, MAX_OBJS)], indv)
    for q in range(MAX_OBJS // 16):
        iv = indv[pl.ds(q * 16, 16)]
        hq = lax.div(iv, W)
        hv[pl.ds(q * 16, 16)] = hq
        wv[pl.ds(q * 16, 16)] = iv - hq * W

    def extract(k, cp):
        cp.wait()
        buf = bufs[k % NBUF]
        for q in range(MAX_OBJS // 16):
            hs = hv[pl.ds(q * 16, 16)]
            ws = wv[pl.ds(q * 16, 16)]
            out_v[k, pl.ds(q * 16, 16)] = plsc.load_gather(buf, [hs, ws])

    pending = head
    for k in range(C_HALF):
        if k + NBUF - 1 < C_HALF:
            pending.append(fire(k + NBUF - 1))
        extract(k, pending.pop(0))

    pltpu.sync_copy(out_v, pred_hbm.at[half, :, pl.ds(base_o, MAX_OBJS)])


def _sc_gather(feat, ind_flat):
    mesh = plsc.VectorSubcoreMesh(core_axis_name="c", subcore_axis_name="s")
    return pl.kernel(
        _gather_body,
        out_type=jax.ShapeDtypeStruct((2, C_HALF, NOBJ), jnp.float32),
        mesh=mesh,
        scratch_types=[
            pltpu.VMEM((MAX_OBJS,), jnp.int32),
            pltpu.VMEM((MAX_OBJS,), jnp.int32),
            pltpu.VMEM((MAX_OBJS,), jnp.int32),
            pltpu.VMEM((H, W), jnp.float32),
            pltpu.VMEM((H, W), jnp.float32),
            pltpu.VMEM((H, W), jnp.float32),
            pltpu.VMEM((C_HALF, MAX_OBJS), jnp.float32),
            pltpu.SemaphoreType.DMA,
            pltpu.SemaphoreType.DMA,
            pltpu.SemaphoreType.DMA,
        ],
        compiler_params=pltpu.CompilerParams(needs_layout_passes=False),
    )(feat, ind_flat)


def _loss_body(pred_ref, maskf_ref, targ_ref, out_ref):
    two_pi = 2.0 * math.pi
    apc = two_pi / NUM_BIN

    logits = pred_ref[0]
    res = pred_ref[1]
    m = maskf_ref[...]
    ry = targ_ref[...]

    heading = jnp.mod(ry, two_pi)
    shift = jnp.mod(heading + apc / 2.0, two_pi)
    binf = jnp.floor(shift / apc)
    bin_i = binf.astype(jnp.int32)
    res_norm = (shift - (binf * apc + apc / 2.0)) / (apc / 2.0)

    mx = jnp.max(logits, axis=0, keepdims=True)
    sh = logits - mx
    lse = jnp.log(jnp.sum(jnp.exp(sh), axis=0, keepdims=True))
    logp = sh - lse

    iota = lax.broadcasted_iota(jnp.int32, (NUM_BIN, NOBJ), 0)
    onehot = (iota == bin_i).astype(jnp.float32)

    per_bin = jnp.sum(logp * onehot, axis=0, keepdims=True) * m
    res_pred = jnp.sum(res * onehot, axis=0, keepdims=True)
    diff = res_pred - res_norm
    ad = jnp.abs(diff)
    per_res = jnp.where(ad < 1.0, 0.5 * diff * diff, ad - 0.5) * m

    denom = jnp.maximum(jnp.sum(m), 1.0)
    out_ref[0, 0] = (jnp.sum(per_res) - jnp.sum(per_bin)) / denom


def _tc_loss(pred_t, maskf, targ):
    out = pl.pallas_call(
        _loss_body,
        out_shape=jax.ShapeDtypeStruct((1, 1), jnp.float32),
        out_specs=pl.BlockSpec(memory_space=pltpu.SMEM),
    )(pred_t, maskf, targ)
    return out.reshape(())


def kernel(output, mask, ind, target):
    ind_flat = ind.reshape(NOBJ)
    pred3 = _sc_gather(output, ind_flat)
    maskf = mask.reshape(1, NOBJ).astype(jnp.float32)
    targ = target.reshape(1, NOBJ)
    return _tc_loss(pred3, maskf, targ)

# --- scband reference (transcript-rebuilt; emitter-appended) ---
"""Pipeline reference for scband-center-net-rot-bin-res-loss-81381040325418 (READ-ONLY COPY).

The authoritative reference and input builder live on the scoring server;
editing this copy changes nothing except your own understanding.
"""

import jax, jax.numpy as jnp
import numpy as np

NUM_HEAD_BIN = 12
B, MAX_OBJS, H, W = 16, 128, 152, 152
C = 2 * NUM_HEAD_BIN


def setup_inputs(seed: int = 0) -> dict:
    key = jax.random.key(seed)
    k1, k2, k3, k4 = jax.random.split(key, 4)
    output = jax.random.normal(k1, (B, C, H, W), dtype=jnp.float32)
    mask = jax.random.randint(k2, (B, MAX_OBJS), 0, 2, dtype=jnp.int32)
    ind = jax.random.randint(k3, (B, MAX_OBJS), 0, H * W, dtype=jnp.int32)
    target = jax.random.normal(k4, (B, MAX_OBJS, 1), dtype=jnp.float32)
    return {"output": output, "mask": mask, "ind": ind, "target": target}


def _transpose_and_gather_feat(feat, ind):
    b, c, h, w = feat.shape
    feat = jnp.transpose(feat, (0, 2, 3, 1)).reshape(b, h * w, c)
    idx = jnp.broadcast_to(ind[:, :, None], (b, ind.shape[1], c))
    return jnp.take_along_axis(feat, idx, axis=1)


def _get_rot_binres_loss(pred_reg, reg_label, valid, num_head_bin):
    ry_label = jnp.squeeze(reg_label, axis=-1)
    angle_per_class = 2.0 * np.pi / num_head_bin
    heading_angle = ry_label % (2.0 * np.pi)
    shift_angle = (heading_angle + angle_per_class / 2.0) % (2.0 * np.pi)
    ry_bin_label = jnp.floor(shift_angle / angle_per_class).astype(jnp.int32)
    ry_res_label = shift_angle - (ry_bin_label.astype(jnp.float32) * angle_per_class + angle_per_class / 2.0)
    ry_res_norm_label = ry_res_label / (angle_per_class / 2.0)
    ry_bin_onehot = jnp.zeros((ry_bin_label.shape[0], num_head_bin), dtype=jnp.float32)
    ry_bin_onehot = ry_bin_onehot.at[jnp.arange(ry_bin_label.shape[0]), ry_bin_label].set(1.0)
    logits = pred_reg[:, 0:num_head_bin]
    logp = jax.nn.log_softmax(logits, axis=-1)
    cnt = jnp.sum(valid.astype(jnp.float32))
    denom = jnp.maximum(cnt, 1.0)
    per_bin = jnp.take_along_axis(logp, ry_bin_label[:, None], axis=1).squeeze(1)
    per_bin = jnp.where(valid, per_bin, 0.0)
    loss_ry_bin = -(jnp.sum(per_bin) / denom)
    res_pred = jnp.sum(pred_reg[:, num_head_bin:2 * num_head_bin] * ry_bin_onehot, axis=1)
    diff = res_pred - ry_res_norm_label
    abs_diff = jnp.abs(diff)
    per_res = jnp.where(abs_diff < 1.0, 0.5 * diff * diff, abs_diff - 0.5)
    per_res = jnp.where(valid, per_res, 0.0)
    loss_ry_res = jnp.sum(per_res) / denom
    return loss_ry_bin + loss_ry_res


def reference(output, mask, ind, target):
    pred = _transpose_and_gather_feat(output, ind)
    valid = mask.reshape(-1).astype(bool)
    pred_flat = pred.reshape(-1, pred.shape[-1])
    target_flat = target.reshape(-1, target.shape[-1])
    return _get_rot_binres_loss(pred_flat, target_flat, valid, NUM_HEAD_BIN)

if __name__ == "__main__":
    import jax
    _d = setup_inputs()
    print(jax.jit(kernel)(*tuple(_d.values())))

</pallas_src>

<mosaic_0001>
#map = affine_map<(d0, d1) -> (0, 0, 0, 0)>
#map1 = affine_map<(d0, d1) -> (0)>
#map2 = affine_map<(d0, d1) -> (0, 0, 0)>
module attributes {stable_mosaic.version = 14 : i64} {
  func.func @_gather_body(%arg0: i32, %arg1: i32, %arg2: memref<16x24x152x152xf32, #tpu.memory_space<hbm>>, %arg3: memref<2048xi32, #tpu.memory_space<hbm>>, %arg4: memref<2x12x2048xf32, #tpu.memory_space<hbm>>, %arg5: memref<128xi32, #tpu.memory_space<vmem>>, %arg6: memref<128xi32, #tpu.memory_space<vmem>>, %arg7: memref<128xi32, #tpu.memory_space<vmem>>, %arg8: memref<152x152xf32, #tpu.memory_space<vmem>>, %arg9: memref<152x152xf32, #tpu.memory_space<vmem>>, %arg10: memref<152x152xf32, #tpu.memory_space<vmem>>, %arg11: memref<12x128xf32, #tpu.memory_space<vmem>>, %arg12: memref<!tpu.dma_semaphore, #tpu.memory_space<semaphore_mem>>, %arg13: memref<!tpu.dma_semaphore, #tpu.memory_space<semaphore_mem>>, %arg14: memref<!tpu.dma_semaphore, #tpu.memory_space<semaphore_mem>>) attributes {dimension_semantics = [#tpu.dimension_semantics<core_parallel>, #tpu.dimension_semantics<subcore_parallel>], iteration_bounds = array<i64: 2, 16>, scalar_prefetch = 0 : i64, scratch_operands = 10 : i64, tpu.core_type = #tpu.core_type<sc_vector_subcore>, window_params = [{transform_indices = #map}, {transform_indices = #map1}, {transform_indices = #map2}]} {
    %mul3A = arith.constant 2 : i32
    %mul3A_0 = arith.muli %arg1, %mul3A : i32
    %add3A = arith.addi %mul3A_0, %arg0 : i32
    %shift_right_logical3A = arith.constant 1 : i32
    %shift_right_logical3A_1 = arith.shrui %add3A, %shift_right_logical3A : i32
    %and3A = arith.constant 1 : i32
    %and3A_2 = arith.andi %add3A, %and3A : i32
    %mul3A_3 = arith.constant 128 : i32
    %mul3A_4 = arith.muli %shift_right_logical3A_1, %mul3A_3 : i32
    %mul3A_5 = arith.constant 12 : i32
    %mul3A_6 = arith.muli %and3A_2, %mul3A_5 : i32
    %add3A_7 = arith.constant 0 : i32
    %add3A_8 = arith.addi %mul3A_6, %add3A_7 : i32
    %dma_start3A = arith.constant 0 : i32
    %dma_start3A_9 = arith.constant 0 : i32
    %dma_start3A_10 = tpu.memref_slice %arg2[%shift_right_logical3A_1, %add3A_8, %dma_start3A, %dma_start3A_9] : memref<16x24x152x152xf32, #tpu.memory_space<hbm>> -> memref<1x1x152x152xf32, #tpu.memory_space<hbm>>
    %dma_start3A_11 = tpu.memref_squeeze %dma_start3A_10 : memref<1x1x152x152xf32, #tpu.memory_space<hbm>> -> memref<152x152xf32, #tpu.memory_space<hbm>>
    %dma_start3A_12 = arith.constant 0 : i32
    %dma_start3A_13 = arith.constant 0 : i32
    %dma_start3A_14 = tpu.memref_slice %arg2[%shift_right_logical3A_1, %add3A_8, %dma_start3A_12, %dma_start3A_13] : memref<16x24x152x152xf32, #tpu.memory_space<hbm>> -> memref<1x1x152x152xf32, #tpu.memory_space<hbm>>
    %dma_start3A_15 = tpu.memref_squeeze %dma_start3A_14 : memref<1x1x152x152xf32, #tpu.memory_space<hbm>> -> memref<152x152xf32, #tpu.memory_space<hbm>>
    tpu.enqueue_dma source(%dma_start3A_15 : memref<152x152xf32, #tpu.memory_space<hbm>>) target(%arg8 : memref<152x152xf32, #tpu.memory_space<vmem>>) target_semaphore(%arg12 : memref<!tpu.dma_semaphore, #tpu.memory_space<semaphore_mem>>)
    %mul3A_16 = arith.constant 12 : i32
    %mul3A_17 = arith.muli %and3A_2, %mul3A_16 : i32
    %add3A_18 = arith.constant 1 : i32
    %add3A_19 = arith.addi %mul3A_17, %add3A_18 : i32
    %dma_start3A_20 = arith.constant 0 : i32
    %dma_start3A_21 = arith.constant 0 : i32
    %dma_start3A_22 = tpu.memref_slice %arg2[%shift_right_logical3A_1, %add3A_19, %dma_start3A_20, %dma_start3A_21] : memref<16x24x152x152xf32, #tpu.memory_space<hbm>> -> memref<1x1x152x152xf32, #tpu.memory_space<hbm>>
    %dma_start3A_23 = tpu.memref_squeeze %dma_start3A_22 : memref<1x1x152x152xf32, #tpu.memory_space<hbm>> -> memref<152x152xf32, #tpu.memory_space<hbm>>
    %dma_start3A_24 = arith.constant 0 : i32
    %dma_start3A_25 = arith.constant 0 : i32
    %dma_start3A_26 = tpu.memref_slice %arg2[%shift_right_logical3A_1, %add3A_19, %dma_start3A_24, %dma_start3A_25] : memref<16x24x152x152xf32, #tpu.memory_space<hbm>> -> memref<1x1x152x152xf32, #tpu.memory_space<hbm>>
    %dma_start3A_27 = tpu.memref_squeeze %dma_start3A_26 : memref<1x1x152x152xf32, #tpu.memory_space<hbm>> -> memref<152x152xf32, #tpu.memory_space<hbm>>
    tpu.enqueue_dma source(%dma_start3A_27 : memref<152x152xf32, #tpu.memory_space<hbm>>) target(%arg9 : memref<152x152xf32, #tpu.memory_space<vmem>>) target_semaphore(%arg13 : memref<!tpu.dma_semaphore, #tpu.memory_space<semaphore_mem>>)
    "tpu.region"() ({
      %run_scoped3A = tpu.sem_alloc : memref<!tpu.dma_semaphore, #tpu.memory_space<semaphore_mem>>
      %dma_start3A_1206 = tpu.memref_slice %arg3[%mul3A_4] : memref<2048xi32, #tpu.memory_space<hbm>> -> memref<128xi32, #tpu.memory_space<hbm>>
      %dma_start3A_1207 = tpu.memref_slice %arg3[%mul3A_4] : memref<2048xi32, #tpu.memory_space<hbm>> -> memref<128xi32, #tpu.memory_space<hbm>>
      tpu.enqueue_dma source(%dma_start3A_1207 : memref<128xi32, #tpu.memory_space<hbm>>) target(%arg5 : memref<128xi32, #tpu.memory_space<vmem>>) target_semaphore(%run_scoped3A : memref<!tpu.dma_semaphore, #tpu.memory_space<semaphore_mem>>)
      %dma_wait3A_1208 = tpu.memref_slice %arg3[%mul3A_4] : memref<2048xi32, #tpu.memory_space<hbm>> -> memref<128xi32, #tpu.memory_space<hbm>>
      %dma_wait3A_1209 = tpu.memref_slice %arg3[%mul3A_4] : memref<2048xi32, #tpu.memory_space<hbm>> -> memref<128xi32, #tpu.memory_space<hbm>>
      tpu.wait_dma2 semaphore(%run_scoped3A : memref<!tpu.dma_semaphore, #tpu.memory_space<semaphore_mem>>) src(%dma_wait3A_1209 : memref<128xi32, #tpu.memory_space<hbm>>) dst(%arg5 : memref<128xi32, #tpu.memory_space<vmem>>)
      tpu.yield
    }) : () -> ()
    %get3A = arith.constant 0 : index
    %get3A_28 = tpu.vector_load %arg5[%get3A] {strides = array<i32>} : memref<128xi32, #tpu.memory_space<vmem>>, vector<16xi32>,
    %div3A = arith.constant 152 : i32
    %div3A_29 = vector.broadcast %div3A : i32 to vector<16xi32>
    %div3A_30 = arith.divsi %get3A_28, %div3A_29 : vector<16xi32>
    %swap3A = arith.constant 0 : index
    %swap3A_31 = tpu.vector_load %arg6[%swap3A] {strides = array<i32>} : memref<128xi32, #tpu.memory_space<vmem>>, vector<16xi32>,
    tpu.vector_store %arg6[%swap3A], %div3A_30 {strides = array<i32>} : memref<128xi32, #tpu.memory_space<vmem>>, vector<16xi32>,
    %mul3A_32 = arith.constant 152 : i32
    %mul3A_33 = vector.broadcast %mul3A_32 : i32 to vector<16xi32>
    %mul3A_34 = arith.muli %div3A_30, %mul3A_33 : vector<16xi32>
    %sub3A = arith.subi %get3A_28, %mul3A_34 : vector<16xi32>
    %swap3A_35 = arith.constant 0 : index
    %swap3A_36 = tpu.vector_load %arg7[%swap3A_35] {strides = array<i32>} : memref<128xi32, #tpu.memory_space<vmem>>, vector<16xi32>,
    tpu.vector_store %arg7[%swap3A_35], %sub3A {strides = array<i32>} : memref<128xi32, #tpu.memory_space<vmem>>, vector<16xi32>,
    %get3A_37 = arith.constant 16 : index
    %get3A_38 = tpu.vector_load %arg5[%get3A_37] {strides = array<i32>} : memref<128xi32, #tpu.memory_space<vmem>>, vector<16xi32>,
    %div3A_39 = arith.constant 152 : i32
    %div3A_40 = vector.broadcast %div3A_39 : i32 to vector<16xi32>
    %div3A_41 = arith.divsi %get3A_38, %div3A_40 : vector<16xi32>
    %swap3A_42 = arith.constant 16 : index
    %swap3A_43 = tpu.vector_load %arg6[%swap3A_42] {strides = array<i32>} : memref<128xi32, #tpu.memory_space<vmem>>, vector<16xi32>,
    tpu.vector_store %arg6[%swap3A_42], %div3A_41 {strides = array<i32>} : memref<128xi32, #tpu.memory_space<vmem>>, vector<16xi32>,
    %mul3A_44 = arith.constant 152 : i32
    %mul3A_45 = vector.broadcast %mul3A_44 : i32 to vector<16xi32>
    %mul3A_46 = arith.muli %div3A_41, %mul3A_45 : vector<16xi32>
    %sub3A_47 = arith.subi %get3A_38, %mul3A_46 : vector<16xi32>
    %swap3A_48 = arith.constant 16 : index
    %swap3A_49 = tpu.vector_load %arg7[%swap3A_48] {strides = array<i32>} : memref<128xi32, #tpu.memory_space<vmem>>, vector<16xi32>,
    tpu.vector_store %arg7[%swap3A_48], %sub3A_47 {strides = array<i32>} : memref<128xi32, #tpu.memory_space<vmem>>, vector<16xi32>,
    %get3A_50 = arith.constant 32 : index
    %get3A_51 = tpu.vector_load %arg5[%get3A_50] {strides = array<i32>} : memref<128xi32, #tpu.memory_space<vmem>>, vector<16xi32>,
    %div3A_52 = arith.constant 152 : i32
    %div3A_53 = vector.broadcast %div3A_52 : i32 to vector<16xi32>
    %div3A_54 = arith.divsi %get3A_51, %div3A_53 : vector<16xi32>
    %swap3A_55 = arith.constant 32 : index
    %swap3A_56 = tpu.vector_load %arg6[%swap3A_55] {strides = array<i32>} : memref<128xi32, #tpu.memory_space<vmem>>, vector<16xi32>,
    tpu.vector_store %arg6[%swap3A_55], %div3A_54 {strides = array<i32>} : memref<128xi32, #tpu.memory_space<vmem>>, vector<16xi32>,
    %mul3A_57 = arith.constant 152 : i32
    %mul3A_58 = vector.broadcast %mul3A_57 : i32 to vector<16xi32>
    %mul3A_59 = arith.muli %div3A_54, %mul3A_58 : vector<16xi32>
    %sub3A_60 = arith.subi %get3A_51, %mul3A_59 : vector<16xi32>
    %swap3A_61 = arith.constant 32 : index
    %swap3A_62 = tpu.vector_load %arg7[%swap3A_61] {strides = array<i32>} : memref<128xi32, #tpu.memory_space<vmem>>, vector<16xi32>,
    tpu.vector_store %arg7[%swap3A_61], %sub3A_60 {strides = array<i32>} : memref<128xi32, #tpu.memory_space<vmem>>, vector<16xi32>,
    %get3A_63 = arith.constant 48 : index
    %get3A_64 = tpu.vector_load %arg5[%get3A_63] {strides = array<i32>} : memref<128xi32, #tpu.memory_space<vmem>>, vector<16xi32>,
    %div3A_65 = arith.constant 152 : i32
    %div3A_66 = vector.broadcast %div3A_65 : i32 to vector<16xi32>
    %div3A_67 = arith.divsi %get3A_64, %div3A_66 : vector<16xi32>
    %swap3A_68 = arith.constant 48 : index
    %swap3A_69 = tpu.vector_load %arg6[%swap3A_68] {strides = array<i32>} : memref<128xi32, #tpu.memory_space<vmem>>, vector<16xi32>,
    tpu.vector_store %arg6[%swap3A_68], %div3A_67 {strides = array<i32>} : memref<128xi32, #tpu.memory_space<vmem>>, vector<16xi32>,
    %mul3A_70 = arith.constant 152 : i32
    %mul3A_71 = vector.broadcast %mul3A_70 : i32 to vector<16xi32>
    %mul3A_72 = arith.muli %div3A_67, %mul3A_71 : vector<16xi32>
    %sub3A_73 = arith.subi %get3A_64, %mul3A_72 : vector<16xi32>
    %swap3A_74 = arith.constant 48 : index
    %swap3A_75 = tpu.vector_load %arg7[%swap3A_74] {strides = array<i32>} : memref<128xi32, #tpu.memory_space<vmem>>, vector<16xi32>,
    tpu.vector_store %arg7[%swap3A_74], %sub3A_73 {strides = array<i32>} : memref<128xi32, #tpu.memory_space<vmem>>, vector<16xi32>,
    %get3A_76 = arith.constant 64 : index
    %get3A_77 = tpu.vector_load %arg5[%get3A_76] {strides = array<i32>} : memref<128xi32, #tpu.memory_space<vmem>>, vector<16xi32>,
    %div3A_78 = arith.constant 152 : i32
    %div3A_79 = vector.broadcast %div3A_78 : i32 to vector<16xi32>
    %div3A_80 = arith.divsi %get3A_77, %div3A_79 : vector<16xi32>
    %swap3A_81 = arith.constant 64 : index
    %swap3A_82 = tpu.vector_load %arg6[%swap3A_81] {strides = array<i32>} : memref<128xi32, #tpu.memory_space<vmem>>, vector<16xi32>,
    tpu.vector_store %arg6[%swap3A_81], %div3A_80 {strides = array<i32>} : memref<128xi32, #tpu.memory_space<vmem>>, vector<16xi32>,
    %mul3A_83 = arith.constant 152 : i32
    %mul3A_84 = vector.broadcast %mul3A_83 : i32 to vector<16xi32>
    %mul3A_85 = arith.muli %div3A_80, %mul3A_84 : vector<16xi32>
    %sub3A_86 = arith.subi %get3A_77, %mul3A_85 : vector<16xi32>
    %swap3A_87 = arith.constant 64 : index
    %swap3A_88 = tpu.vector_load %arg7[%swap3A_87] {strides = array<i32>} : memref<128xi32, #tpu.memory_space<vmem>>, vector<16xi32>,
    tpu.vector_store %arg7[%swap3A_87], %sub3A_86 {strides = array<i32>} : memref<128xi32, #tpu.memory_space<vmem>>, vector<16xi32>,
    %get3A_89 = arith.constant 80 : index
    %get3A_90 = tpu.vector_load %arg5[%get3A_89] {strides = array<i32>} : memref<128xi32, #tpu.memory_space<vmem>>, vector<16xi32>,
    %div3A_91 = arith.constant 152 : i32
    %div3A_92 = vector.broadcast %div3A_91 : i32 to vector<16xi32>
    %div3A_93 = arith.divsi %get3A_90, %div3A_92 : vector<16xi32>
    %swap3A_94 = arith.constant 80 : index
    %swap3A_95 = tpu.vector_load %arg6[%swap3A_94] {strides = array<i32>} : memref<128xi32, #tpu.memory_space<vmem>>, vector<16xi32>,
    tpu.vector_store %arg6[%swap3A_94], %div3A_93 {strides = array<i32>} : memref<128xi32, #tpu.memory_space<vmem>>, vector<16xi32>,
    %mul3A_96 = arith.constant 152 : i32
    %mul3A_97 = vector.broadcast %mul3A_96 : i32 to vector<16xi32>
    %mul3A_98 = arith.muli %div3A_93, %mul3A_97 : vector<16xi32>
    %sub3A_99 = arith.subi %get3A_90, %mul3A_98 : vector<16xi32>
    %swap3A_100 = arith.constant 80 : index
    %swap3A_101 = tpu.vector_load %arg7[%swap3A_100] {strides = array<i32>} : memref<128xi32, #tpu.memory_space<vmem>>, vector<16xi32>,
    tpu.vector_store %arg7[%swap3A_100], %sub3A_99 {strides = array<i32>} : memref<128xi32, #tpu.memory_space<vmem>>, vector<16xi32>,
    %get3A_102 = arith.constant 96 : index
    %get3A_103 = tpu.vector_load %arg5[%get3A_102] {strides = array<i32>} : memref<128xi32, #tpu.memory_space<vmem>>, vector<16xi32>,
    %div3A_104 = arith.constant 152 : i32
    %div3A_105 = vector.broadcast %div3A_104 : i32 to vector<16xi32>
    %div3A_106 = arith.divsi %get3A_103, %div3A_105 : vector<16xi32>
    %swap3A_107 = arith.constant 96 : index
    %swap3A_108 = tpu.vector_load %arg6[%swap3A_107] {strides = array<i32>} : memref<128xi32, #tpu.memory_space<vmem>>, vector<16xi32>,
    tpu.vector_store %arg6[%swap3A_107], %div3A_106 {strides = array<i32>} : memref<128xi32, #tpu.memory_space<vmem>>, vector<16xi32>,
    %mul3A_109 = arith.constant 152 : i32
    %mul3A_110 = vector.broadcast %mul3A_109 : i32 to vector<16xi32>
    %mul3A_111 = arith.muli %div3A_106, %mul3A_110 : vector<16xi32>
    %sub3A_112 = arith.subi %get3A_103, %mul3A_111 : vector<16xi32>
    %swap3A_113 = arith.constant 96 : index
    %swap3A_114 = tpu.vector_load %arg7[%swap3A_113] {strides = array<i32>} : memref<128xi32, #tpu.memory_space<vmem>>, vector<16xi32>,
    tpu.vector_store %arg7[%swap3A_113], %sub3A_112 {strides = array<i32>} : memref<128xi32, #tpu.memory_space<vmem>>, vector<16xi32>,
    %get3A_115 = arith.constant 112 : index
    %get3A_116 = tpu.vector_load %arg5[%get3A_115] {strides = array<i32>} : memref<128xi32, #tpu.memory_space<vmem>>, vector<16xi32>,
    %div3A_117 = arith.constant 152 : i32
    %div3A_118 = vector.broadcast %div3A_117 : i32 to vector<16xi32>
    %div3A_119 = arith.divsi %get3A_116, %div3A_118 : vector<16xi32>
    %swap3A_120 = arith.constant 112 : index
    %swap3A_121 = tpu.vector_load %arg6[%swap3A_120] {strides = array<i32>} : memref<128xi32, #tpu.memory_space<vmem>>, vector<16xi32>,
    tpu.vector_store %arg6[%swap3A_120], %div3A_119 {strides = array<i32>} : memref<128xi32, #tpu.memory_space<vmem>>, vector<16xi32>,
    %mul3A_122 = arith.constant 152 : i32
    %mul3A_123 = vector.broadcast %mul3A_122 : i32 to vector<16xi32>
    %mul3A_124 = arith.muli %div3A_119, %mul3A_123 : vector<16xi32>
    %sub3A_125 = arith.subi %get3A_116, %mul3A_124 : vector<16xi32>
    %swap3A_126 = arith.constant 112 : index
    %swap3A_127 = tpu.vector_load %arg7[%swap3A_126] {strides = array<i32>} : memref<128xi32, #tpu.memory_space<vmem>>, vector<16xi32>,
    tpu.vector_store %arg7[%swap3A_126], %sub3A_125 {strides = array<i32>} : memref<128xi32, #tpu.memory_space<vmem>>, vector<16xi32>,
    %mul3A_128 = arith.constant 12 : i32
    %mul3A_129 = arith.muli %and3A_2, %mul3A_128 : i32
    %add3A_130 = arith.constant 2 : i32
    %add3A_131 = arith.addi %mul3A_129, %add3A_130 : i32
    %dma_start3A_132 = arith.constant 0 : i32
    %dma_start3A_133 = arith.constant 0 : i32
    %dma_start3A_134 = tpu.memref_slice %arg2[%shift_right_logical3A_1, %add3A_131, %dma_start3A_132, %dma_start3A_133] : memref<16x24x152x152xf32, #tpu.memory_space<hbm>> -> memref<1x1x152x152xf32, #tpu.memory_space<hbm>>
    %dma_start3A_135 = tpu.memref_squeeze %dma_start3A_134 : memref<1x1x152x152xf32, #tpu.memory_space<hbm>> -> memref<152x152xf32, #tpu.memory_space<hbm>>
    %dma_start3A_136 = arith.constant 0 : i32
    %dma_start3A_137 = arith.constant 0 : i32
    %dma_start3A_138 = tpu.memref_slice %arg2[%shift_right_logical3A_1, %add3A_131, %dma_start3A_136, %dma_start3A_137] : memref<16x24x152x152xf32, #tpu.memory_space<hbm>> -> memref<1x1x152x152xf32, #tpu.memory_space<hbm>>
    %dma_start3A_139 = tpu.memref_squeeze %dma_start3A_138 : memref<1x1x152x152xf32, #tpu.memory_space<hbm>> -> memref<152x152xf32, #tpu.memory_space<hbm>>
    tpu.enqueue_dma source(%dma_start3A_139 : memref<152x152xf32, #tpu.memory_space<hbm>>) target(%arg10 : memref<152x152xf32, #tpu.memory_space<vmem>>) target_semaphore(%arg14 : memref<!tpu.dma_semaphore, #tpu.memory_space<semaphore_mem>>)
    %dma_wait3A = arith.constant 0 : i32
    %dma_wait3A_140 = arith.constant 0 : i32
    %dma_wait3A_141 = tpu.memref_slice %arg2[%shift_right_logical3A_1, %add3A_8, %dma_wait3A, %dma_wait3A_140] : memref<16x24x152x152xf32, #tpu.memory_space<hbm>> -> memref<1x1x152x152xf32, #tpu.memory_space<hbm>>
    %dma_wait3A_142 = tpu.memref_squeeze %dma_wait3A_141 : memref<1x1x152x152xf32, #tpu.memory_space<hbm>> -> memref<152x152xf32, #tpu.memory_space<hbm>>
    %dma_wait3A_143 = arith.constant 0 : i32
    %dma_wait3A_144 = arith.constant 0 : i32
    %dma_wait3A_145 = tpu.memref_slice %arg2[%shift_right_logical3A_1, %add3A_8, %dma_wait3A_143, %dma_wait3A_144] : memref<16x24x152x152xf32, #tpu.memory_space<hbm>> -> memref<1x1x152x152xf32, #tpu.memory_space<hbm>>
    %dma_wait3A_146 = tpu.memref_squeeze %dma_wait3A_145 : memref<1x1x152x152xf32, #tpu.memory_space<hbm>> -> memref<152x152xf32, #tpu.memory_space<hbm>>
    tpu.wait_dma2 semaphore(%arg12 : memref<!tpu.dma_semaphore, #tpu.memory_space<semaphore_mem>>) src(%dma_wait3A_146 : memref<152x152xf32, #tpu.memory_space<hbm>>) dst(%arg8 : memref<152x152xf32, #tpu.memory_space<vmem>>)
    %get3A_147 = arith.constant 0 : index
    %get3A_148 = tpu.vector_load %arg6[%get3A_147] {strides = array<i32>} : memref<128xi32, #tpu.memory_space<vmem>>, vector<16xi32>,
    %get3A_149 = arith.constant 0 : index
    %get3A_150 = tpu.vector_load %arg7[%get3A_149] {strides = array<i32>} : memref<128xi32, #tpu.memory_space<vmem>>, vector<16xi32>,
    %gather3A = tpu.vector_load_idx %arg8[%get3A_148, %get3A_150] : memref<152x152xf32, #tpu.memory_space<vmem>>[vector<16xi32>, vector<16xi32>], vector<16xf32>,
    %swap3A_151 = arith.constant 0 : i32
    %swap3A_152 = arith.index_cast %swap3A_151 : i32 to index
    %swap3A_153 = arith.constant 0 : index
    %swap3A_154 = tpu.vector_load %arg11[%swap3A_152, %swap3A_153] {strides = array<i32>} : memref<12x128xf32, #tpu.memory_space<vmem>>, vector<16xf32>,
    tpu.vector_store %arg11[%swap3A_152, %swap3A_153], %gather3A {strides = array<i32>} : memref<12x128xf32, #tpu.memory_space<vmem>>, vector<16xf32>,
    %get3A_155 = arith.constant 16 : index
    %get3A_156 = tpu.vector_load %arg6[%get3A_155] {strides = array<i32>} : memref<128xi32, #tpu.memory_space<vmem>>, vector<16xi32>,
    %get3A_157 = arith.constant 16 : index
    %get3A_158 = tpu.vector_load %arg7[%get3A_157] {strides = array<i32>} : memref<128xi32, #tpu.memory_space<vmem>>, vector<16xi32>,
    %gather3A_159 = tpu.vector_load_idx %arg8[%get3A_156, %get3A_158] : memref<152x152xf32, #tpu.memory_space<vmem>>[vector<16xi32>, vector<16xi32>], vector<16xf32>,
    %swap3A_160 = arith.constant 0 : i32
    %swap3A_161 = arith.index_cast %swap3A_160 : i32 to index
    %swap3A_162 = arith.constant 16 : index
    %swap3A_163 = tpu.vector_load %arg11[%swap3A_161, %swap3A_162] {strides = array<i32>} : memref<12x128xf32, #tpu.memory_space<vmem>>, vector<16xf32>,
    tpu.vector_store %arg11[%swap3A_161, %swap3A_162], %gather3A_159 {strides = array<i32>} : memref<12x128xf32, #tpu.memory_space<vmem>>, vector<16xf32>,
    %get3A_164 = arith.constant 32 : index
    %get3A_165 = tpu.vector_load %arg6[%get3A_164] {strides = array<i32>} : memref<128xi32, #tpu.memory_space<vmem>>, vector<16xi32>,
    %get3A_166 = arith.constant 32 : index
    %get3A_167 = tpu.vector_load %arg7[%get3A_166] {strides = array<i32>} : memref<128xi32, #tpu.memory_space<vmem>>, vector<16xi32>,
    %gather3A_168 = tpu.vector_load_idx %arg8[%get3A_165, %get3A_167] : memref<152x152xf32, #tpu.memory_space<vmem>>[vector<16xi32>, vector<16xi32>], vector<16xf32>,
    %swap3A_169 = arith.constant 0 : i32
    %swap3A_170 = arith.index_cast %swap3A_169 : i32 to index
    %swap3A_171 = arith.constant 32 : index
    %swap3A_172 = tpu.vector_load %arg11[%swap3A_170, %swap3A_171] {strides = array<i32>} : memref<12x128xf32, #tpu.memory_space<vmem>>, vector<16xf32>,
    tpu.vector_store %arg11[%swap3A_170, %swap3A_171], %gather3A_168 {strides = array<i32>} : memref<12x128xf32, #tpu.memory_space<vmem>>, vector<16xf32>,
    %get3A_173 = arith.constant 48 : index
    %get3A_174 = tpu.vector_load %arg6[%get3A_173] {strides = array<i32>} : memref<128xi32, #tpu.memory_space<vmem>>, vector<16xi32>,
    %get3A_175 = arith.constant 48 : index
    %get3A_176 = tpu.vector_load %arg7[%get3A_175] {strides = array<i32>} : memref<128xi32, #tpu.memory_space<vmem>>, vector<16xi32>,
    %gather3A_177 = tpu.vector_load_idx %arg8[%get3A_174, %get3A_176] : memref<152x152xf32, #tpu.memory_space<vmem>>[vector<16xi32>, vector<16xi32>], vector<16xf32>,
    %swap3A_178 = arith.constant 0 : i32
    %swap3A_179 = arith.index_cast %swap3A_178 : i32 to index
    %swap3A_180 = arith.constant 48 : index
    %swap3A_181 = tpu.vector_load %arg11[%swap3A_179, %swap3A_180] {strides = array<i32>} : memref<12x128xf32, #tpu.memory_space<vmem>>, vector<16xf32>,
    tpu.vector_store %arg11[%swap3A_179, %swap3A_180], %gather3A_177 {strides = array<i32>} : memref<12x128xf32, #tpu.memory_space<vmem>>, vector<16xf32>,
    %get3A_182 = arith.constant 64 : index
    %get3A_183 = tpu.vector_load %arg6[%get3A_182] {strides = array<i32>} : memref<128xi32, #tpu.memory_space<vmem>>, vector<16xi32>,
    %get3A_184 = arith.constant 64 : index
    %get3A_185 = tpu.vector_load %arg7[%get3A_184] {strides = array<i32>} : memref<128xi32, #tpu.memory_space<vmem>>, vector<16xi32>,
    %gather3A_186 = tpu.vector_load_idx %arg8[%get3A_183, %get3A_185] : memref<152x152xf32, #tpu.memory_space<vmem>>[vector<16xi32>, vector<16xi32>], vector<16xf32>,
    %swap3A_187 = arith.constant 0 : i32
    %swap3A_188 = arith.index_cast %swap3A_187 : i32 to index
    %swap3A_189 = arith.constant 64 : index
    %swap3A_190 = tpu.vector_load %arg11[%swap3A_188, %swap3A_189] {strides = array<i32>} : memref<12x128xf32, #tpu.memory_space<vmem>>, vector<16xf32>,
    tpu.vector_store %arg11[%swap3A_188, %swap3A_189], %gather3A_186 {strides = array<i32>} : memref<12x128xf32, #tpu.memory_space<vmem>>, vector<16xf32>,
    %get3A_191 = arith.constant 80 : index
    %get3A_192 = tpu.vector_load %arg6[%get3A_191] {strides = array<i32>} : memref<128xi32, #tpu.memory_space<vmem>>, vector<16xi32>,
    %get3A_193 = arith.constant 80 : index
    %get3A_194 = tpu.vector_load %arg7[%get3A_193] {strides = array<i32>} : memref<128xi32, #tpu.memory_space<vmem>>, vector<16xi32>,
    %gather3A_195 = tpu.vector_load_idx %arg8[%get3A_192, %get3A_194] : memref<152x152xf32, #tpu.memory_space<vmem>>[vector<16xi32>, vector<16xi32>], vector<16xf32>,
    %swap3A_196 = arith.constant 0 : i32
    %swap3A_197 = arith.index_cast %swap3A_196 : i32 to index
    %swap3A_198 = arith.constant 80 : index
    %swap3A_199 = tpu.vector_load %arg11[%swap3A_197, %swap3A_198] {strides = array<i32>} : memref<12x128xf32, #tpu.memory_space<vmem>>, vector<16xf32>,
    tpu.vector_store %arg11[%swap3A_197, %swap3A_198], %gather3A_195 {strides = array<i32>} : memref<12x128xf32, #tpu.memory_space<vmem>>, vector<16xf32>,
    %get3A_200 = arith.constant 96 : index
    %get3A_201 = tpu.vector_load %arg6[%get3A_200] {strides = array<i32>} : memref<128xi32, #tpu.memory_space<vmem>>, vector<16xi32>,
    %get3A_202 = arith.constant 96 : index
    %get3A_203 = tpu.vector_load %arg7[%get3A_202] {strides = array<i32>} : memref<128xi32, #tpu.memory_space<vmem>>, vector<16xi32>,
    %gather3A_204 = tpu.vector_load_idx %arg8[%get3A_201, %get3A_203] : memref<152x152xf32, #tpu.memory_space<vmem>>[vector<16xi32>, vector<16xi32>], vector<16xf32>,
    %swap3A_205 = arith.constant 0 : i32
    %swap3A_206 = arith.index_cast %swap3A_205 : i32 to index
    %swap3A_207 = arith.constant 96 : index
    %swap3A_208 = tpu.vector_load %arg11[%swap3A_206, %swap3A_207] {strides = array<i32>} : memref<12x128xf32, #tpu.memory_space<vmem>>, vector<16xf32>,
    tpu.vector_store %arg11[%swap3A_206, %swap3A_207], %gather3A_204 {strides = array<i32>} : memref<12x128xf32, #tpu.memory_space<vmem>>, vector<16xf32>,
    %get3A_209 = arith.constant 112 : index
    %get3A_210 = tpu.vector_load %arg6[%get3A_209] {strides = array<i32>} : memref<128xi32, #tpu.memory_space<vmem>>, vector<16xi32>,
    %get3A_211 = arith.constant 112 : index
    %get3A_212 = tpu.vector_load %arg7[%get3A_211] {strides = array<i32>} : memref<128xi32, #tpu.memory_space<vmem>>, vector<16xi32>,
    %gather3A_213 = tpu.vector_load_idx %arg8[%get3A_210, %get3A_212] : memref<152x152xf32, #tpu.memory_space<vmem>>[vector<16xi32>, vector<16xi32>], vector<16xf32>,
    %swap3A_214 = arith.constant 0 : i32
    %swap3A_215 = arith.index_cast %swap3A_214 : i32 to index
    %swap3A_216 = arith.constant 112 : index
    %swap3A_217 = tpu.vector_load %arg11[%swap3A_215, %swap3A_216] {strides = array<i32>} : memref<12x128xf32, #tpu.memory_space<vmem>>, vector<16xf32>,
    tpu.vector_store %arg11[%swap3A_215, %swap3A_216], %gather3A_213 {strides = array<i32>} : memref<12x128xf32, #tpu.memory_space<vmem>>, vector<16xf32>,
    %mul3A_218 = arith.constant 12 : i32
    %mul3A_219 = arith.muli %and3A_2, %mul3A_218 : i32
    %add3A_220 = arith.constant 3 : i32
    %add3A_221 = arith.addi %mul3A_219, %add3A_220 : i32
    %dma_start3A_222 = arith.constant 0 : i32
    %dma_start3A_223 = arith.constant 0 : i32
    %dma_start3A_224 = tpu.memref_slice %arg2[%shift_right_logical3A_1, %add3A_221, %dma_start3A_222, %dma_start3A_223] : memref<16x24x152x152xf32, #tpu.memory_space<hbm>> -> memref<1x1x152x152xf32, #tpu.memory_space<hbm>>
    %dma_start3A_225 = tpu.memref_squeeze %dma_start3A_224 : memref<1x1x152x152xf32, #tpu.memory_space<hbm>> -> memref<152x152xf32, #tpu.memory_space<hbm>>
    %dma_start3A_226 = arith.constant 0 : i32
    %dma_start3A_227 = arith.constant 0 : i32
    %dma_start3A_228 = tpu.memref_slice %arg2[%shift_right_logical3A_1, %add3A_221, %dma_start3A_226, %dma_start3A_227] : memref<16x24x152x152xf32, #tpu.memory_space<hbm>> -> memref<1x1x152x152xf32, #tpu.memory_space<hbm>>
    %dma_start3A_229 = tpu.memref_squeeze %dma_start3A_228 : memref<1x1x152x152xf32, #tpu.memory_space<hbm>> -> memref<152x152xf32, #tpu.memory_space<hbm>>
    tpu.enqueue_dma source(%dma_start3A_229 : memref<152x152xf32, #tpu.memory_space<hbm>>) target(%arg8 : memref<152x152xf32, #tpu.memory_space<vmem>>) target_semaphore(%arg12 : memref<!tpu.dma_semaphore, #tpu.memory_space<semaphore_mem>>)
    %dma_wait3A_230 = arith.constant 0 : i32
    %dma_wait3A_231 = arith.constant 0 : i32
    %dma_wait3A_232 = tpu.memref_slice %arg2[%shift_right_logical3A_1, %add3A_19, %dma_wait3A_230, %dma_wait3A_231] : memref<16x24x152x152xf32, #tpu.memory_space<hbm>> -> memref<1x1x152x152xf32, #tpu.memory_space<hbm>>
    %dma_wait3A_233 = tpu.memref_squeeze %dma_wait3A_232 : memref<1x1x152x152xf32, #tpu.memory_space<hbm>> -> memref<152x152xf32, #tpu.memory_space<hbm>>
    %dma_wait3A_234 = arith.constant 0 : i32
    %dma_wait3A_235 = arith.constant 0 : i32
    %dma_wait3A_236 = tpu.memref_slice %arg2[%shift_right_logical3A_1, %add3A_19, %dma_wait3A_234, %dma_wait3A_235] : memref<16x24x152x152xf32, #tpu.memory_space<hbm>> -> memref<1x1x152x152xf32, #tpu.memory_space<hbm>>
    %dma_wait3A_237 = tpu.memref_squeeze %dma_wait3A_236 : memref<1x1x152x152xf32, #tpu.memory_space<hbm>> -> memref<152x152xf32, #tpu.memory_space<hbm>>
    tpu.wait_dma2 semaphore(%arg13 : memref<!tpu.dma_semaphore, #tpu.memory_space<semaphore_mem>>) src(%dma_wait3A_237 : memref<152x152xf32, #tpu.memory_space<hbm>>) dst(%arg9 : memref<152x152xf32, #tpu.memory_space<vmem>>)
    %get3A_238 = arith.constant 0 : index
    %get3A_239 = tpu.vector_load %arg6[%get3A_238] {strides = array<i32>} : memref<128xi32, #tpu.memory_space<vmem>>, vector<16xi32>,
    %get3A_240 = arith.constant 0 : index
    %get3A_241 = tpu.vector_load %arg7[%get3A_240] {strides = array<i32>} : memref<128xi32, #tpu.memory_space<vmem>>, vector<16xi32>,
    %gather3A_242 = tpu.vector_load_idx %arg9[%get3A_239, %get3A_241] : memref<152x152xf32, #tpu.memory_space<vmem>>[vector<16xi32>, vector<16xi32>], vector<16xf32>,
    %swap3A_243 = arith.constant 1 : i32
    %swap3A_244 = arith.index_cast %swap3A_243 : i32 to index
    %swap3A_245 = arith.constant 0 : index
    %swap3A_246 = tpu.vector_load %arg11[%swap3A_244, %swap3A_245] {strides = array<i32>} : memref<12x128xf32, #tpu.memory_space<vmem>>, vector<16xf32>,
    tpu.vector_store %arg11[%swap3A_244, %swap3A_245], %gather3A_242 {strides = array<i32>} : memref<12x128xf32, #tpu.memory_space<vmem>>, vector<16xf32>,
    %get3A_247 = arith.constant 16 : index
    %get3A_248 = tpu.vector_load %arg6[%get3A_247] {strides = array<i32>} : memref<128xi32, #tpu.memory_space<vmem>>, vector<16xi32>,
    %get3A_249 = arith.constant 16 : index
    %get3A_250 = tpu.vector_load %arg7[%get3A_249] {strides = array<i32>} : memref<128xi32, #tpu.memory_space<vmem>>, vector<16xi32>,
    %gather3A_251 = tpu.vector_load_idx %arg9[%get3A_248, %get3A_250] : memref<152x152xf32, #tpu.memory_space<vmem>>[vector<16xi32>, vector<16xi32>], vector<16xf32>,
    %swap3A_252 = arith.constant 1 : i32
    %swap3A_253 = arith.index_cast %swap3A_252 : i32 to index
    %swap3A_254 = arith.constant 16 : index
    %swap3A_255 = tpu.vector_load %arg11[%swap3A_253, %swap3A_254] {strides = array<i32>} : memref<12x128xf32, #tpu.memory_space<vmem>>, vector<16xf32>,
    tpu.vector_store %arg11[%swap3A_253, %swap3A_254], %gather3A_251 {strides = array<i32>} : memref<12x128xf32, #tpu.memory_space<vmem>>, vector<16xf32>,
    %get3A_256 = arith.constant 32 : index
    %get3A_257 = tpu.vector_load %arg6[%get3A_256] {strides = array<i32>} : memref<128xi32, #tpu.memory_space<vmem>>, vector<16xi32>,
    %get3A_258 = arith.constant 32 : index
    %get3A_259 = tpu.vector_load %arg7[%get3A_258] {strides = array<i32>} : memref<128xi32, #tpu.memory_space<vmem>>, vector<16xi32>,
    %gather3A_260 = tpu.vector_load_idx %arg9[%get3A_257, %get3A_259] : memref<152x152xf32, #tpu.memory_space<vmem>>[vector<16xi32>, vector<16xi32>], vector<16xf32>,
    %swap3A_261 = arith.constant 1 : i32
    %swap3A_262 = arith.index_cast %swap3A_261 : i32 to index
    %swap3A_263 = arith.constant 32 : index
    %swap3A_264 = tpu.vector_load %arg11[%swap3A_262, %swap3A_263] {strides = array<i32>} : memref<12x128xf32, #tpu.memory_space<vmem>>, vector<16xf32>,
    tpu.vector_store %arg11[%swap3A_262, %swap3A_263], %gather3A_260 {strides = array<i32>} : memref<12x128xf32, #tpu.memory_space<vmem>>, vector<16xf32>,
    %get3A_265 = arith.constant 48 : index
    %get3A_266 = tpu.vector_load %arg6[%get3A_265] {strides = array<i32>} : memref<128xi32, #tpu.memory_space<vmem>>, vector<16xi32>,
    %get3A_267 = arith.constant 48 : index
    %get3A_268 = tpu.vector_load %arg7[%get3A_267] {strides = array<i32>} : memref<128xi32, #tpu.memory_space<vmem>>, vector<16xi32>,
    %gather3A_269 = tpu.vector_load_idx %arg9[%get3A_266, %get3A_268] : memref<152x152xf32, #tpu.memory_space<vmem>>[vector<16xi32>, vector<16xi32>], vector<16xf32>,
    %swap3A_270 = arith.constant 1 : i32
    %swap3A_271 = arith.index_cast %swap3A_270 : i32 to index
    %swap3A_272 = arith.constant 48 : index
    %swap3A_273 = tpu.vector_load %arg11[%swap3A_271, %swap3A_272] {strides = array<i32>} : memref<12x128xf32, #tpu.memory_space<vmem>>, vector<16xf32>,
    tpu.vector_store %arg11[%swap3A_271, %swap3A_272], %gather3A_269 {strides = array<i32>} : memref<12x128xf32, #tpu.memory_space<vmem>>, vector<16xf32>,
    %get3A_274 = arith.constant 64 : index
    %get3A_275 = tpu.vector_load %arg6[%get3A_274] {strides = array<i32>} : memref<128xi32, #tpu.memory_space<vmem>>, vector<16xi32>,
    %get3A_276 = arith.constant 64 : index
    %get3A_277 = tpu.vector_load %arg7[%get3A_276] {strides = array<i32>} : memref<128xi32, #tpu.memory_space<vmem>>, vector<16xi32>,
    %gather3A_278 = tpu.vector_load_idx %arg9[%get3A_275, %get3A_277] : memref<152x152xf32, #tpu.memory_space<vmem>>[vector<16xi32>, vector<16xi32>], vector<16xf32>,
    %swap3A_279 = arith.constant 1 : i32
    %swap3A_280 = arith.index_cast %swap3A_279 : i32 to index
    %swap3A_281 = arith.constant 64 : index
    %swap3A_282 = tpu.vector_load %arg11[%swap3A_280, %swap3A_281] {strides = array<i32>} : memref<12x128xf32, #tpu.memory_space<vmem>>, vector<16xf32>,
    tpu.vector_store %arg11[%swap3A_280, %swap3A_281], %gather3A_278 {strides = array<i32>} : memref<12x128xf32, #tpu.memory_space<vmem>>, vector<16xf32>,
    %get3A_283 = arith.constant 80 : index
    %get3A_284 = tpu.vector_load %arg6[%get3A_283] {strides = array<i32>} : memref<128xi32, #tpu.memory_space<vmem>>, vector<16xi32>,
    %get3A_285 = arith.constant 80 : index
    %get3A_286 = tpu.vector_load %arg7[%get3A_285] {strides = array<i32>} : memref<128xi32, #tpu.memory_space<vmem>>, vector<16xi32>,
    %gather3A_287 = tpu.vector_load_idx %arg9[%get3A_284, %get3A_286] : memref<152x152xf32, #tpu.memory_space<vmem>>[vector<16xi32>, vector<16xi32>], vector<16xf32>,
    %swap3A_288 = arith.constant 1 : i32
    %swap3A_289 = arith.index_cast %swap3A_288 : i32 to index
    %swap3A_290 = arith.constant 80 : index
    %swap3A_291 = tpu.vector_load %arg11[%swap3A_289, %swap3A_290] {strides = array<i32>} : memref<12x128xf32, #tpu.memory_space<vmem>>, vector<16xf32>,
    tpu.vector_store %arg11[%swap3A_289, %swap3A_290], %gather3A_287 {strides = array<i32>} : memref<12x128xf32, #tpu.memory_space<vmem>>, vector<16xf32>,
    %get3A_292 = arith.constant 96 : index
    %get3A_293 = tpu.vector_load %arg6[%get3A_292] {strides = array<i32>} : memref<128xi32, #tpu.memory_space<vmem>>, vector<16xi32>,
    %get3A_294 = arith.constant 96 : index
    %get3A_295 = tpu.vector_load %arg7[%get3A_294] {strides = array<i32>} : memref<128xi32, #tpu.memory_space<vmem>>, vector<16xi32>,
    %gather3A_296 = tpu.vector_load_idx %arg9[%get3A_293, %get3A_295] : memref<152x152xf32, #tpu.memory_space<vmem>>[vector<16xi32>, vector<16xi32>], vector<16xf32>,
    %swap3A_297 = arith.constant 1 : i32
    %swap3A_298 = arith.index_cast %swap3A_297 : i32 to index
    %swap3A_299 = arith.constant 96 : index
    %swap3A_300 = tpu.vector_load %arg11[%swap3A_298, %swap3A_299] {strides = array<i32>} : memref<12x128xf32, #tpu.memory_space<vmem>>, vector<16xf32>,
    tpu.vector_store %arg11[%swap3A_298, %swap3A_299], %gather3A_296 {strides = array<i32>} : memref<12x128xf32, #tpu.memory_space<vmem>>, vector<16xf32>,
    %get3A_301 = arith.constant 112 : index
    %get3A_302 = tpu.vector_load %arg6[%get3A_301] {strides = array<i32>} : memref<128xi32, #tpu.memory_space<vmem>>, vector<16xi32>,
    %get3A_303 = arith.constant 112 : index
    %get3A_304 = tpu.vector_load %arg7[%get3A_303] {strides = array<i32>} : memref<128xi32, #tpu.memory_space<vmem>>, vector<16xi32>,
    %gather3A_305 = tpu.vector_load_idx %arg9[%get3A_302, %get3A_304] : memref<152x152xf32, #tpu.memory_space<vmem>>[vector<16xi32>, vector<16xi32>], vector<16xf32>,
    %swap3A_306 = arith.constant 1 : i32
    %swap3A_307 = arith.index_cast %swap3A_306 : i32 to index
    %swap3A_308 = arith.constant 112 : index
    %swap3A_309 = tpu.vector_load %arg11[%swap3A_307, %swap3A_308] {strides = array<i32>} : memref<12x128xf32, #tpu.memory_space<vmem>>, vector<16xf32>,
    tpu.vector_store %arg11[%swap3A_307, %swap3A_308], %gather3A_305 {strides = array<i32>} : memref<12x128xf32, #tpu.memory_space<vmem>>, vector<16xf32>,
    %mul3A_310 = arith.constant 12 : i32
    %mul3A_311 = arith.muli %and3A_2, %mul3A_310 : i32
    %add3A_312 = arith.constant 4 : i32
    %add3A_313 = arith.addi %mul3A_311, %add3A_312 : i32
    %dma_start3A_314 = arith.constant 0 : i32
    %dma_start3A_315 = arith.constant 0 : i32
    %dma_start3A_316 = tpu.memref_slice %arg2[%shift_right_logical3A_1, %add3A_313, %dma_start3A_314, %dma_start3A_315] : memref<16x24x152x152xf32, #tpu.memory_space<hbm>> -> memref<1x1x152x152xf32, #tpu.memory_space<hbm>>
    %dma_start3A_317 = tpu.memref_squeeze %dma_start3A_316 : memref<1x1x152x152xf32, #tpu.memory_space<hbm>> -> memref<152x152xf32, #tpu.memory_space<hbm>>
    %dma_start3A_318 = arith.constant 0 : i32
    %dma_start3A_319 = arith.constant 0 : i32
    %dma_start3A_320 = tpu.memref_slice %arg2[%shift_right_logical3A_1, %add3A_313, %dma_start3A_318, %dma_start3A_319] : memref<16x24x152x152xf32, #tpu.memory_space<hbm>> -> memref<1x1x152x152xf32, #tpu.memory_space<hbm>>
    %dma_start3A_321 = tpu.memref_squeeze %dma_start3A_320 : memref<1x1x152x152xf32, #tpu.memory_space<hbm>> -> memref<152x152xf32, #tpu.memory_space<hbm>>
    tpu.enqueue_dma source(%dma_start3A_321 : memref<152x152xf32, #tpu.memory_space<hbm>>) target(%arg9 : memref<152x152xf32, #tpu.memory_space<vmem>>) target_semaphore(%arg13 : memref<!tpu.dma_semaphore, #tpu.memory_space<semaphore_mem>>)
    %dma_wait3A_322 = arith.constant 0 : i32
    %dma_wait3A_323 = arith.constant 0 : i32
    %dma_wait3A_324 = tpu.memref_slice %arg2[%shift_right_logical3A_1, %add3A_131, %dma_wait3A_322, %dma_wait3A_323] : memref<16x24x152x152xf32, #tpu.memory_space<hbm>> -> memref<1x1x152x152xf32, #tpu.memory_space<hbm>>
    %dma_wait3A_325 = tpu.memref_squeeze %dma_wait3A_324 : memref<1x1x152x152xf32, #tpu.memory_space<hbm>> -> memref<152x152xf32, #tpu.memory_space<hbm>>
    %dma_wait3A_326 = arith.constant 0 : i32
    %dma_wait3A_327 = arith.constant 0 : i32
    %dma_wait3A_328 = tpu.memref_slice %arg2[%shift_right_logical3A_1, %add3A_131, %dma_wait3A_326, %dma_wait3A_327] : memref<16x24x152x152xf32, #tpu.memory_space<hbm>> -> memref<1x1x152x152xf32, #tpu.memory_space<hbm>>
    %dma_wait3A_329 = tpu.memref_squeeze %dma_wait3A_328 : memref<1x1x152x152xf32, #tpu.memory_space<hbm>> -> memref<152x152xf32, #tpu.memory_space<hbm>>
    tpu.wait_dma2 semaphore(%arg14 : memref<!tpu.dma_semaphore, #tpu.memory_space<semaphore_mem>>) src(%dma_wait3A_329 : memref<152x152xf32, #tpu.memory_space<hbm>>) dst(%arg10 : memref<152x152xf32, #tpu.memory_space<vmem>>)
    %get3A_330 = arith.constant 0 : index
    %get3A_331 = tpu.vector_load %arg6[%get3A_330] {strides = array<i32>} : memref<128xi32, #tpu.memory_space<vmem>>, vector<16xi32>,
    %get3A_332 = arith.constant 0 : index
    %get3A_333 = tpu.vector_load %arg7[%get3A_332] {strides = array<i32>} : memref<128xi32, #tpu.memory_space<vmem>>, vector<16xi32>,
    %gather3A_334 = tpu.vector_load_idx %arg10[%get3A_331, %get3A_333] : memref<152x152xf32, #tpu.memory_space<vmem>>[vector<16xi32>, vector<16xi32>], vector<16xf32>,
    %swap3A_335 = arith.constant 2 : i32
    %swap3A_336 = arith.index_cast %swap3A_335 : i32 to index
    %swap3A_337 = arith.constant 0 : index
    %swap3A_338 = tpu.vector_load %arg11[%swap3A_336, %swap3A_337] {strides = array<i32>} : memref<12x128xf32, #tpu.memory_space<vmem>>, vector<16xf32>,
    tpu.vector_store %arg11[%swap3A_336, %swap3A_337], %gather3A_334 {strides = array<i32>} : memref<12x128xf32, #tpu.memory_space<vmem>>, vector<16xf32>,
    %get3A_339 = arith.constant 16 : index
    %get3A_340 = tpu.vector_load %arg6[%get3A_339] {strides = array<i32>} : memref<128xi32, #tpu.memory_space<vmem>>, vector<16xi32>,
    %get3A_341 = arith.constant 16 : index
    %get3A_342 = tpu.vector_load %arg7[%get3A_341] {strides = array<i32>} : memref<128xi32, #tpu.memory_space<vmem>>, vector<16xi32>,
    %gather3A_343 = tpu.vector_load_idx %arg10[%get3A_340, %get3A_342] : memref<152x152xf32, #tpu.memory_space<vmem>>[vector<16xi32>, vector<16xi32>], vector<16xf32>,
    %swap3A_344 = arith.constant 2 : i32
    %swap3A_345 = arith.index_cast %swap3A_344 : i32 to index
    %swap3A_346 = arith.constant 16 : index
    %swap3A_347 = tpu.vector_load %arg11[%swap3A_345, %swap3A_346] {strides = array<i32>} : memref<12x128xf32, #tpu.memory_space<vmem>>, vector<16xf32>,
    tpu.vector_store %arg11[%swap3A_345, %swap3A_346], %gather3A_343 {strides = array<i32>} : memref<12x128xf32, #tpu.memory_space<vmem>>, vector<16xf32>,
    %get3A_348 = arith.constant 32 : index
    %get3A_349 = tpu.vector_load %arg6[%get3A_348] {strides = array<i32>} : memref<128xi32, #tpu.memory_space<vmem>>, vector<16xi32>,
    %get3A_350 = arith.constant 32 : index
    %get3A_351 = tpu.vector_load %arg7[%get3A_350] {strides = array<i32>} : memref<128xi32, #tpu.memory_space<vmem>>, vector<16xi32>,
    %gather3A_352 = tpu.vector_load_idx %arg10[%get3A_349, %get3A_351] : memref<152x152xf32, #tpu.memory_space<vmem>>[vector<16xi32>, vector<16xi32>], vector<16xf32>,
    %swap3A_353 = arith.constant 2 : i32
    %swap3A_354 = arith.index_cast %swap3A_353 : i32 to index
    %swap3A_355 = arith.constant 32 : index
    %swap3A_356 = tpu.vector_load %arg11[%swap3A_354, %swap3A_355] {strides = array<i32>} : memref<12x128xf32, #tpu.memory_space<vmem>>, vector<16xf32>,
    tpu.vector_store %arg11[%swap3A_354, %swap3A_355], %gather3A_352 {strides = array<i32>} : memref<12x128xf32, #tpu.memory_space<vmem>>, vector<16xf32>,
    %get3A_357 = arith.constant 48 : index
    %get3A_358 = tpu.vector_load %arg6[%get3A_357] {strides = array<i32>} : memref<128xi32, #tpu.memory_space<vmem>>, vector<16xi32>,
    %get3A_359 = arith.constant 48 : index
    %get3A_360 = tpu.vector_load %arg7[%get3A_359] {strides = array<i32>} : memref<128xi32, #tpu.memory_space<vmem>>, vector<16xi32>,
    %gather3A_361 = tpu.vector_load_idx %arg10[%get3A_358, %get3A_360] : memref<152x152xf32, #tpu.memory_space<vmem>>[vector<16xi32>, vector<16xi32>], vector<16xf32>,
    %swap3A_362 = arith.constant 2 : i32
    %swap3A_363 = arith.index_cast %swap3A_362 : i32 to index
    %swap3A_364 = arith.constant 48 : index
    %swap3A_365 = tpu.vector_load %arg11[%swap3A_363, %swap3A_364] {strides = array<i32>} : memref<12x128xf32, #tpu.memory_space<vmem>>, vector<16xf32>,
    tpu.vector_store %arg11[%swap3A_363, %swap3A_364], %gather3A_361 {strides = array<i32>} : memref<12x128xf32, #tpu.memory_space<vmem>>, vector<16xf32>,
    %get3A_366 = arith.constant 64 : index
    %get3A_367 = tpu.vector_load %arg6[%get3A_366] {strides = array<i32>} : memref<128xi32, #tpu.memory_space<vmem>>, vector<16xi32>,
    %get3A_368 = arith.constant 64 : index
    %get3A_369 = tpu.vector_load %arg7[%get3A_368] {strides = array<i32>} : memref<128xi32, #tpu.memory_space<vmem>>, vector<16xi32>,
    %gather3A_370 = tpu.vector_load_idx %arg10[%get3A_367, %get3A_369] : memref<152x152xf32, #tpu.memory_space<vmem>>[vector<16xi32>, vector<16xi32>], vector<16xf32>,
    %swap3A_371 = arith.constant 2 : i32
    %swap3A_372 = arith.index_cast %swap3A_371 : i32 to index
    %swap3A_373 = arith.constant 64 : index
    %swap3A_374 = tpu.vector_load %arg11[%swap3A_372, %swap3A_373] {strides = array<i32>} : memref<12x128xf32, #tpu.memory_space<vmem>>, vector<16xf32>,
    tpu.vector_store %arg11[%swap3A_372, %swap3A_373], %gather3A_370 {strides = array<i32>} : memref<12x128xf32, #tpu.memory_space<vmem>>, vector<16xf32>,
    %get3A_375 = arith.constant 80 : index
    %get3A_376 = tpu.vector_load %arg6[%get3A_375] {strides = array<i32>} : memref<128xi32, #tpu.memory_space<vmem>>, vector<16xi32>,
    %get3A_377 = arith.constant 80 : index
    %get3A_378 = tpu.vector_load %arg7[%get3A_377] {strides = array<i32>} : memref<128xi32, #tpu.memory_space<vmem>>, vector<16xi32>,
    %gather3A_379 = tpu.vector_load_idx %arg10[%get3A_376, %get3A_378] : memref<152x152xf32, #tpu.memory_space<vmem>>[vector<16xi32>, vector<16xi32>], vector<16xf32>,
    %swap3A_380 = arith.constant 2 : i32
    %swap3A_381 = arith.index_cast %swap3A_380 : i32 to index
    %swap3A_382 = arith.constant 80 : index
    %swap3A_383 = tpu.vector_load %arg11[%swap3A_381, %swap3A_382] {strides = array<i32>} : memref<12x128xf32, #tpu.memory_space<vmem>>, vector<16xf32>,
    tpu.vector_store %arg11[%swap3A_381, %swap3A_382], %gather3A_379 {strides = array<i32>} : memref<12x128xf32, #tpu.memory_space<vmem>>, vector<16xf32>,
    %get3A_384 = arith.constant 96 : index
    %get3A_385 = tpu.vector_load %arg6[%get3A_384] {strides = array<i32>} : memref<128xi32, #tpu.memory_space<vmem>>, vector<16xi32>,
    %get3A_386 = arith.constant 96 : index
    %get3A_387 = tpu.vector_load %arg7[%get3A_386] {strides = array<i32>} : memref<128xi32, #tpu.memory_space<vmem>>, vector<16xi32>,
    %gather3A_388 = tpu.vector_load_idx %arg10[%get3A_385, %get3A_387] : memref<152x152xf32, #tpu.memory_space<vmem>>[vector<16xi32>, vector<16xi32>], vector<16xf32>,
    %swap3A_389 = arith.constant 2 : i32
    %swap3A_390 = arith.index_cast %swap3A_389 : i32 to index
    %swap3A_391 = arith.constant 96 : index
    %swap3A_392 = tpu.vector_load %arg11[%swap3A_390, %swap3A_391] {strides = array<i32>} : memref<12x128xf32, #tpu.memory_space<vmem>>, vector<16xf32>,
    tpu.vector_store %arg11[%swap3A_390, %swap3A_391], %gather3A_388 {strides = array<i32>} : memref<12x128xf32, #tpu.memory_space<vmem>>, vector<16xf32>,
    %get3A_393 = arith.constant 112 : index
    %get3A_394 = tpu.vector_load %arg6[%get3A_393] {strides = array<i32>} : memref<128xi32, #tpu.memory_space<vmem>>, vector<16xi32>,
    %get3A_395 = arith.constant 112 : index
    %get3A_396 = tpu.vector_load %arg7[%get3A_395] {strides = array<i32>} : memref<128xi32, #tpu.memory_space<vmem>>, vector<16xi32>,
    %gather3A_397 = tpu.vector_load_idx %arg10[%get3A_394, %get3A_396] : memref<152x152xf32, #tpu.memory_space<vmem>>[vector<16xi32>, vector<16xi32>], vector<16xf32>,
    %swap3A_398 = arith.constant 2 : i32
    %swap3A_399 = arith.index_cast %swap3A_398 : i32 to index
    %swap3A_400 = arith.constant 112 : index
    %swap3A_401 = tpu.vector_load %arg11[%swap3A_399, %swap3A_400] {strides = array<i32>} : memref<12x128xf32, #tpu.memory_space<vmem>>, vector<16xf32>,
    tpu.vector_store %arg11[%swap3A_399, %swap3A_400], %gather3A_397 {strides = array<i32>} : memref<12x128xf32, #tpu.memory_space<vmem>>, vector<16xf32>,
    %mul3A_402 = arith.constant 12 : i32
    %mul3A_403 = arith.muli %and3A_2, %mul3A_402 : i32
    %add3A_404 = arith.constant 5 : i32
    %add3A_405 = arith.addi %mul3A_403, %add3A_404 : i32
    %dma_start3A_406 = arith.constant 0 : i32
    %dma_start3A_407 = arith.constant 0 : i32
    %dma_start3A_408 = tpu.memref_slice %arg2[%shift_right_logical3A_1, %add3A_405, %dma_start3A_406, %dma_start3A_407] : memref<16x24x152x152xf32, #tpu.memory_space<hbm>> -> memref<1x1x152x152xf32, #tpu.memory_space<hbm>>
    %dma_start3A_409 = tpu.memref_squeeze %dma_start3A_408 : memref<1x1x152x152xf32, #tpu.memory_space<hbm>> -> memref<152x152xf32, #tpu.memory_space<hbm>>
    %dma_start3A_410 = arith.constant 0 : i32
    %dma_start3A_411 = arith.constant 0 : i32
    %dma_start3A_412 = tpu.memref_slice %arg2[%shift_right_logical3A_1, %add3A_405, %dma_start3A_410, %dma_start3A_411] : memref<16x24x152x152xf32, #tpu.memory_space<hbm>> -> memref<1x1x152x152xf32, #tpu.memory_space<hbm>>
    %dma_start3A_413 = tpu.memref_squeeze %dma_start3A_412 : memref<1x1x152x152xf32, #tpu.memory_space<hbm>> -> memref<152x152xf32, #tpu.memory_space<hbm>>
    tpu.enqueue_dma source(%dma_start3A_413 : memref<152x152xf32, #tpu.memory_space<hbm>>) target(%arg10 : memref<152x152xf32, #tpu.memory_space<vmem>>) target_semaphore(%arg14 : memref<!tpu.dma_semaphore, #tpu.memory_space<semaphore_mem>>)
    %dma_wait3A_414 = arith.constant 0 : i32
    %dma_wait3A_415 = arith.constant 0 : i32
    %dma_wait3A_416 = tpu.memref_slice %arg2[%shift_right_logical3A_1, %add3A_221, %dma_wait3A_414, %dma_wait3A_415] : memref<16x24x152x152xf32, #tpu.memory_space<hbm>> -> memref<1x1x152x152xf32, #tpu.memory_space<hbm>>
    %dma_wait3A_417 = tpu.memref_squeeze %dma_wait3A_416 : memref<1x1x152x152xf32, #tpu.memory_space<hbm>> -> memref<152x152xf32, #tpu.memory_space<hbm>>
    %dma_wait3A_418 = arith.constant 0 : i32
    %dma_wait3A_419 = arith.constant 0 : i32
    %dma_wait3A_420 = tpu.memref_slice %arg2[%shift_right_logical3A_1, %add3A_221, %dma_wait3A_418, %dma_wait3A_419] : memref<16x24x152x152xf32, #tpu.memory_space<hbm>> -> memref<1x1x152x152xf32, #tpu.memory_space<hbm>>
    %dma_wait3A_421 = tpu.memref_squeeze %dma_wait3A_420 : memref<1x1x152x152xf32, #tpu.memory_space<hbm>> -> memref<152x152xf32, #tpu.memory_space<hbm>>
    tpu.wait_dma2 semaphore(%arg12 : memref<!tpu.dma_semaphore, #tpu.memory_space<semaphore_mem>>) src(%dma_wait3A_421 : memref<152x152xf32, #tpu.memory_space<hbm>>) dst(%arg8 : memref<152x152xf32, #tpu.memory_space<vmem>>)
    %get3A_422 = arith.constant 0 : index
    %get3A_423 = tpu.vector_load %arg6[%get3A_422] {strides = array<i32>} : memref<128xi32, #tpu.memory_space<vmem>>, vector<16xi32>,
    %get3A_424 = arith.constant 0 : index
    %get3A_425 = tpu.vector_load %arg7[%get3A_424] {strides = array<i32>} : memref<128xi32, #tpu.memory_space<vmem>>, vector<16xi32>,
    %gather3A_426 = tpu.vector_load_idx %arg8[%get3A_423, %get3A_425] : memref<152x152xf32, #tpu.memory_space<vmem>>[vector<16xi32>, vector<16xi32>], vector<16xf32>,
    %swap3A_427 = arith.constant 3 : i32
    %swap3A_428 = arith.index_cast %swap3A_427 : i32 to index
    %swap3A_429 = arith.constant 0 : index
    %swap3A_430 = tpu.vector_load %arg11[%swap3A_428, %swap3A_429] {strides = array<i32>} : memref<12x128xf32, #tpu.memory_space<vmem>>, vector<16xf32>,
    tpu.vector_store %arg11[%swap3A_428, %swap3A_429], %gather3A_426 {strides = array<i32>} : memref<12x128xf32, #tpu.memory_space<vmem>>, vector<16xf32>,
    %get3A_431 = arith.constant 16 : index
    %get3A_432 = tpu.vector_load %arg6[%get3A_431] {strides = array<i32>} : memref<128xi32, #tpu.memory_space<vmem>>, vector<16xi32>,
    %get3A_433 = arith.constant 16 : index
    %get3A_434 = tpu.vector_load %arg7[%get3A_433] {strides = array<i32>} : memref<128xi32, #tpu.memory_space<vmem>>, vector<16xi32>,
    %gather3A_435 = tpu.vector_load_idx %arg8[%get3A_432, %get3A_434] : memref<152x152xf32, #tpu.memory_space<vmem>>[vector<16xi32>, vector<16xi32>], vector<16xf32>,
    %swap3A_436 = arith.constant 3 : i32
    %swap3A_437 = arith.index_cast %swap3A_436 : i32 to index
    %swap3A_438 = arith.constant 16 : index
    %swap3A_439 = tpu.vector_load %arg11[%swap3A_437, %swap3A_438] {strides = array<i32>} : memref<12x128xf32, #tpu.memory_space<vmem>>, vector<16xf32>,
    tpu.vector_store %arg11[%swap3A_437, %swap3A_438], %gather3A_435 {strides = array<i32>} : memref<12x128xf32, #tpu.memory_space<vmem>>, vector<16xf32>,
    %get3A_440 = arith.constant 32 : index
    %get3A_441 = tpu.vector_load %arg6[%get3A_440] {strides = array<i32>} : memref<128xi32, #tpu.memory_space<vmem>>, vector<16xi32>,
    %get3A_442 = arith.constant 32 : index
    %get3A_443 = tpu.vector_load %arg7[%get3A_442] {strides = array<i32>} : memref<128xi32, #tpu.memory_space<vmem>>, vector<16xi32>,
    %gather3A_444 = tpu.vector_load_idx %arg8[%get3A_441, %get3A_443] : memref<152x152xf32, #tpu.memory_space<vmem>>[vector<16xi32>, vector<16xi32>], vector<16xf32>,
    %swap3A_445 = arith.constant 3 : i32
    %swap3A_446 = arith.index_cast %swap3A_445 : i32 to index
    %swap3A_447 = arith.constant 32 : index
    %swap3A_448 = tpu.vector_load %arg11[%swap3A_446, %swap3A_447] {strides = array<i32>} : memref<12x128xf32, #tpu.memory_space<vmem>>, vector<16xf32>,
    tpu.vector_store %arg11[%swap3A_446, %swap3A_447], %gather3A_444 {strides = array<i32>} : memref<12x128xf32, #tpu.memory_space<vmem>>, vector<16xf32>,
    %get3A_449 = arith.constant 48 : index
    %get3A_450 = tpu.vector_load %arg6[%get3A_449] {strides = array<i32>} : memref<128xi32, #tpu.memory_space<vmem>>, vector<16xi32>,
    %get3A_451 = arith.constant 48 : index
    %get3A_452 = tpu.vector_load %arg7[%get3A_451] {strides = array<i32>} : memref<128xi32, #tpu.memory_space<vmem>>, vector<16xi32>,
    %gather3A_453 = tpu.vector_load_idx %arg8[%get3A_450, %get3A_452] : memref<152x152xf32, #tpu.memory_space<vmem>>[vector<16xi32>, vector<16xi32>], vector<16xf32>,
    %swap3A_454 = arith.constant 3 : i32
    %swap3A_455 = arith.index_cast %swap3A_454 : i32 to index
    %swap3A_456 = arith.constant 48 : index
    %swap3A_457 = tpu.vector_load %arg11[%swap3A_455, %swap3A_456] {strides = array<i32>} : memref<12x128xf32, #tpu.memory_space<vmem>>, vector<16xf32>,
    tpu.vector_store %arg11[%swap3A_455, %swap3A_456], %gather3A_453 {strides = array<i32>} : memref<12x128xf32, #tpu.memory_space<vmem>>, vector<16xf32>,
    %get3A_458 = arith.constant 64 : index
    %get3A_459 = tpu.vector_load %arg6[%get3A_458] {strides = array<i32>} : memref<128xi32, #tpu.memory_space<vmem>>, vector<16xi32>,
    %get3A_460 = arith.constant 64 : index
    %get3A_461 = tpu.vector_load %arg7[%get3A_460] {strides = array<i32>} : memref<128xi32, #tpu.memory_space<vmem>>, vector<16xi32>,
    %gather3A_462 = tpu.vector_load_idx %arg8[%get3A_459, %get3A_461] : memref<152x152xf32, #tpu.memory_space<vmem>>[vector<16xi32>, vector<16xi32>], vector<16xf32>,
    %swap3A_463 = arith.constant 3 : i32
    %swap3A_464 = arith.index_cast %swap3A_463 : i32 to index
    %swap3A_465 = arith.constant 64 : index
    %swap3A_466 = tpu.vector_load %arg11[%swap3A_464, %swap3A_465] {strides = array<i32>} : memref<12x128xf32, #tpu.memory_space<vmem>>, vector<16xf32>,
    tpu.vector_store %arg11[%swap3A_464, %swap3A_465], %gather3A_462 {strides = array<i32>} : memref<12x128xf32, #tpu.memory_space<vmem>>, vector<16xf32>,
    %get3A_467 = arith.constant 80 : index
    %get3A_468 = tpu.vector_load %arg6[%get3A_467] {strides = array<i32>} : memref<128xi32, #tpu.memory_space<vmem>>, vector<16xi32>,
    %get3A_469 = arith.constant 80 : index
    %get3A_470 = tpu.vector_load %arg7[%get3A_469] {strides = array<i32>} : memref<128xi32, #tpu.memory_space<vmem>>, vector<16xi32>,
    %gather3A_471 = tpu.vector_load_idx %arg8[%get3A_468, %get3A_470] : memref<152x152xf32, #tpu.memory_space<vmem>>[vector<16xi32>, vector<16xi32>], vector<16xf32>,
    %swap3A_472 = arith.constant 3 : i32
    %swap3A_473 = arith.index_cast %swap3A_472 : i32 to index
    %swap3A_474 = arith.constant 80 : index
    %swap3A_475 = tpu.vector_load %arg11[%swap3A_473, %swap3A_474] {strides = array<i32>} : memref<12x128xf32, #tpu.memory_space<vmem>>, vector<16xf32>,
    tpu.vector_store %arg11[%swap3A_473, %swap3A_474], %gather3A_471 {strides = array<i32>} : memref<12x128xf32, #tpu.memory_space<vmem>>, vector<16xf32>,
    %get3A_476 = arith.constant 96 : index
    %get3A_477 = tpu.vector_load %arg6[%get3A_476] {strides = array<i32>} : memref<128xi32, #tpu.memory_space<vmem>>, vector<16xi32>,
    %get3A_478 = arith.constant 96 : index
    %get3A_479 = tpu.vector_load %arg7[%get3A_478] {strides = array<i32>} : memref<128xi32, #tpu.memory_space<vmem>>, vector<16xi32>,
    %gather3A_480 = tpu.vector_load_idx %arg8[%get3A_477, %get3A_479] : memref<152x152xf32, #tpu.memory_space<vmem>>[vector<16xi32>, vector<16xi32>], vector<16xf32>,
    %swap3A_481 = arith.constant 3 : i32
    %swap3A_482 = arith.index_cast %swap3A_481 : i32 to index
    %swap3A_483 = arith.constant 96 : index
    %swap3A_484 = tpu.vector_load %arg11[%swap3A_482, %swap3A_483] {strides = array<i32>} : memref<12x128xf32, #tpu.memory_space<vmem>>, vector<16xf32>,
    tpu.vector_store %arg11[%swap3A_482, %swap3A_483], %gather3A_480 {strides = array<i32>} : memref<12x128xf32, #tpu.memory_space<vmem>>, vector<16xf32>,
    %get3A_485 = arith.constant 112 : index
    %get3A_486 = tpu.vector_load %arg6[%get3A_485] {strides = array<i32>} : memref<128xi32, #tpu.memory_space<vmem>>, vector<16xi32>,
    %get3A_487 = arith.constant 112 : index
    %get3A_488 = tpu.vector_load %arg7[%get3A_487] {strides = array<i32>} : memref<128xi32, #tpu.memory_space<vmem>>, vector<16xi32>,
    %gather3A_489 = tpu.vector_load_idx %arg8[%get3A_486, %get3A_488] : memref<152x152xf32, #tpu.memory_space<vmem>>[vector<16xi32>, vector<16xi32>], vector<16xf32>,
    %swap3A_490 = arith.constant 3 : i32
    %swap3A_491 = arith.index_cast %swap3A_490 : i32 to index
    %swap3A_492 = arith.constant 112 : index
    %swap3A_493 = tpu.vector_load %arg11[%swap3A_491, %swap3A_492] {strides = array<i32>} : memref<12x128xf32, #tpu.memory_space<vmem>>, vector<16xf32>,
    tpu.vector_store %arg11[%swap3A_491, %swap3A_492], %gather3A_489 {strides = array<i32>} : memref<12x128xf32, #tpu.memory_space<vmem>>, vector<16xf32>,
    %mul3A_494 = arith.constant 12 : i32
    %mul3A_495 = arith.muli %and3A_2, %mul3A_494 : i32
    %add3A_496 = arith.constant 6 : i32
    %add3A_497 = arith.addi %mul3A_495, %add3A_496 : i32
    %dma_start3A_498 = arith.constant 0 : i32
    %dma_start3A_499 = arith.constant 0 : i32
    %dma_start3A_500 = tpu.memref_slice %arg2[%shift_right_logical3A_1, %add3A_497, %dma_start3A_498, %dma_start3A_499] : memref<16x24x152x152xf32, #tpu.memory_space<hbm>> -> memref<1x1x152x152xf32, #tpu.memory_space<hbm>>
    %dma_start3A_501 = tpu.memref_squeeze %dma_start3A_500 : memref<1x1x152x152xf32, #tpu.memory_space<hbm>> -> memref<152x152xf32, #tpu.memory_space<hbm>>
    %dma_start3A_502 = arith.constant 0 : i32
    %dma_start3A_503 = arith.constant 0 : i32
    %dma_start3A_504 = tpu.memref_slice %arg2[%shift_right_logical3A_1, %add3A_497, %dma_start3A_502, %dma_start3A_503] : memref<16x24x152x152xf32, #tpu.memory_space<hbm>> -> memref<1x1x152x152xf32, #tpu.memory_space<hbm>>
    %dma_start3A_505 = tpu.memref_squeeze %dma_start3A_504 : memref<1x1x152x152xf32, #tpu.memory_space<hbm>> -> memref<152x152xf32, #tpu.memory_space<hbm>>
    tpu.enqueue_dma source(%dma_start3A_505 : memref<152x152xf32, #tpu.memory_space<hbm>>) target(%arg8 : memref<152x152xf32, #tpu.memory_space<vmem>>) target_semaphore(%arg12 : memref<!tpu.dma_semaphore, #tpu.memory_space<semaphore_mem>>)
    %dma_wait3A_506 = arith.constant 0 : i32
    %dma_wait3A_507 = arith.constant 0 : i32
    %dma_wait3A_508 = tpu.memref_slice %arg2[%shift_right_logical3A_1, %add3A_313, %dma_wait3A_506, %dma_wait3A_507] : memref<16x24x152x152xf32, #tpu.memory_space<hbm>> -> memref<1x1x152x152xf32, #tpu.memory_space<hbm>>
    %dma_wait3A_509 = tpu.memref_squeeze %dma_wait3A_508 : memref<1x1x152x152xf32, #tpu.memory_space<hbm>> -> memref<152x152xf32, #tpu.memory_space<hbm>>
    %dma_wait3A_510 = arith.constant 0 : i32
    %dma_wait3A_511 = arith.constant 0 : i32
    %dma_wait3A_512 = tpu.memref_slice %arg2[%shift_right_logical3A_1, %add3A_313, %dma_wait3A_510, %dma_wait3A_511] : memref<16x24x152x152xf32, #tpu.memory_space<hbm>> -> memref<1x1x152x152xf32, #tpu.memory_space<hbm>>
    %dma_wait3A_513 = tpu.memref_squeeze %dma_wait3A_512 : memref<1x1x152x152xf32, #tpu.memory_space<hbm>> -> memref<152x152xf32, #tpu.memory_space<hbm>>
    tpu.wait_dma2 semaphore(%arg13 : memref<!tpu.dma_semaphore, #tpu.memory_space<semaphore_mem>>) src(%dma_wait3A_513 : memref<152x152xf32, #tpu.memory_space<hbm>>) dst(%arg9 : memref<152x152xf32, #tpu.memory_space<vmem>>)
    %get3A_514 = arith.constant 0 : index
    %get3A_515 = tpu.vector_load %arg6[%get3A_514] {strides = array<i32>} : memref<128xi32, #tpu.memory_space<vmem>>, vector<16xi32>,
    %get3A_516 = arith.constant 0 : index
    %get3A_517 = tpu.vector_load %arg7[%get3A_516] {strides = array<i32>} : memref<128xi32, #tpu.memory_space<vmem>>, vector<16xi32>,
    %gather3A_518 = tpu.vector_load_idx %arg9[%get3A_515, %get3A_517] : memref<152x152xf32, #tpu.memory_space<vmem>>[vector<16xi32>, vector<16xi32>], vector<16xf32>,
    %swap3A_519 = arith.constant 4 : i32
    %swap3A_520 = arith.index_cast %swap3A_519 : i32 to index
    %swap3A_521 = arith.constant 0 : index
    %swap3A_522 = tpu.vector_load %arg11[%swap3A_520, %swap3A_521] {strides = array<i32>} : memref<12x128xf32, #tpu.memory_space<vmem>>, vector<16xf32>,
    tpu.vector_store %arg11[%swap3A_520, %swap3A_521], %gather3A_518 {strides = array<i32>} : memref<12x128xf32, #tpu.memory_space<vmem>>, vector<16xf32>,
    %get3A_523 = arith.constant 16 : index
    %get3A_524 = tpu.vector_load %arg6[%get3A_523] {strides = array<i32>} : memref<128xi32, #tpu.memory_space<vmem>>, vector<16xi32>,
    %get3A_525 = arith.constant 16 : index
    %get3A_526 = tpu.vector_load %arg7[%get3A_525] {strides = array<i32>} : memref<128xi32, #tpu.memory_space<vmem>>, vector<16xi32>,
    %gather3A_527 = tpu.vector_load_idx %arg9[%get3A_524, %get3A_526] : memref<152x152xf32, #tpu.memory_space<vmem>>[vector<16xi32>, vector<16xi32>], vector<16xf32>,
    %swap3A_528 = arith.constant 4 : i32
    %swap3A_529 = arith.index_cast %swap3A_528 : i32 to index
    %swap3A_530 = arith.constant 16 : index
    %swap3A_531 = tpu.vector_load %arg11[%swap3A_529, %swap3A_530] {strides = array<i32>} : memref<12x128xf32, #tpu.memory_space<vmem>>, vector<16xf32>,
    tpu.vector_store %arg11[%swap3A_529, %swap3A_530], %gather3A_527 {strides = array<i32>} : memref<12x128xf32, #tpu.memory_space<vmem>>, vector<16xf32>,
    %get3A_532 = arith.constant 32 : index
    %get3A_533 = tpu.vector_load %arg6[%get3A_532] {strides = array<i32>} : memref<128xi32, #tpu.memory_space<vmem>>, vector<16xi32>,
    %get3A_534 = arith.constant 32 : index
    %get3A_535 = tpu.vector_load %arg7[%get3A_534] {strides = array<i32>} : memref<128xi32, #tpu.memory_space<vmem>>, vector<16xi32>,
    %gather3A_536 = tpu.vector_load_idx %arg9[%get3A_533, %get3A_535] : memref<152x152xf32, #tpu.memory_space<vmem>>[vector<16xi32>, vector<16xi32>], vector<16xf32>,
    %swap3A_537 = arith.constant 4 : i32
    %swap3A_538 = arith.index_cast %swap3A_537 : i32 to index
    %swap3A_539 = arith.constant 32 : index
    %swap3A_540 = tpu.vector_load %arg11[%swap3A_538, %swap3A_539] {strides = array<i32>} : memref<12x128xf32, #tpu.memory_space<vmem>>, vector<16xf32>,
    tpu.vector_store %arg11[%swap3A_538, %swap3A_539], %gather3A_536 {strides = array<i32>} : memref<12x128xf32, #tpu.memory_space<vmem>>, vector<16xf32>,
    %get3A_541 = arith.constant 48 : index
    %get3A_542 = tpu.vector_load %arg6[%get3A_541] {strides = array<i32>} : memref<128xi32, #tpu.memory_space<vmem>>, vector<16xi32>,
    %get3A_543 = arith.constant 48 : index
    %get3A_544 = tpu.vector_load %arg7[%get3A_543] {strides = array<i32>} : memref<128xi32, #tpu.memory_space<vmem>>, vector<16xi32>,
    %gather3A_545 = tpu.vector_load_idx %arg9[%get3A_542, %get3A_544] : memref<152x152xf32, #tpu.memory_space<vmem>>[vector<16xi32>, vector<16xi32>], vector<16xf32>,
    %swap3A_546 = arith.constant 4 : i32
    %swap3A_547 = arith.index_cast %swap3A_546 : i32 to index
    %swap3A_548 = arith.constant 48 : index
    %swap3A_549 = tpu.vector_load %arg11[%swap3A_547, %swap3A_548] {strides = array<i32>} : memref<12x128xf32, #tpu.memory_space<vmem>>, vector<16xf32>,
    tpu.vector_store %arg11[%swap3A_547, %swap3A_548], %gather3A_545 {strides = array<i32>} : memref<12x128xf32, #tpu.memory_space<vmem>>, vector<16xf32>,
    %get3A_550 = arith.constant 64 : index
    %get3A_551 = tpu.vector_load %arg6[%get3A_550] {strides = array<i32>} : memref<128xi32, #tpu.memory_space<vmem>>, vector<16xi32>,
    %get3A_552 = arith.constant 64 : index
    %get3A_553 = tpu.vector_load %arg7[%get3A_552] {strides = array<i32>} : memref<128xi32, #tpu.memory_space<vmem>>, vector<16xi32>,
    %gather3A_554 = tpu.vector_load_idx %arg9[%get3A_551, %get3A_553] : memref<152x152xf32, #tpu.memory_space<vmem>>[vector<16xi32>, vector<16xi32>], vector<16xf32>,
    %swap3A_555 = arith.constant 4 : i32
    %swap3A_556 = arith.index_cast %swap3A_555 : i32 to index
    %swap3A_557 = arith.constant 64 : index
    %swap3A_558 = tpu.vector_load %arg11[%swap3A_556, %swap3A_557] {strides = array<i32>} : memref<12x128xf32, #tpu.memory_space<vmem>>, vector<16xf32>,
    tpu.vector_store %arg11[%swap3A_556, %swap3A_557], %gather3A_554 {strides = array<i32>} : memref<12x128xf32, #tpu.memory_space<vmem>>, vector<16xf32>,
    %get3A_559 = arith.constant 80 : index
    %get3A_560 = tpu.vector_load %arg6[%get3A_559] {strides = array<i32>} : memref<128xi32, #tpu.memory_space<vmem>>, vector<16xi32>,
    %get3A_561 = arith.constant 80 : index
    %get3A_562 = tpu.vector_load %arg7[%get3A_561] {strides = array<i32>} : memref<128xi32, #tpu.memory_space<vmem>>, vector<16xi32>,
    %gather3A_563 = tpu.vector_load_idx %arg9[%get3A_560, %get3A_562] : memref<152x152xf32, #tpu.memory_space<vmem>>[vector<16xi32>, vector<16xi32>], vector<16xf32>,
    %swap3A_564 = arith.constant 4 : i32
    %swap3A_565 = arith.index_cast %swap3A_564 : i32 to index
    %swap3A_566 = arith.constant 80 : index
    %swap3A_567 = tpu.vector_load %arg11[%swap3A_565, %swap3A_566] {strides = array<i32>} : memref<12x128xf32, #tpu.memory_space<vmem>>, vector<16xf32>,
    tpu.vector_store %arg11[%swap3A_565, %swap3A_566], %gather3A_563 {strides = array<i32>} : memref<12x128xf32, #tpu.memory_space<vmem>>, vector<16xf32>,
    %get3A_568 = arith.constant 96 : index
    %get3A_569 = tpu.vector_load %arg6[%get3A_568] {strides = array<i32>} : memref<128xi32, #tpu.memory_space<vmem>>, vector<16xi32>,
    %get3A_570 = arith.constant 96 : index
    %get3A_571 = tpu.vector_load %arg7[%get3A_570] {strides = array<i32>} : memref<128xi32, #tpu.memory_space<vmem>>, vector<16xi32>,
    %gather3A_572 = tpu.vector_load_idx %arg9[%get3A_569, %get3A_571] : memref<152x152xf32, #tpu.memory_space<vmem>>[vector<16xi32>, vector<16xi32>], vector<16xf32>,
    %swap3A_573 = arith.constant 4 : i32
    %swap3A_574 = arith.index_cast %swap3A_573 : i32 to index
    %swap3A_575 = arith.constant 96 : index
    %swap3A_576 = tpu.vector_load %arg11[%swap3A_574, %swap3A_575] {strides = array<i32>} : memref<12x128xf32, #tpu.memory_space<vmem>>, vector<16xf32>,
    tpu.vector_store %arg11[%swap3A_574, %swap3A_575], %gather3A_572 {strides = array<i32>} : memref<12x128xf32, #tpu.memory_space<vmem>>, vector<16xf32>,
    %get3A_577 = arith.constant 112 : index
    %get3A_578 = tpu.vector_load %arg6[%get3A_577] {strides = array<i32>} : memref<128xi32, #tpu.memory_space<vmem>>, vector<16xi32>,
    %get3A_579 = arith.constant 112 : index
    %get3A_580 = tpu.vector_load %arg7[%get3A_579] {strides = array<i32>} : memref<128xi32, #tpu.memory_space<vmem>>, vector<16xi32>,
    %gather3A_581 = tpu.vector_load_idx %arg9[%get3A_578, %get3A_580] : memref<152x152xf32, #tpu.memory_space<vmem>>[vector<16xi32>, vector<16xi32>], vector<16xf32>,
    %swap3A_582 = arith.constant 4 : i32
    %swap3A_583 = arith.index_cast %swap3A_582 : i32 to index
    %swap3A_584 = arith.constant 112 : index
    %swap3A_585 = tpu.vector_load %arg11[%swap3A_583, %swap3A_584] {strides = array<i32>} : memref<12x128xf32, #tpu.memory_space<vmem>>, vector<16xf32>,
    tpu.vector_store %arg11[%swap3A_583, %swap3A_584], %gather3A_581 {strides = array<i32>} : memref<12x128xf32, #tpu.memory_space<vmem>>, vector<16xf32>,
    %mul3A_586 = arith.constant 12 : i32
    %mul3A_587 = arith.muli %and3A_2, %mul3A_586 : i32
    %add3A_588 = arith.constant 7 : i32
    %add3A_589 = arith.addi %mul3A_587, %add3A_588 : i32
    %dma_start3A_590 = arith.constant 0 : i32
    %dma_start3A_591 = arith.constant 0 : i32
    %dma_start3A_592 = tpu.memref_slice %arg2[%shift_right_logical3A_1, %add3A_589, %dma_start3A_590, %dma_start3A_591] : memref<16x24x152x152xf32, #tpu.memory_space<hbm>> -> memref<1x1x152x152xf32, #tpu.memory_space<hbm>>
    %dma_start3A_593 = tpu.memref_squeeze %dma_start3A_592 : memref<1x1x152x152xf32, #tpu.memory_space<hbm>> -> memref<152x152xf32, #tpu.memory_space<hbm>>
    %dma_start3A_594 = arith.constant 0 : i32
    %dma_start3A_595 = arith.constant 0 : i32
    %dma_start3A_596 = tpu.memref_slice %arg2[%shift_right_logical3A_1, %add3A_589, %dma_start3A_594, %dma_start3A_595] : memref<16x24x152x152xf32, #tpu.memory_space<hbm>> -> memref<1x1x152x152xf32, #tpu.memory_space<hbm>>
    %dma_start3A_597 = tpu.memref_squeeze %dma_start3A_596 : memref<1x1x152x152xf32, #tpu.memory_space<hbm>> -> memref<152x152xf32, #tpu.memory_space<hbm>>
    tpu.enqueue_dma source(%dma_start3A_597 : memref<152x152xf32, #tpu.memory_space<hbm>>) target(%arg9 : memref<152x152xf32, #tpu.memory_space<vmem>>) target_semaphore(%arg13 : memref<!tpu.dma_semaphore, #tpu.memory_space<semaphore_mem>>)
    %dma_wait3A_598 = arith.constant 0 : i32
    %dma_wait3A_599 = arith.constant 0 : i32
    %dma_wait3A_600 = tpu.memref_slice %arg2[%shift_right_logical3A_1, %add3A_405, %dma_wait3A_598, %dma_wait3A_599] : memref<16x24x152x152xf32, #tpu.memory_space<hbm>> -> memref<1x1x152x152xf32, #tpu.memory_space<hbm>>
    %dma_wait3A_601 = tpu.memref_squeeze %dma_wait3A_600 : memref<1x1x152x152xf32, #tpu.memory_space<hbm>> -> memref<152x152xf32, #tpu.memory_space<hbm>>
    %dma_wait3A_602 = arith.constant 0 : i32
    %dma_wait3A_603 = arith.constant 0 : i32
    %dma_wait3A_604 = tpu.memref_slice %arg2[%shift_right_logical3A_1, %add3A_405, %dma_wait3A_602, %dma_wait3A_603] : memref<16x24x152x152xf32, #tpu.memory_space<hbm>> -> memref<1x1x152x152xf32, #tpu.memory_space<hbm>>
    %dma_wait3A_605 = tpu.memref_squeeze %dma_wait3A_604 : memref<1x1x152x152xf32, #tpu.memory_space<hbm>> -> memref<152x152xf32, #tpu.memory_space<hbm>>
    tpu.wait_dma2 semaphore(%arg14 : memref<!tpu.dma_semaphore, #tpu.memory_space<semaphore_mem>>) src(%dma_wait3A_605 : memref<152x152xf32, #tpu.memory_space<hbm>>) dst(%arg10 : memref<152x152xf32, #tpu.memory_space<vmem>>)
    %get3A_606 = arith.constant 0 : index
    %get3A_607 = tpu.vector_load %arg6[%get3A_606] {strides = array<i32>} : memref<128xi32, #tpu.memory_space<vmem>>, vector<16xi32>,
    %get3A_608 = arith.constant 0 : index
    %get3A_609 = tpu.vector_load %arg7[%get3A_608] {strides = array<i32>} : memref<128xi32, #tpu.memory_space<vmem>>, vector<16xi32>,
    %gather3A_610 = tpu.vector_load_idx %arg10[%get3A_607, %get3A_609] : memref<152x152xf32, #tpu.memory_space<vmem>>[vector<16xi32>, vector<16xi32>], vector<16xf32>,
    %swap3A_611 = arith.constant 5 : i32
    %swap3A_612 = arith.index_cast %swap3A_611 : i32 to index
    %swap3A_613 = arith.constant 0 : index
    %swap3A_614 = tpu.vector_load %arg11[%swap3A_612, %swap3A_613] {strides = array<i32>} : memref<12x128xf32, #tpu.memory_space<vmem>>, vector<16xf32>,
    tpu.vector_store %arg11[%swap3A_612, %swap3A_613], %gather3A_610 {strides = array<i32>} : memref<12x128xf32, #tpu.memory_space<vmem>>, vector<16xf32>,
    %get3A_615 = arith.constant 16 : index
    %get3A_616 = tpu.vector_load %arg6[%get3A_615] {strides = array<i32>} : memref<128xi32, #tpu.memory_space<vmem>>, vector<16xi32>,
    %get3A_617 = arith.constant 16 : index
    %get3A_618 = tpu.vector_load %arg7[%get3A_617] {strides = array<i32>} : memref<128xi32, #tpu.memory_space<vmem>>, vector<16xi32>,
    %gather3A_619 = tpu.vector_load_idx %arg10[%get3A_616, %get3A_618] : memref<152x152xf32, #tpu.memory_space<vmem>>[vector<16xi32>, vector<16xi32>], vector<16xf32>,
    %swap3A_620 = arith.constant 5 : i32
    %swap3A_621 = arith.index_cast %swap3A_620 : i32 to index
    %swap3A_622 = arith.constant 16 : index
    %swap3A_623 = tpu.vector_load %arg11[%swap3A_621, %swap3A_622] {strides = array<i32>} : memref<12x128xf32, #tpu.memory_space<vmem>>, vector<16xf32>,
    tpu.vector_store %arg11[%swap3A_621, %swap3A_622], %gather3A_619 {strides = array<i32>} : memref<12x128xf32, #tpu.memory_space<vmem>>, vector<16xf32>,
    %get3A_624 = arith.constant 32 : index
    %get3A_625 = tpu.vector_load %arg6[%get3A_624] {strides = array<i32>} : memref<128xi32, #tpu.memory_space<vmem>>, vector<16xi32>,
    %get3A_626 = arith.constant 32 : index
    %get3A_627 = tpu.vector_load %arg7[%get3A_626] {strides = array<i32>} : memref<128xi32, #tpu.memory_space<vmem>>, vector<16xi32>,
    %gather3A_628 = tpu.vector_load_idx %arg10[%get3A_625, %get3A_627] : memref<152x152xf32, #tpu.memory_space<vmem>>[vector<16xi32>, vector<16xi32>], vector<16xf32>,
    %swap3A_629 = arith.constant 5 : i32
    %swap3A_630 = arith.index_cast %swap3A_629 : i32 to index
    %swap3A_631 = arith.constant 32 : index
    %swap3A_632 = tpu.vector_load %arg11[%swap3A_630, %swap3A_631] {strides = array<i32>} : memref<12x128xf32, #tpu.memory_space<vmem>>, vector<16xf32>,
    tpu.vector_store %arg11[%swap3A_630, %swap3A_631], %gather3A_628 {strides = array<i32>} : memref<12x128xf32, #tpu.memory_space<vmem>>, vector<16xf32>,
    %get3A_633 = arith.constant 48 : index
    %get3A_634 = tpu.vector_load %arg6[%get3A_633] {strides = array<i32>} : memref<128xi32, #tpu.memory_space<vmem>>, vector<16xi32>,
    %get3A_635 = arith.constant 48 : index
    %get3A_636 = tpu.vector_load %arg7[%get3A_635] {strides = array<i32>} : memref<128xi32, #tpu.memory_space<vmem>>, vector<16xi32>,
    %gather3A_637 = tpu.vector_load_idx %arg10[%get3A_634, %get3A_636] : memref<152x152xf32, #tpu.memory_space<vmem>>[vector<16xi32>, vector<16xi32>], vector<16xf32>,
    %swap3A_638 = arith.constant 5 : i32
    %swap3A_639 = arith.index_cast %swap3A_638 : i32 to index
    %swap3A_640 = arith.constant 48 : index
    %swap3A_641 = tpu.vector_load %arg11[%swap3A_639, %swap3A_640] {strides = array<i32>} : memref<12x128xf32, #tpu.memory_space<vmem>>, vector<16xf32>,
    tpu.vector_store %arg11[%swap3A_639, %swap3A_640], %gather3A_637 {strides = array<i32>} : memref<12x128xf32, #tpu.memory_space<vmem>>, vector<16xf32>,
    %get3A_642 = arith.constant 64 : index
    %get3A_643 = tpu.vector_load %arg6[%get3A_642] {strides = array<i32>} : memref<128xi32, #tpu.memory_space<vmem>>, vector<16xi32>,
    %get3A_644 = arith.constant 64 : index
    %get3A_645 = tpu.vector_load %arg7[%get3A_644] {strides = array<i32>} : memref<128xi32, #tpu.memory_space<vmem>>, vector<16xi32>,
    %gather3A_646 = tpu.vector_load_idx %arg10[%get3A_643, %get3A_645] : memref<152x152xf32, #tpu.memory_space<vmem>>[vector<16xi32>, vector<16xi32>], vector<16xf32>,
    %swap3A_647 = arith.constant 5 : i32
    %swap3A_648 = arith.index_cast %swap3A_647 : i32 to index
    %swap3A_649 = arith.constant 64 : index
    %swap3A_650 = tpu.vector_load %arg11[%swap3A_648, %swap3A_649] {strides = array<i32>} : memref<12x128xf32, #tpu.memory_space<vmem>>, vector<16xf32>,
    tpu.vector_store %arg11[%swap3A_648, %swap3A_649], %gather3A_646 {strides = array<i32>} : memref<12x128xf32, #tpu.memory_space<vmem>>, vector<16xf32>,
    %get3A_651 = arith.constant 80 : index
    %get3A_652 = tpu.vector_load %arg6[%get3A_651] {strides = array<i32>} : memref<128xi32, #tpu.memory_space<vmem>>, vector<16xi32>,
    %get3A_653 = arith.constant 80 : index
    %get3A_654 = tpu.vector_load %arg7[%get3A_653] {strides = array<i32>} : memref<128xi32, #tpu.memory_space<vmem>>, vector<16xi32>,
    %gather3A_655 = tpu.vector_load_idx %arg10[%get3A_652, %get3A_654] : memref<152x152xf32, #tpu.memory_space<vmem>>[vector<16xi32>, vector<16xi32>], vector<16xf32>,
    %swap3A_656 = arith.constant 5 : i32
    %swap3A_657 = arith.index_cast %swap3A_656 : i32 to index
    %swap3A_658 = arith.constant 80 : index
    %swap3A_659 = tpu.vector_load %arg11[%swap3A_657, %swap3A_658] {strides = array<i32>} : memref<12x128xf32, #tpu.memory_space<vmem>>, vector<16xf32>,
    tpu.vector_store %arg11[%swap3A_657, %swap3A_658], %gather3A_655 {strides = array<i32>} : memref<12x128xf32, #tpu.memory_space<vmem>>, vector<16xf32>,
    %get3A_660 = arith.constant 96 : index
    %get3A_661 = tpu.vector_load %arg6[%get3A_660] {strides = array<i32>} : memref<128xi32, #tpu.memory_space<vmem>>, vector<16xi32>,
    %get3A_662 = arith.constant 96 : index
    %get3A_663 = tpu.vector_load %arg7[%get3A_662] {strides = array<i32>} : memref<128xi32, #tpu.memory_space<vmem>>, vector<16xi32>,
    %gather3A_664 = tpu.vector_load_idx %arg10[%get3A_661, %get3A_663] : memref<152x152xf32, #tpu.memory_space<vmem>>[vector<16xi32>, vector<16xi32>], vector<16xf32>,
    %swap3A_665 = arith.constant 5 : i32
    %swap3A_666 = arith.index_cast %swap3A_665 : i32 to index
    %swap3A_667 = arith.constant 96 : index
    %swap3A_668 = tpu.vector_load %arg11[%swap3A_666, %swap3A_667] {strides = array<i32>} : memref<12x128xf32, #tpu.memory_space<vmem>>, vector<16xf32>,
    tpu.vector_store %arg11[%swap3A_666, %swap3A_667], %gather3A_664 {strides = array<i32>} : memref<12x128xf32, #tpu.memory_space<vmem>>, vector<16xf32>,
    %get3A_669 = arith.constant 112 : index
    %get3A_670 = tpu.vector_load %arg6[%get3A_669] {strides = array<i32>} : memref<128xi32, #tpu.memory_space<vmem>>, vector<16xi32>,
    %get3A_671 = arith.constant 112 : index
    %get3A_672 = tpu.vector_load %arg7[%get3A_671] {strides = array<i32>} : memref<128xi32, #tpu.memory_space<vmem>>, vector<16xi32>,
    %gather3A_673 = tpu.vector_load_idx %arg10[%get3A_670, %get3A_672] : memref<152x152xf32, #tpu.memory_space<vmem>>[vector<16xi32>, vector<16xi32>], vector<16xf32>,
    %swap3A_674 = arith.constant 5 : i32
    %swap3A_675 = arith.index_cast %swap3A_674 : i32 to index
    %swap3A_676 = arith.constant 112 : index
    %swap3A_677 = tpu.vector_load %arg11[%swap3A_675, %swap3A_676] {strides = array<i32>} : memref<12x128xf32, #tpu.memory_space<vmem>>, vector<16xf32>,
    tpu.vector_store %arg11[%swap3A_675, %swap3A_676], %gather3A_673 {strides = array<i32>} : memref<12x128xf32, #tpu.memory_space<vmem>>, vector<16xf32>,
    %mul3A_678 = arith.constant 12 : i32
    %mul3A_679 = arith.muli %and3A_2, %mul3A_678 : i32
    %add3A_680 = arith.constant 8 : i32
    %add3A_681 = arith.addi %mul3A_679, %add3A_680 : i32
    %dma_start3A_682 = arith.constant 0 : i32
    %dma_start3A_683 = arith.constant 0 : i32
    %dma_start3A_684 = tpu.memref_slice %arg2[%shift_right_logical3A_1, %add3A_681, %dma_start3A_682, %dma_start3A_683] : memref<16x24x152x152xf32, #tpu.memory_space<hbm>> -> memref<1x1x152x152xf32, #tpu.memory_space<hbm>>
    %dma_start3A_685 = tpu.memref_squeeze %dma_start3A_684 : memref<1x1x152x152xf32, #tpu.memory_space<hbm>> -> memref<152x152xf32, #tpu.memory_space<hbm>>
    %dma_start3A_686 = arith.constant 0 : i32
    %dma_start3A_687 = arith.constant 0 : i32
    %dma_start3A_688 = tpu.memref_slice %arg2[%shift_right_logical3A_1, %add3A_681, %dma_start3A_686, %dma_start3A_687] : memref<16x24x152x152xf32, #tpu.memory_space<hbm>> -> memref<1x1x152x152xf32, #tpu.memory_space<hbm>>
    %dma_start3A_689 = tpu.memref_squeeze %dma_start3A_688 : memref<1x1x152x152xf32, #tpu.memory_space<hbm>> -> memref<152x152xf32, #tpu.memory_space<hbm>>
    tpu.enqueue_dma source(%dma_start3A_689 : memref<152x152xf32, #tpu.memory_space<hbm>>) target(%arg10 : memref<152x152xf32, #tpu.memory_space<vmem>>) target_semaphore(%arg14 : memref<!tpu.dma_semaphore, #tpu.memory_space<semaphore_mem>>)
    %dma_wait3A_690 = arith.constant 0 : i32
    %dma_wait3A_691 = arith.constant 0 : i32
    %dma_wait3A_692 = tpu.memref_slice %arg2[%shift_right_logical3A_1, %add3A_497, %dma_wait3A_690, %dma_wait3A_691] : memref<16x24x152x152xf32, #tpu.memory_space<hbm>> -> memref<1x1x152x152xf32, #tpu.memory_space<hbm>>
    %dma_wait3A_693 = tpu.memref_squeeze %dma_wait3A_692 : memref<1x1x152x152xf32, #tpu.memory_space<hbm>> -> memref<152x152xf32, #tpu.memory_space<hbm>>
    %dma_wait3A_694 = arith.constant 0 : i32
    %dma_wait3A_695 = arith.constant 0 : i32
    %dma_wait3A_696 = tpu.memref_slice %arg2[%shift_right_logical3A_1, %add3A_497, %dma_wait3A_694, %dma_wait3A_695] : memref<16x24x152x152xf32, #tpu.memory_space<hbm>> -> memref<1x1x152x152xf32, #tpu.memory_space<hbm>>
    %dma_wait3A_697 = tpu.memref_squeeze %dma_wait3A_696 : memref<1x1x152x152xf32, #tpu.memory_space<hbm>> -> memref<152x152xf32, #tpu.memory_space<hbm>>
    tpu.wait_dma2 semaphore(%arg12 : memref<!tpu.dma_semaphore, #tpu.memory_space<semaphore_mem>>) src(%dma_wait3A_697 : memref<152x152xf32, #tpu.memory_space<hbm>>) dst(%arg8 : memref<152x152xf32, #tpu.memory_space<vmem>>)
    %get3A_698 = arith.constant 0 : index
    %get3A_699 = tpu.vector_load %arg6[%get3A_698] {strides = array<i32>} : memref<128xi32, #tpu.memory_space<vmem>>, vector<16xi32>,
    %get3A_700 = arith.constant 0 : index
    %get3A_701 = tpu.vector_load %arg7[%get3A_700] {strides = array<i32>} : memref<128xi32, #tpu.memory_space<vmem>>, vector<16xi32>,
    %gather3A_702 = tpu.vector_load_idx %arg8[%get3A_699, %get3A_701] : memref<152x152xf32, #tpu.memory_space<vmem>>[vector<16xi32>, vector<16xi32>], vector<16xf32>,
    %swap3A_703 = arith.constant 6 : i32
    %swap3A_704 = arith.index_cast %swap3A_703 : i32 to index
    %swap3A_705 = arith.constant 0 : index
    %swap3A_706 = tpu.vector_load %arg11[%swap3A_704, %swap3A_705] {strides = array<i32>} : memref<12x128xf32, #tpu.memory_space<vmem>>, vector<16xf32>,
    tpu.vector_store %arg11[%swap3A_704, %swap3A_705], %gather3A_702 {strides = array<i32>} : memref<12x128xf32, #tpu.memory_space<vmem>>, vector<16xf32>,
    %get3A_707 = arith.constant 16 : index
    %get3A_708 = tpu.vector_load %arg6[%get3A_707] {strides = array<i32>} : memref<128xi32, #tpu.memory_space<vmem>>, vector<16xi32>,
    %get3A_709 = arith.constant 16 : index
    %get3A_710 = tpu.vector_load %arg7[%get3A_709] {strides = array<i32>} : memref<128xi32, #tpu.memory_space<vmem>>, vector<16xi32>,
    %gather3A_711 = tpu.vector_load_idx %arg8[%get3A_708, %get3A_710] : memref<152x152xf32, #tpu.memory_space<vmem>>[vector<16xi32>, vector<16xi32>], vector<16xf32>,
    %swap3A_712 = arith.constant 6 : i32
    %swap3A_713 = arith.index_cast %swap3A_712 : i32 to index
    %swap3A_714 = arith.constant 16 : index
    %swap3A_715 = tpu.vector_load %arg11[%swap3A_713, %swap3A_714] {strides = array<i32>} : memref<12x128xf32, #tpu.memory_space<vmem>>, vector<16xf32>,
    tpu.vector_store %arg11[%swap3A_713, %swap3A_714], %gather3A_711 {strides = array<i32>} : memref<12x128xf32, #tpu.memory_space<vmem>>, vector<16xf32>,
    %get3A_716 = arith.constant 32 : index
    %get3A_717 = tpu.vector_load %arg6[%get3A_716] {strides = array<i32>} : memref<128xi32, #tpu.memory_space<vmem>>, vector<16xi32>,
    %get3A_718 = arith.constant 32 : index
    %get3A_719 = tpu.vector_load %arg7[%get3A_718] {strides = array<i32>} : memref<128xi32, #tpu.memory_space<vmem>>, vector<16xi32>,
    %gather3A_720 = tpu.vector_load_idx %arg8[%get3A_717, %get3A_719] : memref<152x152xf32, #tpu.memory_space<vmem>>[vector<16xi32>, vector<16xi32>], vector<16xf32>,
    %swap3A_721 = arith.constant 6 : i32
    %swap3A_722 = arith.index_cast %swap3A_721 : i32 to index
    %swap3A_723 = arith.constant 32 : index
    %swap3A_724 = tpu.vector_load %arg11[%swap3A_722, %swap3A_723] {strides = array<i32>} : memref<12x128xf32, #tpu.memory_space<vmem>>, vector<16xf32>,
    tpu.vector_store %arg11[%swap3A_722, %swap3A_723], %gather3A_720 {strides = array<i32>} : memref<12x128xf32, #tpu.memory_space<vmem>>, vector<16xf32>,
    %get3A_725 = arith.constant 48 : index
    %get3A_726 = tpu.vector_load %arg6[%get3A_725] {strides = array<i32>} : memref<128xi32, #tpu.memory_space<vmem>>, vector<16xi32>,
    %get3A_727 = arith.constant 48 : index
    %get3A_728 = tpu.vector_load %arg7[%get3A_727] {strides = array<i32>} : memref<128xi32, #tpu.memory_space<vmem>>, vector<16xi32>,
    %gather3A_729 = tpu.vector_load_idx %arg8[%get3A_726, %get3A_728] : memref<152x152xf32, #tpu.memory_space<vmem>>[vector<16xi32>, vector<16xi32>], vector<16xf32>,
    %swap3A_730 = arith.constant 6 : i32
    %swap3A_731 = arith.index_cast %swap3A_730 : i32 to index
    %swap3A_732 = arith.constant 48 : index
    %swap3A_733 = tpu.vector_load %arg11[%swap3A_731, %swap3A_732] {strides = array<i32>} : memref<12x128xf32, #tpu.memory_space<vmem>>, vector<16xf32>,
    tpu.vector_store %arg11[%swap3A_731, %swap3A_732], %gather3A_729 {strides = array<i32>} : memref<12x128xf32, #tpu.memory_space<vmem>>, vector<16xf32>,
    %get3A_734 = arith.constant 64 : index
    %get3A_735 = tpu.vector_load %arg6[%get3A_734] {strides = array<i32>} : memref<128xi32, #tpu.memory_space<vmem>>, vector<16xi32>,
    %get3A_736 = arith.constant 64 : index
    %get3A_737 = tpu.vector_load %arg7[%get3A_736] {strides = array<i32>} : memref<128xi32, #tpu.memory_space<vmem>>, vector<16xi32>,
    %gather3A_738 = tpu.vector_load_idx %arg8[%get3A_735, %get3A_737] : memref<152x152xf32, #tpu.memory_space<vmem>>[vector<16xi32>, vector<16xi32>], vector<16xf32>,
    %swap3A_739 = arith.constant 6 : i32
    %swap3A_740 = arith.index_cast %swap3A_739 : i32 to index
    %swap3A_741 = arith.constant 64 : index
    %swap3A_742 = tpu.vector_load %arg11[%swap3A_740, %swap3A_741] {strides = array<i32>} : memref<12x128xf32, #tpu.memory_space<vmem>>, vector<16xf32>,
    tpu.vector_store %arg11[%swap3A_740, %swap3A_741], %gather3A_738 {strides = array<i32>} : memref<12x128xf32, #tpu.memory_space<vmem>>, vector<16xf32>,
    %get3A_743 = arith.constant 80 : index
    %get3A_744 = tpu.vector_load %arg6[%get3A_743] {strides = array<i32>} : memref<128xi32, #tpu.memory_space<vmem>>, vector<16xi32>,
    %get3A_745 = arith.constant 80 : index
    %get3A_746 = tpu.vector_load %arg7[%get3A_745] {strides = array<i32>} : memref<128xi32, #tpu.memory_space<vmem>>, vector<16xi32>,
    %gather3A_747 = tpu.vector_load_idx %arg8[%get3A_744, %get3A_746] : memref<152x152xf32, #tpu.memory_space<vmem>>[vector<16xi32>, vector<16xi32>], vector<16xf32>,
    %swap3A_748 = arith.constant 6 : i32
    %swap3A_749 = arith.index_cast %swap3A_748 : i32 to index
    %swap3A_750 = arith.constant 80 : index
    %swap3A_751 = tpu.vector_load %arg11[%swap3A_749, %swap3A_750] {strides = array<i32>} : memref<12x128xf32, #tpu.memory_space<vmem>>, vector<16xf32>,
    tpu.vector_store %arg11[%swap3A_749, %swap3A_750], %gather3A_747 {strides = array<i32>} : memref<12x128xf32, #tpu.memory_space<vmem>>, vector<16xf32>,
    %get3A_752 = arith.constant 96 : index
    %get3A_753 = tpu.vector_load %arg6[%get3A_752] {strides = array<i32>} : memref<128xi32, #tpu.memory_space<vmem>>, vector<16xi32>,
    %get3A_754 = arith.constant 96 : index
    %get3A_755 = tpu.vector_load %arg7[%get3A_754] {strides = array<i32>} : memref<128xi32, #tpu.memory_space<vmem>>, vector<16xi32>,
    %gather3A_756 = tpu.vector_load_idx %arg8[%get3A_753, %get3A_755] : memref<152x152xf32, #tpu.memory_space<vmem>>[vector<16xi32>, vector<16xi32>], vector<16xf32>,
    %swap3A_757 = arith.constant 6 : i32
    %swap3A_758 = arith.index_cast %swap3A_757 : i32 to index
    %swap3A_759 = arith.constant 96 : index
    %swap3A_760 = tpu.vector_load %arg11[%swap3A_758, %swap3A_759] {strides = array<i32>} : memref<12x128xf32, #tpu.memory_space<vmem>>, vector<16xf32>,
    tpu.vector_store %arg11[%swap3A_758, %swap3A_759], %gather3A_756 {strides = array<i32>} : memref<12x128xf32, #tpu.memory_space<vmem>>, vector<16xf32>,
    %get3A_761 = arith.constant 112 : index
    %get3A_762 = tpu.vector_load %arg6[%get3A_761] {strides = array<i32>} : memref<128xi32, #tpu.memory_space<vmem>>, vector<16xi32>,
    %get3A_763 = arith.constant 112 : index
    %get3A_764 = tpu.vector_load %arg7[%get3A_763] {strides = array<i32>} : memref<128xi32, #tpu.memory_space<vmem>>, vector<16xi32>,
    %gather3A_765 = tpu.vector_load_idx %arg8[%get3A_762, %get3A_764] : memref<152x152xf32, #tpu.memory_space<vmem>>[vector<16xi32>, vector<16xi32>], vector<16xf32>,
    %swap3A_766 = arith.constant 6 : i32
    %swap3A_767 = arith.index_cast %swap3A_766 : i32 to index
    %swap3A_768 = arith.constant 112 : index
    %swap3A_769 = tpu.vector_load %arg11[%swap3A_767, %swap3A_768] {strides = array<i32>} : memref<12x128xf32, #tpu.memory_space<vmem>>, vector<16xf32>,
    tpu.vector_store %arg11[%swap3A_767, %swap3A_768], %gather3A_765 {strides = array<i32>} : memref<12x128xf32, #tpu.memory_space<vmem>>, vector<16xf32>,
    %mul3A_770 = arith.constant 12 : i32
    %mul3A_771 = arith.muli %and3A_2, %mul3A_770 : i32
    %add3A_772 = arith.constant 9 : i32
    %add3A_773 = arith.addi %mul3A_771, %add3A_772 : i32
    %dma_start3A_774 = arith.constant 0 : i32
    %dma_start3A_775 = arith.constant 0 : i32
    %dma_start3A_776 = tpu.memref_slice %arg2[%shift_right_logical3A_1, %add3A_773, %dma_start3A_774, %dma_start3A_775] : memref<16x24x152x152xf32, #tpu.memory_space<hbm>> -> memref<1x1x152x152xf32, #tpu.memory_space<hbm>>
    %dma_start3A_777 = tpu.memref_squeeze %dma_start3A_776 : memref<1x1x152x152xf32, #tpu.memory_space<hbm>> -> memref<152x152xf32, #tpu.memory_space<hbm>>
    %dma_start3A_778 = arith.constant 0 : i32
    %dma_start3A_779 = arith.constant 0 : i32
    %dma_start3A_780 = tpu.memref_slice %arg2[%shift_right_logical3A_1, %add3A_773, %dma_start3A_778, %dma_start3A_779] : memref<16x24x152x152xf32, #tpu.memory_space<hbm>> -> memref<1x1x152x152xf32, #tpu.memory_space<hbm>>
    %dma_start3A_781 = tpu.memref_squeeze %dma_start3A_780 : memref<1x1x152x152xf32, #tpu.memory_space<hbm>> -> memref<152x152xf32, #tpu.memory_space<hbm>>
    tpu.enqueue_dma source(%dma_start3A_781 : memref<152x152xf32, #tpu.memory_space<hbm>>) target(%arg8 : memref<152x152xf32, #tpu.memory_space<vmem>>) target_semaphore(%arg12 : memref<!tpu.dma_semaphore, #tpu.memory_space<semaphore_mem>>)
    %dma_wait3A_782 = arith.constant 0 : i32
    %dma_wait3A_783 = arith.constant 0 : i32
    %dma_wait3A_784 = tpu.memref_slice %arg2[%shift_right_logical3A_1, %add3A_589, %dma_wait3A_782, %dma_wait3A_783] : memref<16x24x152x152xf32, #tpu.memory_space<hbm>> -> memref<1x1x152x152xf32, #tpu.memory_space<hbm>>
    %dma_wait3A_785 = tpu.memref_squeeze %dma_wait3A_784 : memref<1x1x152x152xf32, #tpu.memory_space<hbm>> -> memref<152x152xf32, #tpu.memory_space<hbm>>
    %dma_wait3A_786 = arith.constant 0 : i32
    %dma_wait3A_787 = arith.constant 0 : i32
    %dma_wait3A_788 = tpu.memref_slice %arg2[%shift_right_logical3A_1, %add3A_589, %dma_wait3A_786, %dma_wait3A_787] : memref<16x24x152x152xf32, #tpu.memory_space<hbm>> -> memref<1x1x152x152xf32, #tpu.memory_space<hbm>>
    %dma_wait3A_789 = tpu.memref_squeeze %dma_wait3A_788 : memref<1x1x152x152xf32, #tpu.memory_space<hbm>> -> memref<152x152xf32, #tpu.memory_space<hbm>>
    tpu.wait_dma2 semaphore(%arg13 : memref<!tpu.dma_semaphore, #tpu.memory_space<semaphore_mem>>) src(%dma_wait3A_789 : memref<152x152xf32, #tpu.memory_space<hbm>>) dst(%arg9 : memref<152x152xf32, #tpu.memory_space<vmem>>)
    %get3A_790 = arith.constant 0 : index
    %get3A_791 = tpu.vector_load %arg6[%get3A_790] {strides = array<i32>} : memref<128xi32, #tpu.memory_space<vmem>>, vector<16xi32>,
    %get3A_792 = arith.constant 0 : index
    %get3A_793 = tpu.vector_load %arg7[%get3A_792] {strides = array<i32>} : memref<128xi32, #tpu.memory_space<vmem>>, vector<16xi32>,
    %gather3A_794 = tpu.vector_load_idx %arg9[%get3A_791, %get3A_793] : memref<152x152xf32, #tpu.memory_space<vmem>>[vector<16xi32>, vector<16xi32>], vector<16xf32>,
    %swap3A_795 = arith.constant 7 : i32
    %swap3A_796 = arith.index_cast %swap3A_795 : i32 to index
    %swap3A_797 = arith.constant 0 : index
    %swap3A_798 = tpu.vector_load %arg11[%swap3A_796, %swap3A_797] {strides = array<i32>} : memref<12x128xf32, #tpu.memory_space<vmem>>, vector<16xf32>,
    tpu.vector_store %arg11[%swap3A_796, %swap3A_797], %gather3A_794 {strides = array<i32>} : memref<12x128xf32, #tpu.memory_space<vmem>>, vector<16xf32>,
    %get3A_799 = arith.constant 16 : index
    %get3A_800 = tpu.vector_load %arg6[%get3A_799] {strides = array<i32>} : memref<128xi32, #tpu.memory_space<vmem>>, vector<16xi32>,
    %get3A_801 = arith.constant 16 : index
    %get3A_802 = tpu.vector_load %arg7[%get3A_801] {strides = array<i32>} : memref<128xi32, #tpu.memory_space<vmem>>, vector<16xi32>,
    %gather3A_803 = tpu.vector_load_idx %arg9[%get3A_800, %get3A_802] : memref<152x152xf32, #tpu.memory_space<vmem>>[vector<16xi32>, vector<16xi32>], vector<16xf32>,
    %swap3A_804 = arith.constant 7 : i32
    %swap3A_805 = arith.index_cast %swap3A_804 : i32 to index
    %swap3A_806 = arith.constant 16 : index
    %swap3A_807 = tpu.vector_load %arg11[%swap3A_805, %swap3A_806] {strides = array<i32>} : memref<12x128xf32, #tpu.memory_space<vmem>>, vector<16xf32>,
    tpu.vector_store %arg11[%swap3A_805, %swap3A_806], %gather3A_803 {strides = array<i32>} : memref<12x128xf32, #tpu.memory_space<vmem>>, vector<16xf32>,
    %get3A_808 = arith.constant 32 : index
    %get3A_809 = tpu.vector_load %arg6[%get3A_808] {strides = array<i32>} : memref<128xi32, #tpu.memory_space<vmem>>, vector<16xi32>,
    %get3A_810 = arith.constant 32 : index
    %get3A_811 = tpu.vector_load %arg7[%get3A_810] {strides = array<i32>} : memref<128xi32, #tpu.memory_space<vmem>>, vector<16xi32>,
    %gather3A_812 = tpu.vector_load_idx %arg9[%get3A_809, %get3A_811] : memref<152x152xf32, #tpu.memory_space<vmem>>[vector<16xi32>, vector<16xi32>], vector<16xf32>,
    %swap3A_813 = arith.constant 7 : i32
    %swap3A_814 = arith.index_cast %swap3A_813 : i32 to index
    %swap3A_815 = arith.constant 32 : index
    %swap3A_816 = tpu.vector_load %arg11[%swap3A_814, %swap3A_815] {strides = array<i32>} : memref<12x128xf32, #tpu.memory_space<vmem>>, vector<16xf32>,
    tpu.vector_store %arg11[%swap3A_814, %swap3A_815], %gather3A_812 {strides = array<i32>} : memref<12x128xf32, #tpu.memory_space<vmem>>, vector<16xf32>,
    %get3A_817 = arith.constant 48 : index
    %get3A_818 = tpu.vector_load %arg6[%get3A_817] {strides = array<i32>} : memref<128xi32, #tpu.memory_space<vmem>>, vector<16xi32>,
    %get3A_819 = arith.constant 48 : index
    %get3A_820 = tpu.vector_load %arg7[%get3A_819] {strides = array<i32>} : memref<128xi32, #tpu.memory_space<vmem>>, vector<16xi32>,
    %gather3A_821 = tpu.vector_load_idx %arg9[%get3A_818, %get3A_820] : memref<152x152xf32, #tpu.memory_space<vmem>>[vector<16xi32>, vector<16xi32>], vector<16xf32>,
    %swap3A_822 = arith.constant 7 : i32
    %swap3A_823 = arith.index_cast %swap3A_822 : i32 to index
    %swap3A_824 = arith.constant 48 : index
    %swap3A_825 = tpu.vector_load %arg11[%swap3A_823, %swap3A_824] {strides = array<i32>} : memref<12x128xf32, #tpu.memory_space<vmem>>, vector<16xf32>,
    tpu.vector_store %arg11[%swap3A_823, %swap3A_824], %gather3A_821 {strides = array<i32>} : memref<12x128xf32, #tpu.memory_space<vmem>>, vector<16xf32>,
    %get3A_826 = arith.constant 64 : index
    %get3A_827 = tpu.vector_load %arg6[%get3A_826] {strides = array<i32>} : memref<128xi32, #tpu.memory_space<vmem>>, vector<16xi32>,
    %get3A_828 = arith.constant 64 : index
    %get3A_829 = tpu.vector_load %arg7[%get3A_828] {strides = array<i32>} : memref<128xi32, #tpu.memory_space<vmem>>, vector<16xi32>,
    %gather3A_830 = tpu.vector_load_idx %arg9[%get3A_827, %get3A_829] : memref<152x152xf32, #tpu.memory_space<vmem>>[vector<16xi32>, vector<16xi32>], vector<16xf32>,
    %swap3A_831 = arith.constant 7 : i32
    %swap3A_832 = arith.index_cast %swap3A_831 : i32 to index
    %swap3A_833 = arith.constant 64 : index
    %swap3A_834 = tpu.vector_load %arg11[%swap3A_832, %swap3A_833] {strides = array<i32>} : memref<12x128xf32, #tpu.memory_space<vmem>>, vector<16xf32>,
    tpu.vector_store %arg11[%swap3A_832, %swap3A_833], %gather3A_830 {strides = array<i32>} : memref<12x128xf32, #tpu.memory_space<vmem>>, vector<16xf32>,
    %get3A_835 = arith.constant 80 : index
    %get3A_836 = tpu.vector_load %arg6[%get3A_835] {strides = array<i32>} : memref<128xi32, #tpu.memory_space<vmem>>, vector<16xi32>,
    %get3A_837 = arith.constant 80 : index
    %get3A_838 = tpu.vector_load %arg7[%get3A_837] {strides = array<i32>} : memref<128xi32, #tpu.memory_space<vmem>>, vector<16xi32>,
    %gather3A_839 = tpu.vector_load_idx %arg9[%get3A_836, %get3A_838] : memref<152x152xf32, #tpu.memory_space<vmem>>[vector<16xi32>, vector<16xi32>], vector<16xf32>,
    %swap3A_840 = arith.constant 7 : i32
    %swap3A_841 = arith.index_cast %swap3A_840 : i32 to index
    %swap3A_842 = arith.constant 80 : index
    %swap3A_843 = tpu.vector_load %arg11[%swap3A_841, %swap3A_842] {strides = array<i32>} : memref<12x128xf32, #tpu.memory_space<vmem>>, vector<16xf32>,
    tpu.vector_store %arg11[%swap3A_841, %swap3A_842], %gather3A_839 {strides = array<i32>} : memref<12x128xf32, #tpu.memory_space<vmem>>, vector<16xf32>,
    %get3A_844 = arith.constant 96 : index
    %get3A_845 = tpu.vector_load %arg6[%get3A_844] {strides = array<i32>} : memref<128xi32, #tpu.memory_space<vmem>>, vector<16xi32>,
    %get3A_846 = arith.constant 96 : index
    %get3A_847 = tpu.vector_load %arg7[%get3A_846] {strides = array<i32>} : memref<128xi32, #tpu.memory_space<vmem>>, vector<16xi32>,
    %gather3A_848 = tpu.vector_load_idx %arg9[%get3A_845, %get3A_847] : memref<152x152xf32, #tpu.memory_space<vmem>>[vector<16xi32>, vector<16xi32>], vector<16xf32>,
    %swap3A_849 = arith.constant 7 : i32
    %swap3A_850 = arith.index_cast %swap3A_849 : i32 to index
    %swap3A_851 = arith.constant 96 : index
    %swap3A_852 = tpu.vector_load %arg11[%swap3A_850, %swap3A_851] {strides = array<i32>} : memref<12x128xf32, #tpu.memory_space<vmem>>, vector<16xf32>,
    tpu.vector_store %arg11[%swap3A_850, %swap3A_851], %gather3A_848 {strides = array<i32>} : memref<12x128xf32, #tpu.memory_space<vmem>>, vector<16xf32>,
    %get3A_853 = arith.constant 112 : index
    %get3A_854 = tpu.vector_load %arg6[%get3A_853] {strides = array<i32>} : memref<128xi32, #tpu.memory_space<vmem>>, vector<16xi32>,
    %get3A_855 = arith.constant 112 : index
    %get3A_856 = tpu.vector_load %arg7[%get3A_855] {strides = array<i32>} : memref<128xi32, #tpu.memory_space<vmem>>, vector<16xi32>,
    %gather3A_857 = tpu.vector_load_idx %arg9[%get3A_854, %get3A_856] : memref<152x152xf32, #tpu.memory_space<vmem>>[vector<16xi32>, vector<16xi32>], vector<16xf32>,
    %swap3A_858 = arith.constant 7 : i32
    %swap3A_859 = arith.index_cast %swap3A_858 : i32 to index
    %swap3A_860 = arith.constant 112 : index
    %swap3A_861 = tpu.vector_load %arg11[%swap3A_859, %swap3A_860] {strides = array<i32>} : memref<12x128xf32, #tpu.memory_space<vmem>>, vector<16xf32>,
    tpu.vector_store %arg11[%swap3A_859, %swap3A_860], %gather3A_857 {strides = array<i32>} : memref<12x128xf32, #tpu.memory_space<vmem>>, vector<16xf32>,
    %mul3A_862 = arith.constant 12 : i32
    %mul3A_863 = arith.muli %and3A_2, %mul3A_862 : i32
    %add3A_864 = arith.constant 10 : i32
    %add3A_865 = arith.addi %mul3A_863, %add3A_864 : i32
    %dma_start3A_866 = arith.constant 0 : i32
    %dma_start3A_867 = arith.constant 0 : i32
    %dma_start3A_868 = tpu.memref_slice %arg2[%shift_right_logical3A_1, %add3A_865, %dma_start3A_866, %dma_start3A_867] : memref<16x24x152x152xf32, #tpu.memory_space<hbm>> -> memref<1x1x152x152xf32, #tpu.memory_space<hbm>>
    %dma_start3A_869 = tpu.memref_squeeze %dma_start3A_868 : memref<1x1x152x152xf32, #tpu.memory_space<hbm>> -> memref<152x152xf32, #tpu.memory_space<hbm>>
    %dma_start3A_870 = arith.constant 0 : i32
    %dma_start3A_871 = arith.constant 0 : i32
    %dma_start3A_872 = tpu.memref_slice %arg2[%shift_right_logical3A_1, %add3A_865, %dma_start3A_870, %dma_start3A_871] : memref<16x24x152x152xf32, #tpu.memory_space<hbm>> -> memref<1x1x152x152xf32, #tpu.memory_space<hbm>>
    %dma_start3A_873 = tpu.memref_squeeze %dma_start3A_872 : memref<1x1x152x152xf32, #tpu.memory_space<hbm>> -> memref<152x152xf32, #tpu.memory_space<hbm>>
    tpu.enqueue_dma source(%dma_start3A_873 : memref<152x152xf32, #tpu.memory_space<hbm>>) target(%arg9 : memref<152x152xf32, #tpu.memory_space<vmem>>) target_semaphore(%arg13 : memref<!tpu.dma_semaphore, #tpu.memory_space<semaphore_mem>>)
    %dma_wait3A_874 = arith.constant 0 : i32
    %dma_wait3A_875 = arith.constant 0 : i32
    %dma_wait3A_876 = tpu.memref_slice %arg2[%shift_right_logical3A_1, %add3A_681, %dma_wait3A_874, %dma_wait3A_875] : memref<16x24x152x152xf32, #tpu.memory_space<hbm>> -> memref<1x1x152x152xf32, #tpu.memory_space<hbm>>
    %dma_wait3A_877 = tpu.memref_squeeze %dma_wait3A_876 : memref<1x1x152x152xf32, #tpu.memory_space<hbm>> -> memref<152x152xf32, #tpu.memory_space<hbm>>
    %dma_wait3A_878 = arith.constant 0 : i32
    %dma_wait3A_879 = arith.constant 0 : i32
    %dma_wait3A_880 = tpu.memref_slice %arg2[%shift_right_logical3A_1, %add3A_681, %dma_wait3A_878, %dma_wait3A_879] : memref<16x24x152x152xf32, #tpu.memory_space<hbm>> -> memref<1x1x152x152xf32, #tpu.memory_space<hbm>>
    %dma_wait3A_881 = tpu.memref_squeeze %dma_wait3A_880 : memref<1x1x152x152xf32, #tpu.memory_space<hbm>> -> memref<152x152xf32, #tpu.memory_space<hbm>>
    tpu.wait_dma2 semaphore(%arg14 : memref<!tpu.dma_semaphore, #tpu.memory_space<semaphore_mem>>) src(%dma_wait3A_881 : memref<152x152xf32, #tpu.memory_space<hbm>>) dst(%arg10 : memref<152x152xf32, #tpu.memory_space<vmem>>)
    %get3A_882 = arith.constant 0 : index
    %get3A_883 = tpu.vector_load %arg6[%get3A_882] {strides = array<i32>} : memref<128xi32, #tpu.memory_space<vmem>>, vector<16xi32>,
    %get3A_884 = arith.constant 0 : index
    %get3A_885 = tpu.vector_load %arg7[%get3A_884] {strides = array<i32>} : memref<128xi32, #tpu.memory_space<vmem>>, vector<16xi32>,
    %gather3A_886 = tpu.vector_load_idx %arg10[%get3A_883, %get3A_885] : memref<152x152xf32, #tpu.memory_space<vmem>>[vector<16xi32>, vector<16xi32>], vector<16xf32>,
    %swap3A_887 = arith.constant 8 : i32
    %swap3A_888 = arith.index_cast %swap3A_887 : i32 to index
    %swap3A_889 = arith.constant 0 : index
    %swap3A_890 = tpu.vector_load %arg11[%swap3A_888, %swap3A_889] {strides = array<i32>} : memref<12x128xf32, #tpu.memory_space<vmem>>, vector<16xf32>,
    tpu.vector_store %arg11[%swap3A_888, %swap3A_889], %gather3A_886 {strides = array<i32>} : memref<12x128xf32, #tpu.memory_space<vmem>>, vector<16xf32>,
    %get3A_891 = arith.constant 16 : index
    %get3A_892 = tpu.vector_load %arg6[%get3A_891] {strides = array<i32>} : memref<128xi32, #tpu.memory_space<vmem>>, vector<16xi32>,
    %get3A_893 = arith.constant 16 : index
    %get3A_894 = tpu.vector_load %arg7[%get3A_893] {strides = array<i32>} : memref<128xi32, #tpu.memory_space<vmem>>, vector<16xi32>,
    %gather3A_895 = tpu.vector_load_idx %arg10[%get3A_892, %get3A_894] : memref<152x152xf32, #tpu.memory_space<vmem>>[vector<16xi32>, vector<16xi32>], vector<16xf32>,
    %swap3A_896 = arith.constant 8 : i32
    %swap3A_897 = arith.index_cast %swap3A_896 : i32 to index
    %swap3A_898 = arith.constant 16 : index
    %swap3A_899 = tpu.vector_load %arg11[%swap3A_897, %swap3A_898] {strides = array<i32>} : memref<12x128xf32, #tpu.memory_space<vmem>>, vector<16xf32>,
    tpu.vector_store %arg11[%swap3A_897, %swap3A_898], %gather3A_895 {strides = array<i32>} : memref<12x128xf32, #tpu.memory_space<vmem>>, vector<16xf32>,
    %get3A_900 = arith.constant 32 : index
    %get3A_901 = tpu.vector_load %arg6[%get3A_900] {strides = array<i32>} : memref<128xi32, #tpu.memory_space<vmem>>, vector<16xi32>,
    %get3A_902 = arith.constant 32 : index
    %get3A_903 = tpu.vector_load %arg7[%get3A_902] {strides = array<i32>} : memref<128xi32, #tpu.memory_space<vmem>>, vector<16xi32>,
    %gather3A_904 = tpu.vector_load_idx %arg10[%get3A_901, %get3A_903] : memref<152x152xf32, #tpu.memory_space<vmem>>[vector<16xi32>, vector<16xi32>], vector<16xf32>,
    %swap3A_905 = arith.constant 8 : i32
    %swap3A_906 = arith.index_cast %swap3A_905 : i32 to index
    %swap3A_907 = arith.constant 32 : index
    %swap3A_908 = tpu.vector_load %arg11[%swap3A_906, %swap3A_907] {strides = array<i32>} : memref<12x128xf32, #tpu.memory_space<vmem>>, vector<16xf32>,
    tpu.vector_store %arg11[%swap3A_906, %swap3A_907], %gather3A_904 {strides = array<i32>} : memref<12x128xf32, #tpu.memory_space<vmem>>, vector<16xf32>,
    %get3A_909 = arith.constant 48 : index
    %get3A_910 = tpu.vector_load %arg6[%get3A_909] {strides = array<i32>} : memref<128xi32, #tpu.memory_space<vmem>>, vector<16xi32>,
    %get3A_911 = arith.constant 48 : index
    %get3A_912 = tpu.vector_load %arg7[%get3A_911] {strides = array<i32>} : memref<128xi32, #tpu.memory_space<vmem>>, vector<16xi32>,
    %gather3A_913 = tpu.vector_load_idx %arg10[%get3A_910, %get3A_912] : memref<152x152xf32, #tpu.memory_space<vmem>>[vector<16xi32>, vector<16xi32>], vector<16xf32>,
    %swap3A_914 = arith.constant 8 : i32
    %swap3A_915 = arith.index_cast %swap3A_914 : i32 to index
    %swap3A_916 = arith.constant 48 : index
    %swap3A_917 = tpu.vector_load %arg11[%swap3A_915, %swap3A_916] {strides = array<i32>} : memref<12x128xf32, #tpu.memory_space<vmem>>, vector<16xf32>,
    tpu.vector_store %arg11[%swap3A_915, %swap3A_916], %gather3A_913 {strides = array<i32>} : memref<12x128xf32, #tpu.memory_space<vmem>>, vector<16xf32>,
    %get3A_918 = arith.constant 64 : index
    %get3A_919 = tpu.vector_load %arg6[%get3A_918] {strides = array<i32>} : memref<128xi32, #tpu.memory_space<vmem>>, vector<16xi32>,
    %get3A_920 = arith.constant 64 : index
    %get3A_921 = tpu.vector_load %arg7[%get3A_920] {strides = array<i32>} : memref<128xi32, #tpu.memory_space<vmem>>, vector<16xi32>,
    %gather3A_922 = tpu.vector_load_idx %arg10[%get3A_919, %get3A_921] : memref<152x152xf32, #tpu.memory_space<vmem>>[vector<16xi32>, vector<16xi32>], vector<16xf32>,
    %swap3A_923 = arith.constant 8 : i32
    %swap3A_924 = arith.index_cast %swap3A_923 : i32 to index
    %swap3A_925 = arith.constant 64 : index
    %swap3A_926 = tpu.vector_load %arg11[%swap3A_924, %swap3A_925] {strides = array<i32>} : memref<12x128xf32, #tpu.memory_space<vmem>>, vector<16xf32>,
    tpu.vector_store %arg11[%swap3A_924, %swap3A_925], %gather3A_922 {strides = array<i32>} : memref<12x128xf32, #tpu.memory_space<vmem>>, vector<16xf32>,
    %get3A_927 = arith.constant 80 : index
    %get3A_928 = tpu.vector_load %arg6[%get3A_927] {strides = array<i32>} : memref<128xi32, #tpu.memory_space<vmem>>, vector<16xi32>,
    %get3A_929 = arith.constant 80 : index
    %get3A_930 = tpu.vector_load %arg7[%get3A_929] {strides = array<i32>} : memref<128xi32, #tpu.memory_space<vmem>>, vector<16xi32>,
    %gather3A_931 = tpu.vector_load_idx %arg10[%get3A_928, %get3A_930] : memref<152x152xf32, #tpu.memory_space<vmem>>[vector<16xi32>, vector<16xi32>], vector<16xf32>,
    %swap3A_932 = arith.constant 8 : i32
    %swap3A_933 = arith.index_cast %swap3A_932 : i32 to index
    %swap3A_934 = arith.constant 80 : index
    %swap3A_935 = tpu.vector_load %arg11[%swap3A_933, %swap3A_934] {strides = array<i32>} : memref<12x128xf32, #tpu.memory_space<vmem>>, vector<16xf32>,
    tpu.vector_store %arg11[%swap3A_933, %swap3A_934], %gather3A_931 {strides = array<i32>} : memref<12x128xf32, #tpu.memory_space<vmem>>, vector<16xf32>,
    %get3A_936 = arith.constant 96 : index
    %get3A_937 = tpu.vector_load %arg6[%get3A_936] {strides = array<i32>} : memref<128xi32, #tpu.memory_space<vmem>>, vector<16xi32>,
    %get3A_938 = arith.constant 96 : index
    %get3A_939 = tpu.vector_load %arg7[%get3A_938] {strides = array<i32>} : memref<128xi32, #tpu.memory_space<vmem>>, vector<16xi32>,
    %gather3A_940 = tpu.vector_load_idx %arg10[%get3A_937, %get3A_939] : memref<152x152xf32, #tpu.memory_space<vmem>>[vector<16xi32>, vector<16xi32>], vector<16xf32>,
    %swap3A_941 = arith.constant 8 : i32
    %swap3A_942 = arith.index_cast %swap3A_941 : i32 to index
    %swap3A_943 = arith.constant 96 : index
    %swap3A_944 = tpu.vector_load %arg11[%swap3A_942, %swap3A_943] {strides = array<i32>} : memref<12x128xf32, #tpu.memory_space<vmem>>, vector<16xf32>,
    tpu.vector_store %arg11[%swap3A_942, %swap3A_943], %gather3A_940 {strides = array<i32>} : memref<12x128xf32, #tpu.memory_space<vmem>>, vector<16xf32>,
    %get3A_945 = arith.constant 112 : index
    %get3A_946 = tpu.vector_load %arg6[%get3A_945] {strides = array<i32>} : memref<128xi32, #tpu.memory_space<vmem>>, vector<16xi32>,
    %get3A_947 = arith.constant 112 : index
    %get3A_948 = tpu.vector_load %arg7[%get3A_947] {strides = array<i32>} : memref<128xi32, #tpu.memory_space<vmem>>, vector<16xi32>,
    %gather3A_949 = tpu.vector_load_idx %arg10[%get3A_946, %get3A_948] : memref<152x152xf32, #tpu.memory_space<vmem>>[vector<16xi32>, vector<16xi32>], vector<16xf32>,
    %swap3A_950 = arith.constant 8 : i32
    %swap3A_951 = arith.index_cast %swap3A_950 : i32 to index
    %swap3A_952 = arith.constant 112 : index
    %swap3A_953 = tpu.vector_load %arg11[%swap3A_951, %swap3A_952] {strides = array<i32>} : memref<12x128xf32, #tpu.memory_space<vmem>>, vector<16xf32>,
    tpu.vector_store %arg11[%swap3A_951, %swap3A_952], %gather3A_949 {strides = array<i32>} : memref<12x128xf32, #tpu.memory_space<vmem>>, vector<16xf32>,
    %mul3A_954 = arith.constant 12 : i32
    %mul3A_955 = arith.muli %and3A_2, %mul3A_954 : i32
    %add3A_956 = arith.constant 11 : i32
    %add3A_957 = arith.addi %mul3A_955, %add3A_956 : i32
    %dma_start3A_958 = arith.constant 0 : i32
    %dma_start3A_959 = arith.constant 0 : i32
    %dma_start3A_960 = tpu.memref_slice %arg2[%shift_right_logical3A_1, %add3A_957, %dma_start3A_958, %dma_start3A_959] : memref<16x24x152x152xf32, #tpu.memory_space<hbm>> -> memref<1x1x152x152xf32, #tpu.memory_space<hbm>>
    %dma_start3A_961 = tpu.memref_squeeze %dma_start3A_960 : memref<1x1x152x152xf32, #tpu.memory_space<hbm>> -> memref<152x152xf32, #tpu.memory_space<hbm>>
    %dma_start3A_962 = arith.constant 0 : i32
    %dma_start3A_963 = arith.constant 0 : i32
    %dma_start3A_964 = tpu.memref_slice %arg2[%shift_right_logical3A_1, %add3A_957, %dma_start3A_962, %dma_start3A_963] : memref<16x24x152x152xf32, #tpu.memory_space<hbm>> -> memref<1x1x152x152xf32, #tpu.memory_space<hbm>>
    %dma_start3A_965 = tpu.memref_squeeze %dma_start3A_964 : memref<1x1x152x152xf32, #tpu.memory_space<hbm>> -> memref<152x152xf32, #tpu.memory_space<hbm>>
    tpu.enqueue_dma source(%dma_start3A_965 : memref<152x152xf32, #tpu.memory_space<hbm>>) target(%arg10 : memref<152x152xf32, #tpu.memory_space<vmem>>) target_semaphore(%arg14 : memref<!tpu.dma_semaphore, #tpu.memory_space<semaphore_mem>>)
    %dma_wait3A_966 = arith.constant 0 : i32
    %dma_wait3A_967 = arith.constant 0 : i32
    %dma_wait3A_968 = tpu.memref_slice %arg2[%shift_right_logical3A_1, %add3A_773, %dma_wait3A_966, %dma_wait3A_967] : memref<16x24x152x152xf32, #tpu.memory_space<hbm>> -> memref<1x1x152x152xf32, #tpu.memory_space<hbm>>
    %dma_wait3A_969 = tpu.memref_squeeze %dma_wait3A_968 : memref<1x1x152x152xf32, #tpu.memory_space<hbm>> -> memref<152x152xf32, #tpu.memory_space<hbm>>
    %dma_wait3A_970 = arith.constant 0 : i32
    %dma_wait3A_971 = arith.constant 0 : i32
    %dma_wait3A_972 = tpu.memref_slice %arg2[%shift_right_logical3A_1, %add3A_773, %dma_wait3A_970, %dma_wait3A_971] : memref<16x24x152x152xf32, #tpu.memory_space<hbm>> -> memref<1x1x152x152xf32, #tpu.memory_space<hbm>>
    %dma_wait3A_973 = tpu.memref_squeeze %dma_wait3A_972 : memref<1x1x152x152xf32, #tpu.memory_space<hbm>> -> memref<152x152xf32, #tpu.memory_space<hbm>>
    tpu.wait_dma2 semaphore(%arg12 : memref<!tpu.dma_semaphore, #tpu.memory_space<semaphore_mem>>) src(%dma_wait3A_973 : memref<152x152xf32, #tpu.memory_space<hbm>>) dst(%arg8 : memref<152x152xf32, #tpu.memory_space<vmem>>)
    %get3A_974 = arith.constant 0 : index
    %get3A_975 = tpu.vector_load %arg6[%get3A_974] {strides = array<i32>} : memref<128xi32, #tpu.memory_space<vmem>>, vector<16xi32>,
    %get3A_976 = arith.constant 0 : index
    %get3A_977 = tpu.vector_load %arg7[%get3A_976] {strides = array<i32>} : memref<128xi32, #tpu.memory_space<vmem>>, vector<16xi32>,
    %gather3A_978 = tpu.vector_load_idx %arg8[%get3A_975, %get3A_977] : memref<152x152xf32, #tpu.memory_space<vmem>>[vector<16xi32>, vector<16xi32>], vector<16xf32>,
    %swap3A_979 = arith.constant 9 : i32
    %swap3A_980 = arith.index_cast %swap3A_979 : i32 to index
    %swap3A_981 = arith.constant 0 : index
    %swap3A_982 = tpu.vector_load %arg11[%swap3A_980, %swap3A_981] {strides = array<i32>} : memref<12x128xf32, #tpu.memory_space<vmem>>, vector<16xf32>,
    tpu.vector_store %arg11[%swap3A_980, %swap3A_981], %gather3A_978 {strides = array<i32>} : memref<12x128xf32, #tpu.memory_space<vmem>>, vector<16xf32>,
    %get3A_983 = arith.constant 16 : index
    %get3A_984 = tpu.vector_load %arg6[%get3A_983] {strides = array<i32>} : memref<128xi32, #tpu.memory_space<vmem>>, vector<16xi32>,
    %get3A_985 = arith.constant 16 : index
    %get3A_986 = tpu.vector_load %arg7[%get3A_985] {strides = array<i32>} : memref<128xi32, #tpu.memory_space<vmem>>, vector<16xi32>,
    %gather3A_987 = tpu.vector_load_idx %arg8[%get3A_984, %get3A_986] : memref<152x152xf32, #tpu.memory_space<vmem>>[vector<16xi32>, vector<16xi32>], vector<16xf32>,
    %swap3A_988 = arith.constant 9 : i32
    %swap3A_989 = arith.index_cast %swap3A_988 : i32 to index
    %swap3A_990 = arith.constant 16 : index
    %swap3A_991 = tpu.vector_load %arg11[%swap3A_989, %swap3A_990] {strides = array<i32>} : memref<12x128xf32, #tpu.memory_space<vmem>>, vector<16xf32>,
    tpu.vector_store %arg11[%swap3A_989, %swap3A_990], %gather3A_987 {strides = array<i32>} : memref<12x128xf32, #tpu.memory_space<vmem>>, vector<16xf32>,
    %get3A_992 = arith.constant 32 : index
    %get3A_993 = tpu.vector_load %arg6[%get3A_992] {strides = array<i32>} : memref<128xi32, #tpu.memory_space<vmem>>, vector<16xi32>,
    %get3A_994 = arith.constant 32 : index
    %get3A_995 = tpu.vector_load %arg7[%get3A_994] {strides = array<i32>} : memref<128xi32, #tpu.memory_space<vmem>>, vector<16xi32>,
    %gather3A_996 = tpu.vector_load_idx %arg8[%get3A_993, %get3A_995] : memref<152x152xf32, #tpu.memory_space<vmem>>[vector<16xi32>, vector<16xi32>], vector<16xf32>,
    %swap3A_997 = arith.constant 9 : i32
    %swap3A_998 = arith.index_cast %swap3A_997 : i32 to index
    %swap3A_999 = arith.constant 32 : index
    %swap3A_1000 = tpu.vector_load %arg11[%swap3A_998, %swap3A_999] {strides = array<i32>} : memref<12x128xf32, #tpu.memory_space<vmem>>, vector<16xf32>,
    tpu.vector_store %arg11[%swap3A_998, %swap3A_999], %gather3A_996 {strides = array<i32>} : memref<12x128xf32, #tpu.memory_space<vmem>>, vector<16xf32>,
    %get3A_1001 = arith.constant 48 : index
    %get3A_1002 = tpu.vector_load %arg6[%get3A_1001] {strides = array<i32>} : memref<128xi32, #tpu.memory_space<vmem>>, vector<16xi32>,
    %get3A_1003 = arith.constant 48 : index
    %get3A_1004 = tpu.vector_load %arg7[%get3A_1003] {strides = array<i32>} : memref<128xi32, #tpu.memory_space<vmem>>, vector<16xi32>,
    %gather3A_1005 = tpu.vector_load_idx %arg8[%get3A_1002, %get3A_1004] : memref<152x152xf32, #tpu.memory_space<vmem>>[vector<16xi32>, vector<16xi32>], vector<16xf32>,
    %swap3A_1006 = arith.constant 9 : i32
    %swap3A_1007 = arith.index_cast %swap3A_1006 : i32 to index
    %swap3A_1008 = arith.constant 48 : index
    %swap3A_1009 = tpu.vector_load %arg11[%swap3A_1007, %swap3A_1008] {strides = array<i32>} : memref<12x128xf32, #tpu.memory_space<vmem>>, vector<16xf32>,
    tpu.vector_store %arg11[%swap3A_1007, %swap3A_1008], %gather3A_1005 {strides = array<i32>} : memref<12x128xf32, #tpu.memory_space<vmem>>, vector<16xf32>,
    %get3A_1010 = arith.constant 64 : index
    %get3A_1011 = tpu.vector_load %arg6[%get3A_1010] {strides = array<i32>} : memref<128xi32, #tpu.memory_space<vmem>>, vector<16xi32>,
    %get3A_1012 = arith.constant 64 : index
    %get3A_1013 = tpu.vector_load %arg7[%get3A_1012] {strides = array<i32>} : memref<128xi32, #tpu.memory_space<vmem>>, vector<16xi32>,
    %gather3A_1014 = tpu.vector_load_idx %arg8[%get3A_1011, %get3A_1013] : memref<152x152xf32, #tpu.memory_space<vmem>>[vector<16xi32>, vector<16xi32>], vector<16xf32>,
    %swap3A_1015 = arith.constant 9 : i32
    %swap3A_1016 = arith.index_cast %swap3A_1015 : i32 to index
    %swap3A_1017 = arith.constant 64 : index
    %swap3A_1018 = tpu.vector_load %arg11[%swap3A_1016, %swap3A_1017] {strides = array<i32>} : memref<12x128xf32, #tpu.memory_space<vmem>>, vector<16xf32>,
    tpu.vector_store %arg11[%swap3A_1016, %swap3A_1017], %gather3A_1014 {strides = array<i32>} : memref<12x128xf32, #tpu.memory_space<vmem>>, vector<16xf32>,
    %get3A_1019 = arith.constant 80 : index
    %get3A_1020 = tpu.vector_load %arg6[%get3A_1019] {strides = array<i32>} : memref<128xi32, #tpu.memory_space<vmem>>, vector<16xi32>,
    %get3A_1021 = arith.constant 80 : index
    %get3A_1022 = tpu.vector_load %arg7[%get3A_1021] {strides = array<i32>} : memref<128xi32, #tpu.memory_space<vmem>>, vector<16xi32>,
    %gather3A_1023 = tpu.vector_load_idx %arg8[%get3A_1020, %get3A_1022] : memref<152x152xf32, #tpu.memory_space<vmem>>[vector<16xi32>, vector<16xi32>], vector<16xf32>,
    %swap3A_1024 = arith.constant 9 : i32
    %swap3A_1025 = arith.index_cast %swap3A_1024 : i32 to index
    %swap3A_1026 = arith.constant 80 : index
    %swap3A_1027 = tpu.vector_load %arg11[%swap3A_1025, %swap3A_1026] {strides = array<i32>} : memref<12x128xf32, #tpu.memory_space<vmem>>, vector<16xf32>,
    tpu.vector_store %arg11[%swap3A_1025, %swap3A_1026], %gather3A_1023 {strides = array<i32>} : memref<12x128xf32, #tpu.memory_space<vmem>>, vector<16xf32>,
    %get3A_1028 = arith.constant 96 : index
    %get3A_1029 = tpu.vector_load %arg6[%get3A_1028] {strides = array<i32>} : memref<128xi32, #tpu.memory_space<vmem>>, vector<16xi32>,
    %get3A_1030 = arith.constant 96 : index
    %get3A_1031 = tpu.vector_load %arg7[%get3A_1030] {strides = array<i32>} : memref<128xi32, #tpu.memory_space<vmem>>, vector<16xi32>,
    %gather3A_1032 = tpu.vector_load_idx %arg8[%get3A_1029, %get3A_1031] : memref<152x152xf32, #tpu.memory_space<vmem>>[vector<16xi32>, vector<16xi32>], vector<16xf32>,
    %swap3A_1033 = arith.constant 9 : i32
    %swap3A_1034 = arith.index_cast %swap3A_1033 : i32 to index
    %swap3A_1035 = arith.constant 96 : index
    %swap3A_1036 = tpu.vector_load %arg11[%swap3A_1034, %swap3A_1035] {strides = array<i32>} : memref<12x128xf32, #tpu.memory_space<vmem>>, vector<16xf32>,
    tpu.vector_store %arg11[%swap3A_1034, %swap3A_1035], %gather3A_1032 {strides = array<i32>} : memref<12x128xf32, #tpu.memory_space<vmem>>, vector<16xf32>,
    %get3A_1037 = arith.constant 112 : index
    %get3A_1038 = tpu.vector_load %arg6[%get3A_1037] {strides = array<i32>} : memref<128xi32, #tpu.memory_space<vmem>>, vector<16xi32>,
    %get3A_1039 = arith.constant 112 : index
    %get3A_1040 = tpu.vector_load %arg7[%get3A_1039] {strides = array<i32>} : memref<128xi32, #tpu.memory_space<vmem>>, vector<16xi32>,
    %gather3A_1041 = tpu.vector_load_idx %arg8[%get3A_1038, %get3A_1040] : memref<152x152xf32, #tpu.memory_space<vmem>>[vector<16xi32>, vector<16xi32>], vector<16xf32>,
    %swap3A_1042 = arith.constant 9 : i32
    %swap3A_1043 = arith.index_cast %swap3A_1042 : i32 to index
    %swap3A_1044 = arith.constant 112 : index
    %swap3A_1045 = tpu.vector_load %arg11[%swap3A_1043, %swap3A_1044] {strides = array<i32>} : memref<12x128xf32, #tpu.memory_space<vmem>>, vector<16xf32>,
    tpu.vector_store %arg11[%swap3A_1043, %swap3A_1044], %gather3A_1041 {strides = array<i32>} : memref<12x128xf32, #tpu.memory_space<vmem>>, vector<16xf32>,
    %dma_wait3A_1046 = arith.constant 0 : i32
    %dma_wait3A_1047 = arith.constant 0 : i32
    %dma_wait3A_1048 = tpu.memref_slice %arg2[%shift_right_logical3A_1, %add3A_865, %dma_wait3A_1046, %dma_wait3A_1047] : memref<16x24x152x152xf32, #tpu.memory_space<hbm>> -> memref<1x1x152x152xf32, #tpu.memory_space<hbm>>
    %dma_wait3A_1049 = tpu.memref_squeeze %dma_wait3A_1048 : memref<1x1x152x152xf32, #tpu.memory_space<hbm>> -> memref<152x152xf32, #tpu.memory_space<hbm>>
    %dma_wait3A_1050 = arith.constant 0 : i32
    %dma_wait3A_1051 = arith.constant 0 : i32
    %dma_wait3A_1052 = tpu.memref_slice %arg2[%shift_right_logical3A_1, %add3A_865, %dma_wait3A_1050, %dma_wait3A_1051] : memref<16x24x152x152xf32, #tpu.memory_space<hbm>> -> memref<1x1x152x152xf32, #tpu.memory_space<hbm>>
    %dma_wait3A_1053 = tpu.memref_squeeze %dma_wait3A_1052 : memref<1x1x152x152xf32, #tpu.memory_space<hbm>> -> memref<152x152xf32, #tpu.memory_space<hbm>>
    tpu.wait_dma2 semaphore(%arg13 : memref<!tpu.dma_semaphore, #tpu.memory_space<semaphore_mem>>) src(%dma_wait3A_1053 : memref<152x152xf32, #tpu.memory_space<hbm>>) dst(%arg9 : memref<152x152xf32, #tpu.memory_space<vmem>>)
    %get3A_1054 = arith.constant 0 : index
    %get3A_1055 = tpu.vector_load %arg6[%get3A_1054] {strides = array<i32>} : memref<128xi32, #tpu.memory_space<vmem>>, vector<16xi32>,
    %get3A_1056 = arith.constant 0 : index
    %get3A_1057 = tpu.vector_load %arg7[%get3A_1056] {strides = array<i32>} : memref<128xi32, #tpu.memory_space<vmem>>, vector<16xi32>,
    %gather3A_1058 = tpu.vector_load_idx %arg9[%get3A_1055, %get3A_1057] : memref<152x152xf32, #tpu.memory_space<vmem>>[vector<16xi32>, vector<16xi32>], vector<16xf32>,
    %swap3A_1059 = arith.constant 10 : i32
    %swap3A_1060 = arith.index_cast %swap3A_1059 : i32 to index
    %swap3A_1061 = arith.constant 0 : index
    %swap3A_1062 = tpu.vector_load %arg11[%swap3A_1060, %swap3A_1061] {strides = array<i32>} : memref<12x128xf32, #tpu.memory_space<vmem>>, vector<16xf32>,
    tpu.vector_store %arg11[%swap3A_1060, %swap3A_1061], %gather3A_1058 {strides = array<i32>} : memref<12x128xf32, #tpu.memory_space<vmem>>, vector<16xf32>,
    %get3A_1063 = arith.constant 16 : index
    %get3A_1064 = tpu.vector_load %arg6[%get3A_1063] {strides = array<i32>} : memref<128xi32, #tpu.memory_space<vmem>>, vector<16xi32>,
    %get3A_1065 = arith.constant 16 : index
    %get3A_1066 = tpu.vector_load %arg7[%get3A_1065] {strides = array<i32>} : memref<128xi32, #tpu.memory_space<vmem>>, vector<16xi32>,
    %gather3A_1067 = tpu.vector_load_idx %arg9[%get3A_1064, %get3A_1066] : memref<152x152xf32, #tpu.memory_space<vmem>>[vector<16xi32>, vector<16xi32>], vector<16xf32>,
    %swap3A_1068 = arith.constant 10 : i32
    %swap3A_1069 = arith.index_cast %swap3A_1068 : i32 to index
    %swap3A_1070 = arith.constant 16 : index
    %swap3A_1071 = tpu.vector_load %arg11[%swap3A_1069, %swap3A_1070] {strides = array<i32>} : memref<12x128xf32, #tpu.memory_space<vmem>>, vector<16xf32>,
    tpu.vector_store %arg11[%swap3A_1069, %swap3A_1070], %gather3A_1067 {strides = array<i32>} : memref<12x128xf32, #tpu.memory_space<vmem>>, vector<16xf32>,
    %get3A_1072 = arith.constant 32 : index
    %get3A_1073 = tpu.vector_load %arg6[%get3A_1072] {strides = array<i32>} : memref<128xi32, #tpu.memory_space<vmem>>, vector<16xi32>,
    %get3A_1074 = arith.constant 32 : index
    %get3A_1075 = tpu.vector_load %arg7[%get3A_1074] {strides = array<i32>} : memref<128xi32, #tpu.memory_space<vmem>>, vector<16xi32>,
    %gather3A_1076 = tpu.vector_load_idx %arg9[%get3A_1073, %get3A_1075] : memref<152x152xf32, #tpu.memory_space<vmem>>[vector<16xi32>, vector<16xi32>], vector<16xf32>,
    %swap3A_1077 = arith.constant 10 : i32
    %swap3A_1078 = arith.index_cast %swap3A_1077 : i32 to index
    %swap3A_1079 = arith.constant 32 : index
    %swap3A_1080 = tpu.vector_load %arg11[%swap3A_1078, %swap3A_1079] {strides = array<i32>} : memref<12x128xf32, #tpu.memory_space<vmem>>, vector<16xf32>,
    tpu.vector_store %arg11[%swap3A_1078, %swap3A_1079], %gather3A_1076 {strides = array<i32>} : memref<12x128xf32, #tpu.memory_space<vmem>>, vector<16xf32>,
    %get3A_1081 = arith.constant 48 : index
    %get3A_1082 = tpu.vector_load %arg6[%get3A_1081] {strides = array<i32>} : memref<128xi32, #tpu.memory_space<vmem>>, vector<16xi32>,
    %get3A_1083 = arith.constant 48 : index
    %get3A_1084 = tpu.vector_load %arg7[%get3A_1083] {strides = array<i32>} : memref<128xi32, #tpu.memory_space<vmem>>, vector<16xi32>,
    %gather3A_1085 = tpu.vector_load_idx %arg9[%get3A_1082, %get3A_1084] : memref<152x152xf32, #tpu.memory_space<vmem>>[vector<16xi32>, vector<16xi32>], vector<16xf32>,
    %swap3A_1086 = arith.constant 10 : i32
    %swap3A_1087 = arith.index_cast %swap3A_1086 : i32 to index
    %swap3A_1088 = arith.constant 48 : index
    %swap3A_1089 = tpu.vector_load %arg11[%swap3A_1087, %swap3A_1088] {strides = array<i32>} : memref<12x128xf32, #tpu.memory_space<vmem>>, vector<16xf32>,
    tpu.vector_store %arg11[%swap3A_1087, %swap3A_1088], %gather3A_1085 {strides = array<i32>} : memref<12x128xf32, #tpu.memory_space<vmem>>, vector<16xf32>,
    %get3A_1090 = arith.constant 64 : index
    %get3A_1091 = tpu.vector_load %arg6[%get3A_1090] {strides = array<i32>} : memref<128xi32, #tpu.memory_space<vmem>>, vector<16xi32>,
    %get3A_1092 = arith.constant 64 : index
    %get3A_1093 = tpu.vector_load %arg7[%get3A_1092] {strides = array<i32>} : memref<128xi32, #tpu.memory_space<vmem>>, vector<16xi32>,
    %gather3A_1094 = tpu.vector_load_idx %arg9[%get3A_1091, %get3A_1093] : memref<152x152xf32, #tpu.memory_space<vmem>>[vector<16xi32>, vector<16xi32>], vector<16xf32>,
    %swap3A_1095 = arith.constant 10 : i32
    %swap3A_1096 = arith.index_cast %swap3A_1095 : i32 to index
    %swap3A_1097 = arith.constant 64 : index
    %swap3A_1098 = tpu.vector_load %arg11[%swap3A_1096, %swap3A_1097] {strides = array<i32>} : memref<12x128xf32, #tpu.memory_space<vmem>>, vector<16xf32>,
    tpu.vector_store %arg11[%swap3A_1096, %swap3A_1097], %gather3A_1094 {strides = array<i32>} : memref<12x128xf32, #tpu.memory_space<vmem>>, vector<16xf32>,
    %get3A_1099 = arith.constant 80 : index
    %get3A_1100 = tpu.vector_load %arg6[%get3A_1099] {strides = array<i32>} : memref<128xi32, #tpu.memory_space<vmem>>, vector<16xi32>,
    %get3A_1101 = arith.constant 80 : index
    %get3A_1102 = tpu.vector_load %arg7[%get3A_1101] {strides = array<i32>} : memref<128xi32, #tpu.memory_space<vmem>>, vector<16xi32>,
    %gather3A_1103 = tpu.vector_load_idx %arg9[%get3A_1100, %get3A_1102] : memref<152x152xf32, #tpu.memory_space<vmem>>[vector<16xi32>, vector<16xi32>], vector<16xf32>,
    %swap3A_1104 = arith.constant 10 : i32
    %swap3A_1105 = arith.index_cast %swap3A_1104 : i32 to index
    %swap3A_1106 = arith.constant 80 : index
    %swap3A_1107 = tpu.vector_load %arg11[%swap3A_1105, %swap3A_1106] {strides = array<i32>} : memref<12x128xf32, #tpu.memory_space<vmem>>, vector<16xf32>,
    tpu.vector_store %arg11[%swap3A_1105, %swap3A_1106], %gather3A_1103 {strides = array<i32>} : memref<12x128xf32, #tpu.memory_space<vmem>>, vector<16xf32>,
    %get3A_1108 = arith.constant 96 : index
    %get3A_1109 = tpu.vector_load %arg6[%get3A_1108] {strides = array<i32>} : memref<128xi32, #tpu.memory_space<vmem>>, vector<16xi32>,
    %get3A_1110 = arith.constant 96 : index
    %get3A_1111 = tpu.vector_load %arg7[%get3A_1110] {strides = array<i32>} : memref<128xi32, #tpu.memory_space<vmem>>, vector<16xi32>,
    %gather3A_1112 = tpu.vector_load_idx %arg9[%get3A_1109, %get3A_1111] : memref<152x152xf32, #tpu.memory_space<vmem>>[vector<16xi32>, vector<16xi32>], vector<16xf32>,
    %swap3A_1113 = arith.constant 10 : i32
    %swap3A_1114 = arith.index_cast %swap3A_1113 : i32 to index
    %swap3A_1115 = arith.constant 96 : index
    %swap3A_1116 = tpu.vector_load %arg11[%swap3A_1114, %swap3A_1115] {strides = array<i32>} : memref<12x128xf32, #tpu.memory_space<vmem>>, vector<16xf32>,
    tpu.vector_store %arg11[%swap3A_1114, %swap3A_1115], %gather3A_1112 {strides = array<i32>} : memref<12x128xf32, #tpu.memory_space<vmem>>, vector<16xf32>,
    %get3A_1117 = arith.constant 112 : index
    %get3A_1118 = tpu.vector_load %arg6[%get3A_1117] {strides = array<i32>} : memref<128xi32, #tpu.memory_space<vmem>>, vector<16xi32>,
    %get3A_1119 = arith.constant 112 : index
    %get3A_1120 = tpu.vector_load %arg7[%get3A_1119] {strides = array<i32>} : memref<128xi32, #tpu.memory_space<vmem>>, vector<16xi32>,
    %gather3A_1121 = tpu.vector_load_idx %arg9[%get3A_1118, %get3A_1120] : memref<152x152xf32, #tpu.memory_space<vmem>>[vector<16xi32>, vector<16xi32>], vector<16xf32>,
    %swap3A_1122 = arith.constant 10 : i32
    %swap3A_1123 = arith.index_cast %swap3A_1122 : i32 to index
    %swap3A_1124 = arith.constant 112 : index
    %swap3A_1125 = tpu.vector_load %arg11[%swap3A_1123, %swap3A_1124] {strides = array<i32>} : memref<12x128xf32, #tpu.memory_space<vmem>>, vector<16xf32>,
    tpu.vector_store %arg11[%swap3A_1123, %swap3A_1124], %gather3A_1121 {strides = array<i32>} : memref<12x128xf32, #tpu.memory_space<vmem>>, vector<16xf32>,
    %dma_wait3A_1126 = arith.constant 0 : i32
    %dma_wait3A_1127 = arith.constant 0 : i32
    %dma_wait3A_1128 = tpu.memref_slice %arg2[%shift_right_logical3A_1, %add3A_957, %dma_wait3A_1126, %dma_wait3A_1127] : memref<16x24x152x152xf32, #tpu.memory_space<hbm>> -> memref<1x1x152x152xf32, #tpu.memory_space<hbm>>
    %dma_wait3A_1129 = tpu.memref_squeeze %dma_wait3A_1128 : memref<1x1x152x152xf32, #tpu.memory_space<hbm>> -> memref<152x152xf32, #tpu.memory_space<hbm>>
    %dma_wait3A_1130 = arith.constant 0 : i32
    %dma_wait3A_1131 = arith.constant 0 : i32
    %dma_wait3A_1132 = tpu.memref_slice %arg2[%shift_right_logical3A_1, %add3A_957, %dma_wait3A_1130, %dma_wait3A_1131] : memref<16x24x152x152xf32, #tpu.memory_space<hbm>> -> memref<1x1x152x152xf32, #tpu.memory_space<hbm>>
    %dma_wait3A_1133 = tpu.memref_squeeze %dma_wait3A_1132 : memref<1x1x152x152xf32, #tpu.memory_space<hbm>> -> memref<152x152xf32, #tpu.memory_space<hbm>>
    tpu.wait_dma2 semaphore(%arg14 : memref<!tpu.dma_semaphore, #tpu.memory_space<semaphore_mem>>) src(%dma_wait3A_1133 : memref<152x152xf32, #tpu.memory_space<hbm>>) dst(%arg10 : memref<152x152xf32, #tpu.memory_space<vmem>>)
    %get3A_1134 = arith.constant 0 : index
    %get3A_1135 = tpu.vector_load %arg6[%get3A_1134] {strides = array<i32>} : memref<128xi32, #tpu.memory_space<vmem>>, vector<16xi32>,
    %get3A_1136 = arith.constant 0 : index
    %get3A_1137 = tpu.vector_load %arg7[%get3A_1136] {strides = array<i32>} : memref<128xi32, #tpu.memory_space<vmem>>, vector<16xi32>,
    %gather3A_1138 = tpu.vector_load_idx %arg10[%get3A_1135, %get3A_1137] : memref<152x152xf32, #tpu.memory_space<vmem>>[vector<16xi32>, vector<16xi32>], vector<16xf32>,
    %swap3A_1139 = arith.constant 11 : i32
    %swap3A_1140 = arith.index_cast %swap3A_1139 : i32 to index
    %swap3A_1141 = arith.constant 0 : index
    %swap3A_1142 = tpu.vector_load %arg11[%swap3A_1140, %swap3A_1141] {strides = array<i32>} : memref<12x128xf32, #tpu.memory_space<vmem>>, vector<16xf32>,
    tpu.vector_store %arg11[%swap3A_1140, %swap3A_1141], %gather3A_1138 {strides = array<i32>} : memref<12x128xf32, #tpu.memory_space<vmem>>, vector<16xf32>,
    %get3A_1143 = arith.constant 16 : index
    %get3A_1144 = tpu.vector_load %arg6[%get3A_1143] {strides = array<i32>} : memref<128xi32, #tpu.memory_space<vmem>>, vector<16xi32>,
    %get3A_1145 = arith.constant 16 : index
    %get3A_1146 = tpu.vector_load %arg7[%get3A_1145] {strides = array<i32>} : memref<128xi32, #tpu.memory_space<vmem>>, vector<16xi32>,
    %gather3A_1147 = tpu.vector_load_idx %arg10[%get3A_1144, %get3A_1146] : memref<152x152xf32, #tpu.memory_space<vmem>>[vector<16xi32>, vector<16xi32>], vector<16xf32>,
    %swap3A_1148 = arith.constant 11 : i32
    %swap3A_1149 = arith.index_cast %swap3A_1148 : i32 to index
    %swap3A_1150 = arith.constant 16 : index
    %swap3A_1151 = tpu.vector_load %arg11[%swap3A_1149, %swap3A_1150] {strides = array<i32>} : memref<12x128xf32, #tpu.memory_space<vmem>>, vector<16xf32>,
    tpu.vector_store %arg11[%swap3A_1149, %swap3A_1150], %gather3A_1147 {strides = array<i32>} : memref<12x128xf32, #tpu.memory_space<vmem>>, vector<16xf32>,
    %get3A_1152 = arith.constant 32 : index
    %get3A_1153 = tpu.vector_load %arg6[%get3A_1152] {strides = array<i32>} : memref<128xi32, #tpu.memory_space<vmem>>, vector<16xi32>,
    %get3A_1154 = arith.constant 32 : index
    %get3A_1155 = tpu.vector_load %arg7[%get3A_1154] {strides = array<i32>} : memref<128xi32, #tpu.memory_space<vmem>>, vector<16xi32>,
    %gather3A_1156 = tpu.vector_load_idx %arg10[%get3A_1153, %get3A_1155] : memref<152x152xf32, #tpu.memory_space<vmem>>[vector<16xi32>, vector<16xi32>], vector<16xf32>,
    %swap3A_1157 = arith.constant 11 : i32
    %swap3A_1158 = arith.index_cast %swap3A_1157 : i32 to index
    %swap3A_1159 = arith.constant 32 : index
    %swap3A_1160 = tpu.vector_load %arg11[%swap3A_1158, %swap3A_1159] {strides = array<i32>} : memref<12x128xf32, #tpu.memory_space<vmem>>, vector<16xf32>,
    tpu.vector_store %arg11[%swap3A_1158, %swap3A_1159], %gather3A_1156 {strides = array<i32>} : memref<12x128xf32, #tpu.memory_space<vmem>>, vector<16xf32>,
    %get3A_1161 = arith.constant 48 : index
    %get3A_1162 = tpu.vector_load %arg6[%get3A_1161] {strides = array<i32>} : memref<128xi32, #tpu.memory_space<vmem>>, vector<16xi32>,
    %get3A_1163 = arith.constant 48 : index
    %get3A_1164 = tpu.vector_load %arg7[%get3A_1163] {strides = array<i32>} : memref<128xi32, #tpu.memory_space<vmem>>, vector<16xi32>,
    %gather3A_1165 = tpu.vector_load_idx %arg10[%get3A_1162, %get3A_1164] : memref<152x152xf32, #tpu.memory_space<vmem>>[vector<16xi32>, vector<16xi32>], vector<16xf32>,
    %swap3A_1166 = arith.constant 11 : i32
    %swap3A_1167 = arith.index_cast %swap3A_1166 : i32 to index
    %swap3A_1168 = arith.constant 48 : index
    %swap3A_1169 = tpu.vector_load %arg11[%swap3A_1167, %swap3A_1168] {strides = array<i32>} : memref<12x128xf32, #tpu.memory_space<vmem>>, vector<16xf32>,
    tpu.vector_store %arg11[%swap3A_1167, %swap3A_1168], %gather3A_1165 {strides = array<i32>} : memref<12x128xf32, #tpu.memory_space<vmem>>, vector<16xf32>,
    %get3A_1170 = arith.constant 64 : index
    %get3A_1171 = tpu.vector_load %arg6[%get3A_1170] {strides = array<i32>} : memref<128xi32, #tpu.memory_space<vmem>>, vector<16xi32>,
    %get3A_1172 = arith.constant 64 : index
    %get3A_1173 = tpu.vector_load %arg7[%get3A_1172] {strides = array<i32>} : memref<128xi32, #tpu.memory_space<vmem>>, vector<16xi32>,
    %gather3A_1174 = tpu.vector_load_idx %arg10[%get3A_1171, %get3A_1173] : memref<152x152xf32, #tpu.memory_space<vmem>>[vector<16xi32>, vector<16xi32>], vector<16xf32>,
    %swap3A_1175 = arith.constant 11 : i32
    %swap3A_1176 = arith.index_cast %swap3A_1175 : i32 to index
    %swap3A_1177 = arith.constant 64 : index
    %swap3A_1178 = tpu.vector_load %arg11[%swap3A_1176, %swap3A_1177] {strides = array<i32>} : memref<12x128xf32, #tpu.memory_space<vmem>>, vector<16xf32>,
    tpu.vector_store %arg11[%swap3A_1176, %swap3A_1177], %gather3A_1174 {strides = array<i32>} : memref<12x128xf32, #tpu.memory_space<vmem>>, vector<16xf32>,
    %get3A_1179 = arith.constant 80 : index
    %get3A_1180 = tpu.vector_load %arg6[%get3A_1179] {strides = array<i32>} : memref<128xi32, #tpu.memory_space<vmem>>, vector<16xi32>,
    %get3A_1181 = arith.constant 80 : index
    %get3A_1182 = tpu.vector_load %arg7[%get3A_1181] {strides = array<i32>} : memref<128xi32, #tpu.memory_space<vmem>>, vector<16xi32>,
    %gather3A_1183 = tpu.vector_load_idx %arg10[%get3A_1180, %get3A_1182] : memref<152x152xf32, #tpu.memory_space<vmem>>[vector<16xi32>, vector<16xi32>], vector<16xf32>,
    %swap3A_1184 = arith.constant 11 : i32
    %swap3A_1185 = arith.index_cast %swap3A_1184 : i32 to index
    %swap3A_1186 = arith.constant 80 : index
    %swap3A_1187 = tpu.vector_load %arg11[%swap3A_1185, %swap3A_1186] {strides = array<i32>} : memref<12x128xf32, #tpu.memory_space<vmem>>, vector<16xf32>,
    tpu.vector_store %arg11[%swap3A_1185, %swap3A_1186], %gather3A_1183 {strides = array<i32>} : memref<12x128xf32, #tpu.memory_space<vmem>>, vector<16xf32>,
    %get3A_1188 = arith.constant 96 : index
    %get3A_1189 = tpu.vector_load %arg6[%get3A_1188] {strides = array<i32>} : memref<128xi32, #tpu.memory_space<vmem>>, vector<16xi32>,
    %get3A_1190 = arith.constant 96 : index
    %get3A_1191 = tpu.vector_load %arg7[%get3A_1190] {strides = array<i32>} : memref<128xi32, #tpu.memory_space<vmem>>, vector<16xi32>,
    %gather3A_1192 = tpu.vector_load_idx %arg10[%get3A_1189, %get3A_1191] : memref<152x152xf32, #tpu.memory_space<vmem>>[vector<16xi32>, vector<16xi32>], vector<16xf32>,
    %swap3A_1193 = arith.constant 11 : i32
    %swap3A_1194 = arith.index_cast %swap3A_1193 : i32 to index
    %swap3A_1195 = arith.constant 96 : index
    %swap3A_1196 = tpu.vector_load %arg11[%swap3A_1194, %swap3A_1195] {strides = array<i32>} : memref<12x128xf32, #tpu.memory_space<vmem>>, vector<16xf32>,
    tpu.vector_store %arg11[%swap3A_1194, %swap3A_1195], %gather3A_1192 {strides = array<i32>} : memref<12x128xf32, #tpu.memory_space<vmem>>, vector<16xf32>,
    %get3A_1197 = arith.constant 112 : index
    %get3A_1198 = tpu.vector_load %arg6[%get3A_1197] {strides = array<i32>} : memref<128xi32, #tpu.memory_space<vmem>>, vector<16xi32>,
    %get3A_1199 = arith.constant 112 : index
    %get3A_1200 = tpu.vector_load %arg7[%get3A_1199] {strides = array<i32>} : memref<128xi32, #tpu.memory_space<vmem>>, vector<16xi32>,
    %gather3A_1201 = tpu.vector_load_idx %arg10[%get3A_1198, %get3A_1200] : memref<152x152xf32, #tpu.memory_space<vmem>>[vector<16xi32>, vector<16xi32>], vector<16xf32>,
    %swap3A_1202 = arith.constant 11 : i32
    %swap3A_1203 = arith.index_cast %swap3A_1202 : i32 to index
    %swap3A_1204 = arith.constant 112 : index
    %swap3A_1205 = tpu.vector_load %arg11[%swap3A_1203, %swap3A_1204] {strides = array<i32>} : memref<12x128xf32, #tpu.memory_space<vmem>>, vector<16xf32>,
    tpu.vector_store %arg11[%swap3A_1203, %swap3A_1204], %gather3A_1201 {strides = array<i32>} : memref<12x128xf32, #tpu.memory_space<vmem>>, vector<16xf32>,
    "tpu.region"() ({
      %run_scoped3A = tpu.sem_alloc : memref<!tpu.dma_semaphore, #tpu.memory_space<semaphore_mem>>
      %dma_start3A_1206 = arith.constant 0 : i32
      %dma_start3A_1207 = tpu.memref_slice %arg4[%and3A_2, %dma_start3A_1206, %mul3A_4] : memref<2x12x2048xf32, #tpu.memory_space<hbm>> -> memref<1x12x128xf32, #tpu.memory_space<hbm>>
      %dma_start3A_1208 = tpu.memref_squeeze %dma_start3A_1207 : memref<1x12x128xf32, #tpu.memory_space<hbm>> -> memref<12x128xf32, #tpu.memory_space<hbm>>
      %dma_start3A_1209 = arith.constant 0 : i32
      %dma_start3A_1210 = tpu.memref_slice %arg4[%and3A_2, %dma_start3A_1209, %mul3A_4] : memref<2x12x2048xf32, #tpu.memory_space<hbm>> -> memref<1x12x128xf32, #tpu.memory_space<hbm>>
      %dma_start3A_1211 = tpu.memref_squeeze %dma_start3A_1210 : memref<1x12x128xf32, #tpu.memory_space<hbm>> -> memref<12x128xf32, #tpu.memory_space<hbm>>
      tpu.enqueue_dma source(%arg11 : memref<12x128xf32, #tpu.memory_space<vmem>>) target(%dma_start3A_1211 : memref<12x128xf32, #tpu.memory_space<hbm>>) target_semaphore(%run_scoped3A : memref<!tpu.dma_semaphore, #tpu.memory_space<semaphore_mem>>)
      %dma_wait3A_1212 = arith.constant 0 : i32
      %dma_wait3A_1213 = tpu.memref_slice %arg4[%and3A_2, %dma_wait3A_1212, %mul3A_4] : memref<2x12x2048xf32, #tpu.memory_space<hbm>> -> memref<1x12x128xf32, #tpu.memory_space<hbm>>
      %dma_wait3A_1214 = tpu.memref_squeeze %dma_wait3A_1213 : memref<1x12x128xf32, #tpu.memory_space<hbm>> -> memref<12x128xf32, #tpu.memory_space<hbm>>
      %dma_wait3A_1215 = arith.constant 0 : i32
      %dma_wait3A_1216 = tpu.memref_slice %arg4[%and3A_2, %dma_wait3A_1215, %mul3A_4] : memref<2x12x2048xf32, #tpu.memory_space<hbm>> -> memref<1x12x128xf32, #tpu.memory_space<hbm>>
      %dma_wait3A_1217 = tpu.memref_squeeze %dma_wait3A_1216 : memref<1x12x128xf32, #tpu.memory_space<hbm>> -> memref<12x128xf32, #tpu.memory_space<hbm>>
      tpu.wait_dma2 semaphore(%run_scoped3A : memref<!tpu.dma_semaphore, #tpu.memory_space<semaphore_mem>>) src(%arg11 : memref<12x128xf32, #tpu.memory_space<vmem>>) dst(%dma_wait3A_1217 : memref<12x128xf32, #tpu.memory_space<hbm>>)
      tpu.yield
    }) : () -> ()
    return
  }
}

module attributes {stable_mosaic.version = 14 : i64} {
  func.func @_loss_body(%arg0: memref<2x12x2048xf32, #tpu.memory_space<vmem>>, %arg1: memref<1x2048xf32, #tpu.memory_space<vmem>>, %arg2: memref<1x2048xf32, #tpu.memory_space<vmem>>, %arg3: memref<1x1xf32, #tpu.memory_space<smem>>) attributes {dimension_semantics = [], scalar_prefetch = 0 : i64, scratch_operands = 0 : i64, tpu.core_type = #tpu.core_type<tc>} {
    %get3A = arith.constant 0 : index
    %get3A_0 = arith.constant 0 : index
    %get3A_1 = arith.constant 0 : index
    %get3A_2 = vector.load %arg0[%get3A, %get3A_0, %get3A_1] : memref<2x12x2048xf32, #tpu.memory_space<vmem>>, vector<1x12x2048xf32>
    %get3A_3 = vector.shape_cast %get3A_2 : vector<1x12x2048xf32> to vector<12x2048xf32>
    %get3A_4 = arith.constant 1 : index
    %get3A_5 = arith.constant 0 : index
    %get3A_6 = arith.constant 0 : index
    %get3A_7 = vector.load %arg0[%get3A_4, %get3A_5, %get3A_6] : memref<2x12x2048xf32, #tpu.memory_space<vmem>>, vector<1x12x2048xf32>
    %get3A_8 = vector.shape_cast %get3A_7 : vector<1x12x2048xf32> to vector<12x2048xf32>
    %get3A_9 = arith.constant 0 : index
    %get3A_10 = arith.constant 0 : index
    %get3A_11 = vector.load %arg1[%get3A_9, %get3A_10] : memref<1x2048xf32, #tpu.memory_space<vmem>>, vector<1x2048xf32>
    %get3A_12 = arith.constant 0 : index
    %get3A_13 = arith.constant 0 : index
    %get3A_14 = vector.load %arg2[%get3A_12, %get3A_13] : memref<1x2048xf32, #tpu.memory_space<vmem>>, vector<1x2048xf32>
    %jit3A = arith.constant 6.28318548 : f32
    %rem3A = vector.broadcast %jit3A : f32 to vector<1x2048xf32>
    %rem3A_15 = arith.remf %get3A_14, %rem3A : vector<1x2048xf32>
    %ne3A = arith.constant 0.000000e+00 : f32
    %ne3A_16 = vector.broadcast %ne3A : f32 to vector<1x2048xf32>
    %ne3A_17 = arith.cmpf one, %rem3A_15, %ne3A_16 : vector<1x2048xf32>
    %lt3A = arith.constant 0.000000e+00 : f32
    %lt3A_18 = vector.broadcast %lt3A : f32 to vector<1x2048xf32>
    %lt3A_19 = arith.cmpf olt, %rem3A_15, %lt3A_18 : vector<1x2048xf32>
    %lt3A_20 = arith.constant 0.000000e+00 : f32
    %lt3A_21 = arith.cmpf olt, %jit3A, %lt3A_20 : f32
    %ne3A_22 = vector.broadcast %lt3A_21 : i1 to vector<1x2048xi1>
    %ne3A_23 = vector.broadcast %ne3A_22 : vector<1x2048xi1> to vector<1x2048xi1>
    %ne3A_24 = arith.xori %lt3A_19, %ne3A_23 : vector<1x2048xi1>
    %and3A = arith.andi %ne3A_24, %ne3A_17 : vector<1x2048xi1>
    %add3A = vector.broadcast %jit3A : f32 to vector<1x2048xf32>
    %add3A_25 = arith.addf %rem3A_15, %add3A : vector<1x2048xf32>
    %select_n3A = arith.select %and3A, %add3A_25, %rem3A_15 : vector<1x2048xi1>, vector<1x2048xf32>
    %add3A_26 = arith.constant 0.261799395 : f32
    %add3A_27 = vector.broadcast %add3A_26 : f32 to vector<1x2048xf32>
    %add3A_28 = arith.addf %select_n3A, %add3A_27 : vector<1x2048xf32>
    %jit3A_29 = arith.constant 6.28318548 : f32
    %rem3A_30 = vector.broadcast %jit3A_29 : f32 to vector<1x2048xf32>
    %rem3A_31 = arith.remf %add3A_28, %rem3A_30 : vector<1x2048xf32>
    %ne3A_32 = arith.constant 0.000000e+00 : f32
    %ne3A_33 = vector.broadcast %ne3A_32 : f32 to vector<1x2048xf32>
    %ne3A_34 = arith.cmpf one, %rem3A_31, %ne3A_33 : vector<1x2048xf32>
    %lt3A_35 = arith.constant 0.000000e+00 : f32
    %lt3A_36 = vector.broadcast %lt3A_35 : f32 to vector<1x2048xf32>
    %lt3A_37 = arith.cmpf olt, %rem3A_31, %lt3A_36 : vector<1x2048xf32>
    %lt3A_38 = arith.constant 0.000000e+00 : f32
    %lt3A_39 = arith.cmpf olt, %jit3A_29, %lt3A_38 : f32
    %ne3A_40 = vector.broadcast %lt3A_39 : i1 to vector<1x2048xi1>
    %ne3A_41 = vector.broadcast %ne3A_40 : vector<1x2048xi1> to vector<1x2048xi1>
    %ne3A_42 = arith.xori %lt3A_37, %ne3A_41 : vector<1x2048xi1>
    %and3A_43 = arith.andi %ne3A_42, %ne3A_34 : vector<1x2048xi1>
    %add3A_44 = vector.broadcast %jit3A_29 : f32 to vector<1x2048xf32>
    %add3A_45 = arith.addf %rem3A_31, %add3A_44 : vector<1x2048xf32>
    %select_n3A_46 = arith.select %and3A_43, %add3A_45, %rem3A_31 : vector<1x2048xi1>, vector<1x2048xf32>
    %div3A = arith.constant 0.52359879 : f32
    %div3A_47 = vector.broadcast %div3A : f32 to vector<1x2048xf32>
    %div3A_48 = arith.divf %select_n3A_46, %div3A_47 : vector<1x2048xf32>
    %floor3A = math.floor %div3A_48 : vector<1x2048xf32>
    %convert_element_type3A = arith.fptosi %floor3A : vector<1x2048xf32> to vector<1x2048xi32>
    %mul3A = arith.constant 0.52359879 : f32
    %mul3A_49 = vector.broadcast %mul3A : f32 to vector<1x2048xf32>
    %mul3A_50 = arith.mulf %floor3A, %mul3A_49 : vector<1x2048xf32>
    %add3A_51 = arith.constant 0.261799395 : f32
    %add3A_52 = vector.broadcast %add3A_51 : f32 to vector<1x2048xf32>
    %add3A_53 = arith.addf %mul3A_50, %add3A_52 : vector<1x2048xf32>
    %sub3A = arith.subf %select_n3A_46, %add3A_53 : vector<1x2048xf32>
    %div3A_54 = arith.constant 0.261799395 : f32
    %div3A_55 = vector.broadcast %div3A_54 : f32 to vector<1x2048xf32>
    %div3A_56 = arith.divf %sub3A, %div3A_55 : vector<1x2048xf32>
    %reduce_max3A = arith.constant dense<0xFF800000> : vector<2048xf32>
    %reduce_max3A_57 = vector.multi_reduction <maximumf>, %get3A_3, %reduce_max3A [0] : vector<12x2048xf32> to vector<2048xf32>
    %broadcast_in_dim3A = vector.shape_cast %reduce_max3A_57 : vector<2048xf32> to vector<1x2048xf32>
    %sub3A_58 = vector.broadcast %broadcast_in_dim3A : vector<1x2048xf32> to vector<12x2048xf32>
    %sub3A_59 = arith.subf %get3A_3, %sub3A_58 : vector<12x2048xf32>
    %exp3A = math.exp %sub3A_59 : vector<12x2048xf32>
    %reduce_sum3A = arith.constant dense<0.000000e+00> : vector<2048xf32>
    %reduce_sum3A_60 = vector.multi_reduction <add>, %exp3A, %reduce_sum3A [0] : vector<12x2048xf32> to vector<2048xf32>
    %broadcast_in_dim3A_61 = vector.shape_cast %reduce_sum3A_60 : vector<2048xf32> to vector<1x2048xf32>
    %log3A = math.log %broadcast_in_dim3A_61 : vector<1x2048xf32>
    %sub3A_62 = vector.broadcast %log3A : vector<1x2048xf32> to vector<12x2048xf32>
    %sub3A_63 = arith.subf %sub3A_59, %sub3A_62 : vector<12x2048xf32>
    %iota3A = tpu.iota {dimensions = array<i32: 0>} : vector<12x2048xi32>
    %eq3A = vector.broadcast %convert_element_type3A : vector<1x2048xi32> to vector<12x2048xi32>
    %eq3A_64 = arith.cmpi eq, %iota3A, %eq3A : vector<12x2048xi32>
    %convert_element_type3A_65 = arith.extui %eq3A_64 : vector<12x2048xi1> to vector<12x2048xi32>
    %convert_element_type3A_66 = arith.sitofp %convert_element_type3A_65 : vector<12x2048xi32> to vector<12x2048xf32>
    %mul3A_67 = arith.mulf %sub3A_63, %convert_element_type3A_66 : vector<12x2048xf32>
    %reduce_sum3A_68 = arith.constant dense<0.000000e+00> : vector<2048xf32>
    %reduce_sum3A_69 = vector.multi_reduction <add>, %mul3A_67, %reduce_sum3A_68 [0] : vector<12x2048xf32> to vector<2048xf32>
    %broadcast_in_dim3A_70 = vector.shape_cast %reduce_sum3A_69 : vector<2048xf32> to vector<1x2048xf32>
    %mul3A_71 = arith.mulf %broadcast_in_dim3A_70, %get3A_11 : vector<1x2048xf32>
    %mul3A_72 = arith.mulf %get3A_8, %convert_element_type3A_66 : vector<12x2048xf32>
    %reduce_sum3A_73 = arith.constant dense<0.000000e+00> : vector<2048xf32>
    %reduce_sum3A_74 = vector.multi_reduction <add>, %mul3A_72, %reduce_sum3A_73 [0] : vector<12x2048xf32> to vector<2048xf32>
    %broadcast_in_dim3A_75 = vector.shape_cast %reduce_sum3A_74 : vector<2048xf32> to vector<1x2048xf32>
    %sub3A_76 = arith.subf %broadcast_in_dim3A_75, %div3A_56 : vector<1x2048xf32>
    %abs3A = math.absf %sub3A_76 : vector<1x2048xf32>
    %lt3A_77 = arith.constant 1.000000e+00 : f32
    %lt3A_78 = vector.broadcast %lt3A_77 : f32 to vector<1x2048xf32>
    %lt3A_79 = arith.cmpf olt, %abs3A, %lt3A_78 : vector<1x2048xf32>
    %mul3A_80 = arith.constant 5.000000e-01 : f32
    %mul3A_81 = vector.broadcast %mul3A_80 : f32 to vector<1x2048xf32>
    %mul3A_82 = arith.mulf %mul3A_81, %sub3A_76 : vector<1x2048xf32>
    %mul3A_83 = arith.mulf %mul3A_82, %sub3A_76 : vector<1x2048xf32>
    %sub3A_84 = arith.constant 5.000000e-01 : f32
    %sub3A_85 = vector.broadcast %sub3A_84 : f32 to vector<1x2048xf32>
    %sub3A_86 = arith.subf %abs3A, %sub3A_85 : vector<1x2048xf32>
    %select_n3A_87 = arith.select %lt3A_79, %mul3A_83, %sub3A_86 : vector<1x2048xi1>, vector<1x2048xf32>
    %mul3A_88 = arith.mulf %select_n3A_87, %get3A_11 : vector<1x2048xf32>
    %reduce_sum3A_89 = vector.shape_cast %get3A_11 : vector<1x2048xf32> to vector<1x1x2048xf32>
    %reduce_sum3A_90 = arith.constant dense<0.000000e+00> : vector<1xf32>
    %reduce_sum3A_91 = vector.multi_reduction <add>, %reduce_sum3A_89, %reduce_sum3A_90 [1, 2] : vector<1x1x2048xf32> to vector<1xf32>
    %reduce_sum3A_92 = vector.shape_cast %reduce_sum3A_91 : vector<1xf32> to vector<1x1x1xf32>
    %reduce_sum3A_93 = vector.extract %reduce_sum3A_92[0, 0, 0] : f32 from vector<1x1x1xf32>
    %max3A = arith.constant 1.000000e+00 : f32
    %max3A_94 = arith.maximumf %reduce_sum3A_93, %max3A : f32
    %reduce_sum3A_95 = vector.shape_cast %mul3A_88 : vector<1x2048xf32> to vector<1x1x2048xf32>
    %reduce_sum3A_96 = arith.constant dense<0.000000e+00> : vector<1xf32>
    %reduce_sum3A_97 = vector.multi_reduction <add>, %reduce_sum3A_95, %reduce_sum3A_96 [1, 2] : vector<1x1x2048xf32> to vector<1xf32>
    %reduce_sum3A_98 = vector.shape_cast %reduce_sum3A_97 : vector<1xf32> to vector<1x1x1xf32>
    %reduce_sum3A_99 = vector.extract %reduce_sum3A_98[0, 0, 0] : f32 from vector<1x1x1xf32>
    %reduce_sum3A_100 = vector.shape_cast %mul3A_71 : vector<1x2048xf32> to vector<1x1x2048xf32>
    %reduce_sum3A_101 = arith.constant dense<0.000000e+00> : vector<1xf32>
    %reduce_sum3A_102 = vector.multi_reduction <add>, %reduce_sum3A_100, %reduce_sum3A_101 [1, 2] : vector<1x1x2048xf32> to vector<1xf32>
    %reduce_sum3A_103 = vector.shape_cast %reduce_sum3A_102 : vector<1xf32> to vector<1x1x1xf32>
    %reduce_sum3A_104 = vector.extract %reduce_sum3A_103[0, 0, 0] : f32 from vector<1x1x1xf32>
    %sub3A_105 = arith.subf %reduce_sum3A_99, %reduce_sum3A_104 : f32
    %div3A_106 = arith.divf %sub3A_105, %max3A_94 : f32
    %swap3A = arith.constant 0 : index
    %swap3A_107 = arith.constant 0 : index
    %swap3A_108 = memref.load %arg3[%swap3A, %swap3A_107] : memref<1x1xf32, #tpu.memory_space<smem>>
    memref.store %div3A_106, %arg3[%swap3A, %swap3A_107] : memref<1x1xf32, #tpu.memory_space<smem>>
    return
  }
}

</mosaic_0001>

<sc_bundles>
// kernel: kernel.4.cloned.1.call-start
scs
__scs_entry_jumppad:
0x0: {  	(pc) =	sbr.rel $0x88, $3  }
0x1: {  	(tag) =	ssettag $0x0;
	lr =	simm.s32 $0x1  }
0x2: {  	[smem:$0x3F9D] =	sst lr;
	_ =	strace $0xD0000000  }
0x3: {  	_ = 	snop  }
0x4: {  	_ = 	snop  }
0x5: {  	_ = 	snop  }
0x6: {  	_ = 	snop  }
0x7: {  	_ = 	snop  }
__scs_overlays_trampoline_lowered:
0x8: {  	[smem:$0x3FAC] =	sst s0  }
0x9: {  	[smem:$0x3FAD] =	sst s1  }
0xa: {  	[smem:$0x3FAE] =	sst s2  }
0xb: {  	[smem:$0x3FAF] =	sst s3  }
0xc: {  	[smem:$0x3FB0] =	sst s4  }
0xd: {  	[smem:$0x3FB1] =	sst s5  }
0xe: {  	[smem:$0x3FB2] =	sst s6  }
0xf: {  	[smem:$0x3FB3] =	sst s7  }
0x10: {  	[smem:$0x3FB4] =	sst s8  }
0x11: {  	[smem:$0x3FB5] =	sst s9;
	s0 =	simm.s32 @!p0 $0x0  }
0x12: {  	s1 =	sld [smem:$0x3F9B];
	s0 =	simm.s32 @p0 $0x1  }
0x13: {  	[smem:$0x3FB6] =	sst s0;
	s0 =	simm.s32 @!p1 $0x0  }
0x14: {  	s2 =	sld [smem:$0x3F9A];
	s0 =	simm.s32 @p1 $0x1  }
0x15: {  	[smem:$0x3FB7] =	sst s0;
	s0 =	simm.s32 @!p2 $0x0  }
0x16: {  	s3 =	sld [smem:$0x3FDB];
	s0 =	simm.s32 @p2 $0x1  }
0x17: {  	s4 =	simm.s32 $0x1BF5;
	[smem:$0x3FB9] =	sst s0  }
0x18: {  	s0 =	sld [smem:$0x3F9C];
	_ =	swait.ge [sflag:s4], $0x0  }
0x19: {  	s7 =	sld [smem:$0x3F9D]  }
0x1a: {  	s8 =	sadd.s32 $0xFFFFE003, lr  }
0x1b: {  	s9 =	sadd.s32 $0xFFFFFEF7, lr;
	s5 =	simm.s32 $0xFFFFFFFF;
	p2 =	slt.u32 s8, $0xFFFFF086  }
0x1c: {  	p1 =	slt.u32 s9, $0xF7A;
	s5 =	simm.s32 @!p2 $0x0  }
0x1d: {  	s5 =	simm.s32 @p1 $0x1;
	p0 =	seq.s32 s7, s2  }
0x1e: {  	s7 =	smul.u32 @!p0 $0xF7A, s2;
	p2 =	seq.s32 @!p0 s5, $0x0  }
0x1f: {  	s9 =	smul.u32 $0xF7A, s1;
	s8 =	simm.s32 @!p0 $0x1BF5;
	p2 =	por !p2, p0  }
0x20: {  	[sflag:s8] =	ssyncset.s32 @!p0 $0xFFFFF086;
	s6 =	sadd.s32 @!p0 s3, s7;
	s7 =	simm.s32 @!p0 $0x108  }
0x21: {  	s3 =	sadd.s32 s3, s9;
	s6 =	sadd.s32 @!p0 $0x88, s6;
	s7 =	simm.s32 @p2 $0x1082  }
0x22: {  	[simem:s7], [sflag:s8] =	dma.local @!p0 [hbm:s6], $0xF7A  }
0x23: {  	s9 =	sor.u32 $0xD0000000, s2;
	s6 =	simm.s32 $0x108;
	_ =	swait.ge @!p0 [sflag:s8], $0x0  }
0x24: {  	s3 =	sadd.s32 $0x88, s3;
	s6 =	simm.s32 @!p1 $0x1082;
	[sflag:s4] =	ssyncset.s32 $0xFFFFF086  }
0x25: {  	[simem:s6], [sflag:s4] =	dma.local [hbm:s3], $0xF7A  }
0x26: {  	[smem:$0x3F9D] =	sst s1;
	(tag) =	ssettag s2;
	_ =	strace s9  }
0x27: {  	s1 =	sld [smem:$0x3FAD]  }
0x28: {  	s2 =	sld [smem:$0x3FAE]  }
0x29: {  	s4 =	sld [smem:$0x3FB0]  }
0x2a: {  	p0 =	seq.s32 s5, $0x0;
	s5 =	sld [smem:$0x3FB1]  }
0x2b: {  	s6 =	sld [smem:$0x3FB2]  }
0x2c: {  	s7 =	sld [smem:$0x3FB3]  }
0x2d: {  	s3 =	simm.s32 $0x108;
	s8 =	sld [smem:$0x3FB4]  }
0x2e: {  	s3 =	simm.s32 @!p0 $0x1082;
	s9 =	sld [smem:$0x3FB5]  }
0x2f: {  	lr =	sadd.s32 s0, s3;
	s0 =	sld [smem:$0x3FAC]  }
0x30: {  	s3 =	sld [smem:$0x3FAF]  }
0x31: {  	[smem:$0x3FB8] =	sst s10  }
0x32: {  	s10 =	sld [smem:$0x3FB6];
	_ =	sdelay $0x3  }
0x33: {  	p0 =	seq.s32 s10, $0x1;
	s10 =	sld [smem:$0x3FB8];
	_ =	sdelay $0x3  }
0x34: {  	[smem:$0x3FB8] =	sst s10  }
0x35: {  	s10 =	sld [smem:$0x3FB7];
	_ =	sdelay $0x3  }
0x36: {  	p1 =	seq.s32 s10, $0x1;
	s10 =	sld [smem:$0x3FB8];
	_ =	sdelay $0x3  }
0x37: {  	[smem:$0x3FB8] =	sst s10  }
0x38: {  	s10 =	sld [smem:$0x3FB9]  }
0x39: {  	_ = 	snop;
	(pc) =	sbr.ind lr, $3  }
0x3a: {  	_ = 	snop  }
0x3b: {  	_ = 	snop  }
0x3c: {  	p2 =	seq.s32 s10, $0x1;
	s10 =	sld [smem:$0x3FB8]  }
0x3d: {  	_ =	shalt  }
0x3e: {  	_ =	shalt  }
0x3f: {  	_ =	shalt  }
0x40: {  	_ =	shalt  }
0x41: {  	_ =	shalt  }
0x42: {  	_ =	shalt  }
0x43: {  	_ =	shalt  }
0x44: {  	_ =	shalt  }
0x45: {  	_ =	shalt  }
0x46: {  	_ =	shalt  }
0x47: {  	_ =	shalt  }
0x48: {  	_ =	shalt  }
0x49: {  	_ =	shalt  }
0x4a: {  	_ =	shalt  }
0x4b: {  	_ =	shalt  }
0x4c: {  	_ =	shalt  }
0x4d: {  	_ =	shalt  }
0x4e: {  	_ =	shalt  }
0x4f: {  	_ =	shalt  }
0x50: {  	_ =	shalt  }
0x51: {  	_ =	shalt  }
0x52: {  	_ =	shalt  }
0x53: {  	_ =	shalt  }
0x54: {  	_ =	shalt  }
0x55: {  	_ =	shalt  }
0x56: {  	_ =	shalt  }
0x57: {  	_ =	shalt  }
0x58: {  	_ =	shalt  }
0x59: {  	_ =	shalt  }
0x5a: {  	_ =	shalt  }
0x5b: {  	_ =	shalt  }
0x5c: {  	_ =	shalt  }
0x5d: {  	_ =	shalt  }
0x5e: {  	_ =	shalt  }
0x5f: {  	_ =	shalt  }
0x60: {  	_ =	shalt  }
0x61: {  	_ =	shalt  }
0x62: {  	_ =	shalt  }
0x63: {  	_ =	shalt  }
0x64: {  	_ =	shalt  }
0x65: {  	_ =	shalt  }
0x66: {  	_ =	shalt  }
0x67: {  	_ =	shalt  }
0x68: {  	_ =	shalt  }
0x69: {  	_ =	shalt  }
0x6a: {  	_ =	shalt  }
0x6b: {  	_ =	shalt  }
0x6c: {  	_ =	shalt  }
0x6d: {  	_ =	shalt  }
0x6e: {  	_ =	shalt  }
0x6f: {  	_ =	shalt  }
0x70: {  	_ =	shalt  }
0x71: {  	_ =	shalt  }
0x72: {  	_ =	shalt  }
0x73: {  	_ =	shalt  }
0x74: {  	_ =	shalt  }
0x75: {  	_ =	shalt  }
0x76: {  	_ =	shalt  }
0x77: {  	_ =	shalt  }
0x78: {  	_ =	shalt  }
0x79: {  	_ =	shalt  }
0x7a: {  	_ =	shalt  }
0x7b: {  	_ =	shalt  }
0x7c: {  	_ =	shalt  }
0x7d: {  	_ =	shalt  }
0x7e: {  	_ =	shalt  }
0x7f: {  	_ =	shalt  }
0x80: {  	_ =	shalt  }
0x81: {  	_ =	shalt  }
0x82: {  	_ =	shalt  }
0x83: {  	_ =	shalt  }
0x84: {  	_ =	shalt  }
0x85: {  	_ =	shalt  }
0x86: {  	_ =	shalt  }
0x87: {  	_ =	shalt  }
.Lfunc_end0:
.L_simem_size_0:
called_computation_lowered:
.L_overlay_start_0:
0x88: {  	s2 =	sld [smem:$0x3FD9]  }
0x89: {  	s3 =	sld [smem:$0x3FFE];
	_ =	sdelay $0x1  }
0x8a: {  	s1 =	srdreg.scid  }
0x8b: {  	s0 =	sand.u32 $0x1, s1  }
0x8c: {  	s17 =	sshll.u32 s0, $0xA;
	s2 =	sadd.s32 s3, s2  }
0x8d: {  	s2 =	sadd.s32 s2, s17  }
0x8e: {  	[smem:$0x3FC4] =	sst s2  }
0x8f: {  	_ = 	snop  }
0x90: {  	s2 =	sld [smem:$0x3FC9]  }
0x91: {  	s18 =	sld [smem:$0x3FC7];
	(tm) =	ssettm $0x1  }
0x92: {  	s4 =	sld [smem:$0x3FFB];
	_ =	sdelay $0x3  }
0x93: {  	_ =	strace s4  }
0x94: {  	s4 =	sld [smem:$0x3FFC];
	_ =	sdelay $0x3  }
0x95: {  	_ =	strace s4  }
0x96: {  	s4 =	sld [smem:$0x3FFD];
	_ =	sdelay $0x3  }
0x97: {  	_ =	strace s4  }
0x98: {  	_ =	strace $0x8FFFFFFF  }
0x99: {  	s19 =	sld [smem:$0x3FDB];
	_ =	sdelay $0x1  }
0x9a: {  	s5 =	simm.s32 $_scs_section_size  }
0x9b: {  	s6 =	simm.s32 $_size__tile_overlayer_lowered;
	s7 =	simm.s32 $_tile_overlayer_lowered  }
0x9c: {  	s22 =	simm.s32 $0x1BFF;
	s21 =	sshll.u32 s7, $0x1;
	s4 =	sadd.s32 s5, s19  }
0x9d: {  	s8 =	simm.s32 $0x0;
	s20 =	sshll.u32 s6, $0x1;
	s6 =	sadd.s32 s21, s4  }
0x9e: {  	[timem:s8], [sflag:s22] =	dma.local [hbm:s6], s20  }
0x9f: {  	_ =	swait.ge [sflag:s22], s20  }
0xa0: {  	s5 =	ssub.s32 $0x0, s20;
	[sflag:s22] =	ssyncset.done $0x0  }
0xa1: {  	[sflag:s22] =	ssyncadd.s32 s5;
	_ =	sdelay $0x1  }
0xa2: {  	s23 =	simm.s32 $0x1B8B  }
0xa3: {  	_ =	swait.ge [sflag:s23], $0x1  }
0xa4: {  	[sflag:s23] =	ssyncset.done $0x0  }
0xa5: {  	s25 =	simm.s32 $0x1B8E;
	s24 =	sld [smem:$0x3FFE];
	[sflag:s23] =	ssyncadd.s32 $0xFFFFFFFF  }
0xa6: {  	s26 =	simm.s32 $execute0_lowered;
	[smem:$0x3FD2] =	sst s25  }
0xa7: {  	s6 =	sshll.u32 s26, $0x1;
	_ =	strace $0x80000046;
	[dreg:$0x1] =	wrdreg $0xFFFFFFFF  }
0xa8: {  	s28 =	simm.s32 $_size_execute0_lowered;
	s4 =	sadd.s32 s4, s6;
	[dreg:$0x0] =	wrdreg $0x0  }
0xa9: {  	s6 =	sshll.u32 s28, $0x1;
	[dreg:$0x2] =	wrdreg s4  }
0xaa: {  	[dreg:$0x3] =	wrdreg s6  }
0xab: {  	[dreg:$0x4] =	wrdreg $0xC0  }
0xac: {  	_ =	task [dreg:s8], $0x5FFFF  }
0xad: {  	[dreg:$0x1] =	wrdreg $0xFFFFFFFF  }
0xae: {  	[dreg:$0x0] =	wrdreg $0x60  }
0xaf: {  	[dreg:$0x2] =	wrdreg s2  }
0xb0: {  	[dreg:$0x3] =	wrdreg s18  }
0xb1: {  	[dreg:$0x4] =	wrdreg s24  }
0xb2: {  	[dreg:$0x5] =	wrdreg $0x9  }
0xb3: {  	_ =	task.clear_ibuf [dreg:s8], $0x6FFFF;
	_ =	strace $0x90000046  }
0xb4: {  	s29 =	simm.s32 $0x9;
	_ =	strace $0x80000048  }
0xb5: {  	_ =	swait.ge [sflag:s29], $0x1  }
0xb6: {  	[sflag:s29] =	ssyncadd.s32 $0xFFFFFFFF  }
0xb7: {  	_ =	strace $0x90000048  }
0xb8: {  	_ =	sfence  }
0xb9: {  	s30 =	sld [smem:$0x0];
	_ =	sdelay $0x2  }
0xba: {  	s31 =	sshll.u32 s1, $0xD;
	s1 =	sshrl.u32 s1, $0x2  }
0xbb: {  	s3 =	sand.u32 $0x4000, s31;
	s1 =	sadd.s32 s1, s30  }
0xbc: {  	s0 =	sor.u32 s3, s0;
	s1 =	sshll.u32 s1, $0x11  }
0xbd: {  	s0 =	sor.u32 s1, s0  }
0xbe: {  	s0 =	sadd.s32 $0x8F2B, s0  }
0xbf: {  	[sflag:s0] =	ssyncadd.remote.s32 $0x1  }
0xc0: {  	_ =	sfence.sel $0xFFFF  }
0xc1: {  	[dreg:$0x0] =	wrdreg $0xFFFFFFFF;
	(pc) =	sbr.abs _section_cstart, $3  }
0xc2: {  	[dreg:$0x1] =	wrdreg $0xFFFFFFFF  }
0xc3: {  	_ =	task.clear_ibuf [dreg:s8], $0x2FFFF;
	_ =	strace $0x9FFFFFFF  }
0xc4: {  	(tm) =	ssettm $0x7FFFFFFF  }
0xc5: {  	_ =	shalt  }
tec
execute0_lowered:
.L_overlay_start_1:
0x0: {  	(tag) =	ssettag $0x1  }
0x1: {  	s6 =	stileid.u32;
	s2 =	rddreg [dreg:$0x0]  }
0x2: {  	s0 =	srdreg.scid;
	s4 =	rddreg [dreg:$0x1]  }
0x3: {  	s5 =	rddreg [dreg:$0x2];
	s0 =	sand.u32 $0x1, s0;
	s1 =	smul.u32 $0xE4000, s6  }
0x4: {  	s11 =	simm.s32 $0x0;
	s29 =	simm.s32 $0x1C980;
	s3 =	smul.u32 $0x72000, s0  }
0x5: {  	s31 =	simm.s32 $0x1CD80;
	[smem:$0x7FF] =	sst s11;
	s12 =	sshll.u32 s6, $0x4  }
0x6: {  	_ =	strace $0x80000047;
	[dreg:$0x10] =	wrdreg s29;
	s1 =	sadd.s32 s3, s1  }
0x7: {  	s13 =	sadd.s32 s4, s12;
	[dreg:$0x12] =	wrdreg s31;
	s1 =	sshrl.u32 s1, $0x3  }
0x8: {  	[dreg:$0x5] =	wrdreg s13;
	s7 =	sadd.s32 s2, s1  }
0x9: {  	s1 =	sadd.s32 $0x1300, s7;
	[dreg:$0x13] =	wrdreg s7  }
0xa: {  	s14 =	sadd.s32 $0x2600, s7;
	[dreg:$0x4] =	wrdreg s1  }
0xb: {  	s15 =	sadd.s32 $0x3900, s7;
	[dreg:$0x6] =	wrdreg s14  }
0xc: {  	s16 =	sadd.s32 $0x4C00, s7;
	[dreg:$0x7] =	wrdreg s15  }
0xd: {  	s17 =	sadd.s32 $0x5F00, s7;
	[dreg:$0x8] =	wrdreg s16  }
0xe: {  	s18 =	sadd.s32 $0x7200, s7;
	[dreg:$0x9] =	wrdreg s17  }
0xf: {  	s19 =	sshll.u32 s6, $0x7;
	s20 =	sadd.s32 $0x8500, s7;
	[dreg:$0xa] =	wrdreg s18  }
0x10: {  	v0 =	vimm.s32 $0xECA86420;
	vm0 =	vcmask $0xB08;
	vm1 =	vcmask $0x1310;
	s22 =	ssub.s32 $0x2, s0;
	s21 =	sadd.s32 $0x9800, s7;
	[dreg:$0xb] =	wrdreg s20  }
0x11: {  	vm2 =	vcmask $0x1B18;
	vm3 =	vcmask $0x300;
	vm4 =	vcmask $0x2320;
	s0 =	sshll.u32 s0, $0xC;
	s23 =	sadd.s32 $0xAB00, s7;
	[dreg:$0xc] =	wrdreg s21  }
0x12: {  	vm5 =	vcmask $0x2B28;
	vm6 =	vcmask $0x3330;
	vm7 =	vcmask $0x3B38;
	s2 =	sadd.s32 s19, s5;
	s25 =	sadd.s32 $0xBE00, s7;
	[dreg:$0xd] =	wrdreg s23  }
0x13: {  	v1 =	vlaneseq.u32;
	vm8 =	vmmov $0xff;
	vm9 =	vcmask $0x704;
	s26 =	sadd.s32 $0xD100, s7;
	s0 =	sadd.s32 s0, s2;
	[dreg:$0xe] =	wrdreg s25  }
0x14: {  	vm10 =	vcmask $0xF0C;
	vm11 =	vcmask $0x1714;
	v0 =	vunpack.c.l.s4.s8 v0;
	s24 =	sshrl.u32 s22, $0x1;
	[dreg:$0xf] =	wrdreg s26;
	s28 =	sadd.s32 $0xA00, s0  }
0x15: {  	vm12 =	vcmask $0x1F1C;
	vm13 =	vcmask $0x2724;
	vm14 =	vcmask $0x2F2C;
	s3 =	ssub.s32 s22, s24;
	[dreg:$0x14] =	wrdreg s28;
	s30 =	sadd.s32 $0x800, s28  }
0x16: {  	vm15 =	vcmask $0x3734;
	v1 =	vmul.u32 $0x2, v1;
	v0 =	vunpack.c.0.s8.s32 v0;
	s2 =	smax.u32 s3, $0x1;
	[dreg:$0x11] =	wrdreg s30  }
.LBB2_1:
0x17: {  	[dreg:$0x15] =	wrdreg s2  }
0x18: {  	s16 =	simm.s32 $0x0;
	s1 =	rddreg [dreg:$0x13];
	s3 =	simm.s32 $0x180  }
0x19: {  	[tilespmem:s3], [sflag:$0x1] =	stream.linear.gather [hbm4b:s1+s16], $0x9800, $0x38;
	[tilespmem:$0x1D180] =	vst v63  }
0x1a: {  	s0 =	rddreg [dreg:$0x4];
	s18 =	simm.s32 $0x9980  }
0x1b: {  	[tilespmem:s18], [sflag:$0x2] =	stream.linear.gather [hbm4b:s0+s16], $0x9800, $0x38;
	[tilespmem:$0x1D180] =	vst v63  }
0x1c: {  	s17 =	rddreg [dreg:$0x5];
	s19 =	simm.s32 $0x4  }
0x1d: {  	[tilespmem:s16], [sflag:$0x4] =	stream.linear.gather [hbm4b:s17+s16], $0x80, $0x38;
	[tilespmem:$0x1D180] =	vst v63  }
0x1e: {  	_ =	swait.ge [sflag:s19], $0x80  }
0x1f: {  	[sflag:s19] =	ssyncset.done $0x0  }
0x20: {  	[sflag:s19] =	ssyncadd.s32 $0xFFFFFF80  }
0x21: {  	v3 =	vld [tilespmem:$0x0];
	_ =	sdelay $0x4  }
0x22: {  	(v2sf) =	vpush v3, $0xD;
	_ =	sdelay $0x1  }
0x23: {  	(v2sf) =	vpush v3, $0xC;
	_ =	sdelay $0x1  }
0x24: {  	(v2sf) =	vpush v3, $0xE;
	_ =	sdelay $0x1  }
0x25: {  	(v2sf) =	vpush v3, $0xF;
	_ =	sdelay $0x1  }
0x26: {  	(v2sf) =	vpush v3, $0x9;
	_ =	sdelay $0x1  }
0x27: {  	(v2sf) =	vpush v3, $0x8;
	_ =	sdelay $0x1  }
0x28: {  	(v2sf) =	vpush v3, $0xA;
	_ =	sdelay $0x1  }
0x29: {  	(v2sf) =	vpush v3, $0xB  }
0x2a: {  	s20 =	spop (v2sf)  }
0x2b: {  	(v2sf) =	vpush v3, $0x0;
	s21 =	smulhi.u32 $0x6BCA1AF3, s20;
	s0 =	sshra.s32 s20, $0x1F  }
0x2c: {  	s22 =	spop (v2sf);
	s14 =	smul.u32 $0x6BCA1AF3, s0  }
0x2d: {  	(v2sf) =	vpush v3, $0x1;
	s13 =	smulhi.u32 $0x6BCA1AF3, s22;
	s0 =	sshra.s32 s22, $0x1F  }
0x2e: {  	s23 =	spop (v2sf);
	s16 =	smul.u32 $0x6BCA1AF3, s0  }
0x2f: {  	(v2sf) =	vpush v3, $0x2;
	s15 =	smulhi.u32 $0x6BCA1AF3, s23;
	s0 =	sshra.s32 s23, $0x1F  }
0x30: {  	s24 =	spop (v2sf);
	s18 =	smul.u32 $0x6BCA1AF3, s0  }
0x31: {  	(v2sf) =	vpush v3, $0x3;
	s17 =	smulhi.u32 $0x6BCA1AF3, s24;
	s0 =	sshra.s32 s24, $0x1F  }
0x32: {  	s25 =	spop (v2sf);
	s20 =	smul.u32 $0x6BCA1AF3, s0  }
0x33: {  	(v2sf) =	vpush v3, $0x4;
	s19 =	smulhi.u32 $0x6BCA1AF3, s25;
	s0 =	sshra.s32 s25, $0x1F  }
0x34: {  	s26 =	spop (v2sf);
	(v2sf) =	vpush v3, $0x5;
	s22 =	smul.u32 $0x6BCA1AF3, s0  }
0x35: {  	v2 =	vld [tilespmem:$0x10];
	[smem:$0x75C] =	sst s21;
	s21 =	smulhi.u32 $0x6BCA1AF3, s26;
	s0 =	sshra.s32 s26, $0x1F  }
0x36: {  	s28 =	spop (v2sf);
	(v2sf) =	vpush v3, $0x6;
	s24 =	smul.u32 $0x6BCA1AF3, s0  }
0x37: {  	s23 =	smulhi.u32 $0x6BCA1AF3, s28;
	s0 =	sshra.s32 s28, $0x1F  }
0x38: {  	s29 =	spop (v2sf);
	(v2sf) =	vpush v3, $0x7;
	s26 =	smul.u32 $0x6BCA1AF3, s0  }
0x39: {  	s25 =	smulhi.u32 $0x6BCA1AF3, s29;
	s0 =	sshra.s32 s29, $0x1F  }
0x3a: {  	s29 =	smul.u32 $0x6BCA1AF3, s0;
	s30 =	spop (v2sf);
	(v2sf) =	vpush v2, $0xD  }
0x3b: {  	s28 =	smulhi.u32 $0x6BCA1AF3, s30;
	s0 =	sshra.s32 s30, $0x1F  }
0x3c: {  	s31 =	spop (v2sf);
	s10 =	smul.u32 $0x6BCA1AF3, s0  }
0x3d: {  	(v2sf) =	vpush v2, $0xC;
	s30 =	smulhi.u32 $0x6BCA1AF3, s31;
	s0 =	sshra.s32 s31, $0x1F  }
0x3e: {  	s1 =	spop (v2sf);
	s2 =	smul.u32 $0x6BCA1AF3, s0  }
0x3f: {  	s31 =	smulhi.u32 $0x6BCA1AF3, s1;
	s0 =	sshra.s32 s1, $0x1F  }
0x40: {  	(v2sf) =	vpush v2, $0xE;
	s3 =	spop (v2sf);
	s4 =	smul.u32 $0x6BCA1AF3, s0  }
0x41: {  	s5 =	smulhi.u32 $0x6BCA1AF3, s3;
	s0 =	sshra.s32 s3, $0x1F  }
0x42: {  	(v2sf) =	vpush v2, $0xF;
	s6 =	spop (v2sf);
	s1 =	smul.u32 $0x6BCA1AF3, s0  }
0x43: {  	s7 =	smulhi.u32 $0x6BCA1AF3, s6;
	s0 =	sshra.s32 s6, $0x1F;
	s8 =	spop (v2sf)  }
0x44: {  	[smem:$0x75D] =	sst s5;
	s6 =	smul.u32 $0x6BCA1AF3, s0  }
0x45: {  	s9 =	smulhi.u32 $0x6BCA1AF3, s8;
	s0 =	sshra.s32 s8, $0x1F;
	s11 =	spop (v2sf)  }
0x46: {  	(v2sf) =	vpush v2, $0x9;
	[smem:$0x75E] =	sst s7;
	s3 =	smul.u32 $0x6BCA1AF3, s0  }
0x47: {  	s5 =	smulhi.u32 $0x6BCA1AF3, s11;
	s0 =	sshra.s32 s11, $0x1F;
	s12 =	spop (v2sf)  }
0x48: {  	[smem:$0x75F] =	sst s9;
	s8 =	smul.u32 $0x6BCA1AF3, s0  }
0x49: {  	(v2sf) =	vpush v2, $0x8;
	s7 =	smulhi.u32 $0x6BCA1AF3, s12;
	s0 =	sshra.s32 s12, $0x1F;
	s9 =	spop (v2sf)  }
0x4a: {  	[smem:$0x760] =	sst s5;
	s5 =	smul.u32 $0x6BCA1AF3, s0;
	s0 =	sshra.s32 s9, $0x1F  }
0x4b: {  	(v2sf) =	vpush v2, $0xA;
	[smem:$0x761] =	sst s7;
	s0 =	smul.u32 $0x6BCA1AF3, s0  }
0x4c: {  	s7 =	smulhi.u32 $0x6BCA1AF3, s9;
	s11 =	spop (v2sf)  }
0x4d: {  	(v2sf) =	vpush v2, $0xB;
	s12 =	smulhi.u32 $0x6BCA1AF3, s11;
	[smem:$0x763] =	sst s0;
	s0 =	sshra.s32 s11, $0x1F  }
0x4e: {  	[smem:$0x762] =	sst s7;
	s0 =	smul.u32 $0x6BCA1AF3, s0  }
0x4f: {  	(v2sf) =	vpush v2, $0x0;
	s9 =	spop (v2sf);
	[smem:$0x764] =	sst s12  }
0x50: {  	s11 =	smulhi.u32 $0x6BCA1AF3, s9;
	[smem:$0x765] =	sst s0;
	s0 =	sshra.s32 s9, $0x1F  }
0x51: {  	s12 =	spop (v2sf);
	s0 =	smul.u32 $0x6BCA1AF3, s0  }
0x52: {  	(v2sf) =	vpush v2, $0x1;
	[smem:$0x766] =	sst s11;
	s9 =	smulhi.u32 $0x6BCA1AF3, s12  }
0x53: {  	[smem:$0x767] =	sst s0;
	s0 =	sshra.s32 s12, $0x1F  }
0x54: {  	(v2sf) =	vpush v2, $0x2;
	[smem:$0x768] =	sst s9;
	s0 =	smul.u32 $0x6BCA1AF3, s0  }
0x55: {  	s11 =	spop (v2sf)  }
0x56: {  	s12 =	smulhi.u32 $0x6BCA1AF3, s11;
	[smem:$0x769] =	sst s0;
	s0 =	sshra.s32 s11, $0x1F  }
0x57: {  	(v2sf) =	vpush v2, $0x3;
	s0 =	smul.u32 $0x6BCA1AF3, s0  }
0x58: {  	s9 =	spop (v2sf);
	[smem:$0x76A] =	sst s12  }
0x59: {  	s11 =	smulhi.u32 $0x6BCA1AF3, s9;
	[smem:$0x76B] =	sst s0;
	s0 =	sshra.s32 s9, $0x1F  }
0x5a: {  	(v2sf) =	vpush v2, $0x4;
	s12 =	spop (v2sf);
	s0 =	smul.u32 $0x6BCA1AF3, s0  }
0x5b: {  	[smem:$0x76C] =	sst s11;
	s9 =	smulhi.u32 $0x6BCA1AF3, s12  }
0x5c: {  	s11 =	spop (v2sf);
	[smem:$0x76D] =	sst s0;
	s0 =	sshra.s32 s12, $0x1F  }
0x5d: {  	[smem:$0x76E] =	sst s9;
	s0 =	smul.u32 $0x6BCA1AF3, s0  }
0x5e: {  	(v2sf) =	vpush v2, $0x5;
	s9 =	spop (v2sf);
	s12 =	smulhi.u32 $0x6BCA1AF3, s11  }
0x5f: {  	[smem:$0x76F] =	sst s0;
	s0 =	sshra.s32 s11, $0x1F;
	s11 =	smulhi.u32 $0x6BCA1AF3, s9  }
0x60: {  	[smem:$0x770] =	sst s12;
	s0 =	smul.u32 $0x6BCA1AF3, s0  }
0x61: {  	s12 =	spop (v2sf);
	[smem:$0x772] =	sst s11  }
0x62: {  	(v2sf) =	vpush v2, $0x6;
	s11 =	smulhi.u32 $0x6BCA1AF3, s12;
	[smem:$0x771] =	sst s0;
	s0 =	sshra.s32 s9, $0x1F  }
0x63: {  	s9 =	smul.u32 $0x6BCA1AF3, s0;
	s0 =	sshra.s32 s12, $0x1F  }
0x64: {  	s12 =	spop (v2sf);
	s0 =	smul.u32 $0x6BCA1AF3, s0  }
0x65: {  	v5 =	vld [tilespmem:$0x20];
	[smem:$0x773] =	sst s11;
	s11 =	smulhi.u32 $0x6BCA1AF3, s12  }
0x66: {  	(v2sf) =	vpush v2, $0x7;
	[smem:$0x774] =	sst s0;
	s0 =	sshra.s32 s12, $0x1F;
	s12 =	spop (v2sf)  }
0x67: {  	[smem:$0x775] =	sst s11;
	s11 =	smulhi.u32 $0x6BCA1AF3, s12  }
0x68: {  	s7 =	smul.u32 $0x6BCA1AF3, s0  }
0x69: {  	[smem:$0x776] =	sst s11;
	s11 =	spop (v2sf)  }
0x6a: {  	(v2sf) =	vpush v5, $0xD;
	s0 =	sshra.s32 s12, $0x1F;
	s12 =	smulhi.u32 $0x6BCA1AF3, s11;
	s11 =	sshra.s32 s11, $0x1F  }
0x6b: {  	s11 =	smul.u32 $0x6BCA1AF3, s11;
	_ =	sdelay $0x1  }
0x6c: {  	[smem:$0x778] =	sst s11;
	s11 =	spop (v2sf)  }
0x6d: {  	(v2sf) =	vpush v5, $0xC;
	[smem:$0x777] =	sst s12;
	s12 =	smulhi.u32 $0x6BCA1AF3, s11;
	s11 =	sshra.s32 s11, $0x1F  }
0x6e: {  	s11 =	smul.u32 $0x6BCA1AF3, s11;
	_ =	sdelay $0x1  }
0x6f: {  	[smem:$0x77A] =	sst s11;
	s11 =	spop (v2sf)  }
0x70: {  	(v2sf) =	vpush v5, $0xE;
	[smem:$0x779] =	sst s12;
	s12 =	smulhi.u32 $0x6BCA1AF3, s11;
	s11 =	sshra.s32 s11, $0x1F  }
0x71: {  	s11 =	smul.u32 $0x6BCA1AF3, s11;
	_ =	sdelay $0x1  }
0x72: {  	[smem:$0x77C] =	sst s11;
	s11 =	spop (v2sf)  }
0x73: {  	(v2sf) =	vpush v5, $0xF;
	[smem:$0x77B] =	sst s12;
	s12 =	smulhi.u32 $0x6BCA1AF3, s11;
	s11 =	sshra.s32 s11, $0x1F  }
0x74: {  	s11 =	smul.u32 $0x6BCA1AF3, s11;
	_ =	sdelay $0x1  }
0x75: {  	[smem:$0x77E] =	sst s11;
	s11 =	spop (v2sf)  }
0x76: {  	(v2sf) =	vpush v5, $0x9;
	[smem:$0x77D] =	sst s12;
	s12 =	smulhi.u32 $0x6BCA1AF3, s11;
	s11 =	sshra.s32 s11, $0x1F  }
0x77: {  	s11 =	smul.u32 $0x6BCA1AF3, s11;
	_ =	sdelay $0x1  }
0x78: {  	[smem:$0x780] =	sst s11;
	s11 =	spop (v2sf)  }
0x79: {  	(v2sf) =	vpush v5, $0x8;
	[smem:$0x77F] =	sst s12;
	s12 =	smulhi.u32 $0x6BCA1AF3, s11;
	s11 =	sshra.s32 s11, $0x1F  }
0x7a: {  	s11 =	smul.u32 $0x6BCA1AF3, s11;
	_ =	sdelay $0x1  }
0x7b: {  	[smem:$0x782] =	sst s11;
	s11 =	spop (v2sf)  }
0x7c: {  	(v2sf) =	vpush v5, $0xA;
	[smem:$0x781] =	sst s12;
	s12 =	smulhi.u32 $0x6BCA1AF3, s11;
	s11 =	sshra.s32 s11, $0x1F  }
0x7d: {  	s11 =	smul.u32 $0x6BCA1AF3, s11;
	_ =	sdelay $0x1  }
0x7e: {  	s13 =	sadd.s32 s16, s13;
	[smem:$0x784] =	sst s11;
	s11 =	spop (v2sf)  }
0x7f: {  	(v2sf) =	vpush v5, $0xB;
	[smem:$0x783] =	sst s12;
	s12 =	smulhi.u32 $0x6BCA1AF3, s11;
	s11 =	sshra.s32 s11, $0x1F  }
0x80: {  	s16 =	sadd.s32 s18, s15;
	[smem:$0x7AE] =	sst s13;
	s11 =	smul.u32 $0x6BCA1AF3, s11  }
0x81: {  	[smem:$0x7B0] =	sst s16  }
0x82: {  	s15 =	sadd.s32 s22, s19;
	[smem:$0x786] =	sst s11;
	s11 =	spop (v2sf)  }
0x83: {  	(v2sf) =	vpush v5, $0x0;
	[smem:$0x785] =	sst s12;
	s12 =	smulhi.u32 $0x6BCA1AF3, s11;
	s11 =	sshra.s32 s11, $0x1F  }
0x84: {  	s19 =	sadd.s32 s26, s23;
	[smem:$0x7B3] =	sst s15;
	s11 =	smul.u32 $0x6BCA1AF3, s11  }
0x85: {  	[smem:$0x7B8] =	sst s19  }
0x86: {  	s10 =	sadd.s32 s10, s28;
	[smem:$0x788] =	sst s11;
	s11 =	spop (v2sf)  }
0x87: {  	(v2sf) =	vpush v5, $0x1;
	[smem:$0x787] =	sst s12;
	s12 =	smulhi.u32 $0x6BCA1AF3, s11;
	s11 =	sshra.s32 s11, $0x1F  }
0x88: {  	s2 =	sadd.s32 s2, s30;
	[smem:$0x7B1] =	sst s10;
	s11 =	smul.u32 $0x6BCA1AF3, s11  }
0x89: {  	[smem:$0x7B4] =	sst s2  }
0x8a: {  	s4 =	sadd.s32 s4, s31;
	[smem:$0x78A] =	sst s11;
	s11 =	spop (v2sf)  }
0x8b: {  	(v2sf) =	vpush v5, $0x2;
	[smem:$0x789] =	sst s12;
	s12 =	smulhi.u32 $0x6BCA1AF3, s11;
	s11 =	sshra.s32 s11, $0x1F  }
0x8c: {  	s13 =	sadd.s32 s20, s17;
	[smem:$0x7B6] =	sst s4;
	s11 =	smul.u32 $0x6BCA1AF3, s11  }
0x8d: {  	[smem:$0x7B2] =	sst s13  }
0x8e: {  	s17 =	sadd.s32 s24, s21;
	[smem:$0x78C] =	sst s11;
	s11 =	spop (v2sf)  }
0x8f: {  	[smem:$0x78B] =	sst s12;
	s12 =	smulhi.u32 $0x6BCA1AF3, s11;
	s11 =	sshra.s32 s11, $0x1F  }
0x90: {  	s21 =	sadd.s32 s29, s25;
	[smem:$0x7B5] =	sst s17;
	s11 =	smul.u32 $0x6BCA1AF3, s11  }
0x91: {  	[smem:$0x7BA] =	sst s21;
	(v2sf) =	vpush v5, $0x3  }
0x92: {  	(v2sf) =	vpush v5, $0x4;
	[smem:$0x78E] =	sst s11;
	s11 =	spop (v2sf)  }
0x93: {  	(v2sf) =	vpush v5, $0x5;
	[smem:$0x78D] =	sst s12;
	s12 =	smulhi.u32 $0x6BCA1AF3, s11;
	s11 =	sshra.s32 s11, $0x1F  }
0x94: {  	s29 =	sld [smem:$0x75D];
	(v2sf) =	vpush v5, $0x6;
	s11 =	smul.u32 $0x6BCA1AF3, s11  }
0x95: {  	v4 =	vld [tilespmem:$0x30];
	s31 =	sld [smem:$0x75E]  }
0x96: {  	[smem:$0x790] =	sst s11;
	s11 =	spop (v2sf)  }
0x97: {  	(v2sf) =	vpush v5, $0x7;
	[smem:$0x78F] =	sst s12;
	s12 =	smulhi.u32 $0x6BCA1AF3, s11;
	s11 =	sshra.s32 s11, $0x1F  }
0x98: {  	s13 =	sld [smem:$0x760];
	s11 =	smul.u32 $0x6BCA1AF3, s11  }
0x99: {  	s15 =	sld [smem:$0x761]  }
0x9a: {  	(v2sf) =	vpush v4, $0xD;
	[smem:$0x792] =	sst s11;
	s11 =	spop (v2sf)  }
0x9b: {  	[smem:$0x791] =	sst s12;
	s12 =	smulhi.u32 $0x6BCA1AF3, s11  }
0x9c: {  	s17 =	sld [smem:$0x762]  }
0x9d: {  	s11 =	sshra.s32 s11, $0x1F;
	[smem:$0x793] =	sst s12  }
0x9e: {  	s11 =	smul.u32 $0x6BCA1AF3, s11;
	s12 =	sld [smem:$0x75C]  }
0x9f: {  	s21 =	sld [smem:$0x765]  }
0xa0: {  	s1 =	sadd.s32 s1, s29;
	[smem:$0x794] =	sst s11;
	s11 =	spop (v2sf)  }
0xa1: {  	[smem:$0x7B7] =	sst s1;
	s18 =	spop (v2sf);
	s12 =	sadd.s32 s14, s12  }
0xa2: {  	s14 =	smulhi.u32 $0x6BCA1AF3, s11;
	s11 =	sshra.s32 s11, $0x1F;
	s16 =	spop (v2sf)  }
0xa3: {  	s11 =	smul.u32 $0x6BCA1AF3, s11;
	s20 =	spop (v2sf)  }
0xa4: {  	(v2sf) =	vpush v4, $0xC;
	[smem:$0x795] =	sst s14;
	s14 =	smulhi.u32 $0x6BCA1AF3, s18  }
0xa5: {  	[smem:$0x7AD] =	sst s12;
	s22 =	smulhi.u32 $0x6BCA1AF3, s20  }
0xa6: {  	s24 =	spop (v2sf);
	[smem:$0x796] =	sst s11  }
0xa7: {  	s25 =	smulhi.u32 $0x6BCA1AF3, s24;
	s26 =	sshra.s32 s24, $0x1F;
	s24 =	sld [smem:$0x767]  }
0xa8: {  	s11 =	sshra.s32 s18, $0x1F;
	s18 =	smulhi.u32 $0x6BCA1AF3, s16;
	[smem:$0x797] =	sst s14  }
0xa9: {  	s28 =	spop (v2sf);
	[smem:$0x79B] =	sst s22  }
0xaa: {  	s2 =	smul.u32 $0x6BCA1AF3, s26;
	s26 =	sld [smem:$0x768]  }
0xab: {  	s4 =	smulhi.u32 $0x6BCA1AF3, s28;
	s30 =	sshra.s32 s28, $0x1F;
	s28 =	sld [smem:$0x769]  }
0xac: {  	(v2sf) =	vpush v4, $0xE;
	[smem:$0x799] =	sst s18  }
0xad: {  	[smem:$0x79D] =	sst s25  }
0xae: {  	s11 =	smul.u32 $0x6BCA1AF3, s11;
	s18 =	sld [smem:$0x763]  }
0xaf: {  	s1 =	smul.u32 $0x6BCA1AF3, s30;
	s30 =	sld [smem:$0x76A]  }
0xb0: {  	[smem:$0x798] =	sst s11  }
0xb1: {  	[smem:$0x79E] =	sst s2  }
0xb2: {  	s2 =	sadd.s32 s6, s31;
	s31 =	sld [smem:$0x76B]  }
0xb3: {  	s10 =	spop (v2sf);
	s6 =	sld [smem:$0x76C]  }
0xb4: {  	s12 =	smulhi.u32 $0x6BCA1AF3, s10;
	[smem:$0x7B9] =	sst s2  }
0xb5: {  	(v2sf) =	vpush v4, $0xF;
	s11 =	sshra.s32 s16, $0x1F;
	[smem:$0x79F] =	sst s1  }
0xb6: {  	s11 =	smul.u32 $0x6BCA1AF3, s11;
	[smem:$0x7A0] =	sst s12  }
0xb7: {  	s12 =	sld [smem:$0x76F]  }
0xb8: {  	s1 =	sshra.s32 s10, $0x1F;
	[smem:$0x79A] =	sst s11  }
0xb9: {  	s1 =	smul.u32 $0x6BCA1AF3, s1;
	s11 =	sshra.s32 s20, $0x1F;
	s20 =	sld [smem:$0x764]  }
0xba: {  	s23 =	smul.u32 $0x6BCA1AF3, s11;
	s11 =	sld [smem:$0x75F]  }
0xbb: {  	(v2sf) =	vpush v4, $0x9;
	s14 =	spop (v2sf);
	[smem:$0x7A1] =	sst s1  }
0xbc: {  	s16 =	smulhi.u32 $0x6BCA1AF3, s14;
	s1 =	sshra.s32 s14, $0x1F;
	s14 =	sld [smem:$0x770]  }
0xbd: {  	[smem:$0x79C] =	sst s23  }
0xbe: {  	s1 =	smul.u32 $0x6BCA1AF3, s1;
	[smem:$0x7A2] =	sst s16  }
0xbf: {  	s23 =	sld [smem:$0x766]  }
0xc0: {  	(v2sf) =	vpush v4, $0x8;
	[smem:$0x7A3] =	sst s1  }
0xc1: {  	s2 =	sadd.s32 s3, s11;
	s11 =	sld [smem:$0x76E]  }
0xc2: {  	s3 =	sld [smem:$0x77A]  }
0xc3: {  	[smem:$0x7BB] =	sst s2  }
0xc4: {  	(v2sf) =	vpush v4, $0xA;
	s19 =	spop (v2sf);
	s2 =	sadd.s32 s8, s13;
	s8 =	sld [smem:$0x76D]  }
0xc5: {  	s22 =	smulhi.u32 $0x6BCA1AF3, s19;
	s1 =	sshra.s32 s19, $0x1F;
	s19 =	sld [smem:$0x773]  }
0xc6: {  	[smem:$0x7BC] =	sst s2  }
0xc7: {  	(v2sf) =	vpush v4, $0xB;
	s2 =	sadd.s32 s5, s15;
	s15 =	sld [smem:$0x771]  }
0xc8: {  	[smem:$0x7AF] =	sst s2  }
0xc9: {  	[smem:$0x7A4] =	sst s22  }
0xca: {  	s25 =	spop (v2sf);
	s2 =	sadd.s32 s18, s17;
	s17 =	sld [smem:$0x772]  }
0xcb: {  	s1 =	smul.u32 $0x6BCA1AF3, s1;
	s22 =	sld [smem:$0x775]  }
0xcc: {  	s29 =	smulhi.u32 $0x6BCA1AF3, s25;
	[smem:$0x7BD] =	sst s2  }
0xcd: {  	[smem:$0x7A5] =	sst s1  }
0xce: {  	[smem:$0x7A6] =	sst s29  }
0xcf: {  	s5 =	spop (v2sf);
	s2 =	sadd.s32 s21, s20;
	s20 =	sld [smem:$0x774]  }
0xd0: {  	(v2sf) =	vpush v4, $0x0;
	s10 =	smulhi.u32 $0x6BCA1AF3, s5;
	s29 =	sld [smem:$0x777]  }
0xd1: {  	(v2sf) =	vpush v4, $0x1;
	[smem:$0x7BE] =	sst s2  }
0xd2: {  	[smem:$0x7A8] =	sst s10  }
0xd3: {  	s13 =	spop (v2sf);
	s2 =	sadd.s32 s24, s23;
	s24 =	sld [smem:$0x776]  }
0xd4: {  	s16 =	smulhi.u32 $0x6BCA1AF3, s13;
	s10 =	sld [smem:$0x77F]  }
0xd5: {  	[smem:$0x7C0] =	sst s2  }
0xd6: {  	s1 =	sshra.s32 s25, $0x1F;
	s18 =	spop (v2sf);
	[smem:$0x7AA] =	sst s16  }
0xd7: {  	s1 =	smul.u32 $0x6BCA1AF3, s1;
	s2 =	sadd.s32 s28, s26;
	s16 =	sld [smem:$0x784]  }
0xd8: {  	s21 =	smulhi.u32 $0x6BCA1AF3, s18;
	[smem:$0x7C2] =	sst s2  }
0xd9: {  	[smem:$0x7A7] =	sst s1  }
0xda: {  	[smem:$0x7AC] =	sst s21  }
0xdb: {  	s2 =	sadd.s32 s31, s30;
	s30 =	sld [smem:$0x778]  }
0xdc: {  	s1 =	sshra.s32 s5, $0x1F;
	s5 =	sld [smem:$0x77B]  }
0xdd: {  	[smem:$0x7C4] =	sst s2  }
0xde: {  	s0 =	smul.u32 $0x6BCA1AF3, s0;
	s2 =	sadd.s32 s8, s6;
	s6 =	sld [smem:$0x77C]  }
0xdf: {  	s23 =	spop (v2sf);
	s8 =	sld [smem:$0x77D]  }
0xe0: {  	s31 =	spop (v2sf);
	s0 =	sadd.s32 s0, s24;
	[smem:$0x7C6] =	sst s2  }
0xe1: {  	s25 =	sshra.s32 s23, $0x1F;
	s1 =	smul.u32 $0x6BCA1AF3, s1;
	[smem:$0x7C7] =	sst s0  }
0xe2: {  	s24 =	smul.u32 $0x6BCA1AF3, s25;
	s2 =	sadd.s32 s12, s11;
	s11 =	sld [smem:$0x780]  }
0xe3: {  	(v2sf) =	vpush v4, $0x2;
	s25 =	smulhi.u32 $0x6BCA1AF3, s31;
	s0 =	sshra.s32 s31, $0x1F;
	s31 =	sld [smem:$0x788]  }
0xe4: {  	[smem:$0x7C9] =	sst s2  }
0xe5: {  	[smem:$0x7A9] =	sst s1  }
0xe6: {  	(v2sf) =	vpush v4, $0x3;
	s1 =	sshra.s32 s13, $0x1F;
	s13 =	sld [smem:$0x781]  }
0xe7: {  	s2 =	sadd.s32 s15, s14;
	s14 =	sld [smem:$0x782]  }
0xe8: {  	s15 =	sld [smem:$0x783]  }
0xe9: {  	[smem:$0x7CC] =	sst s2  }
0xea: {  	s2 =	sadd.s32 s9, s17;
	s9 =	sld [smem:$0x77E]  }
0xeb: {  	s1 =	smul.u32 $0x6BCA1AF3, s1;
	[smem:$0x7C1] =	sst s2  }
0xec: {  	s2 =	sadd.s32 s20, s19;
	s19 =	sld [smem:$0x785]  }
0xed: {  	[smem:$0x7AB] =	sst s1  }
0xee: {  	(v2sf) =	vpush v4, $0x4;
	[smem:$0x7C3] =	sst s2;
	s2 =	sadd.s32 s7, s22  }
0xef: {  	s28 =	smulhi.u32 $0x6BCA1AF3, s23;
	[smem:$0x7C5] =	sst s2  }
0xf0: {  	(v2sf) =	vpush v4, $0x5;
	s1 =	sshra.s32 s18, $0x1F;
	s22 =	smul.u32 $0x6BCA1AF3, s0;
	s2 =	sld [smem:$0x779]  }
0xf1: {  	(v2sf) =	vpush v4, $0x6;
	s26 =	smul.u32 $0x6BCA1AF3, s1;
	s1 =	sadd.s32 s30, s29;
	s29 =	sld [smem:$0x786]  }
0xf2: {  	s7 =	spop (v2sf);
	s30 =	sld [smem:$0x787]  }
0xf3: {  	s23 =	smulhi.u32 $0x6BCA1AF3, s7;
	s0 =	sshra.s32 s7, $0x1F;
	s7 =	sld [smem:$0x78B]  }
0xf4: {  	[smem:$0x7C8] =	sst s1  }
0xf5: {  	s20 =	smul.u32 $0x6BCA1AF3, s0;
	s12 =	spop (v2sf)  }
0xf6: {  	s21 =	smulhi.u32 $0x6BCA1AF3, s12;
	s0 =	sshra.s32 s12, $0x1F;
	s12 =	sld [smem:$0x78F]  }
0xf7: {  	s1 =	sadd.s32 s3, s2;
	s2 =	sld [smem:$0x793]  }
0xf8: {  	[smem:$0x7CA] =	sst s1  }
0xf9: {  	s1 =	sadd.s32 s6, s5;
	s5 =	sld [smem:$0x789]  }
0xfa: {  	s6 =	sld [smem:$0x78A]  }
0xfb: {  	[smem:$0x7CB] =	sst s1  }
0xfc: {  	s1 =	sadd.s32 s9, s8;
	s8 =	sld [smem:$0x78C]  }
0xfd: {  	s17 =	spop (v2sf);
	[smem:$0x7BF] =	sst s1  }
0xfe: {  	v6 =	vld [tilespmem:$0x40];
	s18 =	smul.u32 $0x6BCA1AF3, s0;
	s1 =	sadd.s32 s11, s10;
	s10 =	sld [smem:$0x78D]  }
0xff: {  	s0 =	sshra.s32 s17, $0x1F;
	s3 =	spop (v2sf);
	s11 =	sld [smem:$0x78E]  }
0x100: {  	s9 =	spop (v2sf);
	[smem:$0x7CD] =	sst s1;
	s1 =	sadd.s32 s14, s13  }
0x101: {  	[smem:$0x7CE] =	sst s1;
	s1 =	sadd.s32 s16, s15;
	s16 =	smul.u32 $0x6BCA1AF3, s0  }
0x102: {  	(v2sf) =	vpush v4, $0x7;
	s13 =	sld [smem:$0x790];
	s15 =	smulhi.u32 $0x6BCA1AF3, s9  }
0x103: {  	(v2sf) =	vpush v6, $0xD;
	[smem:$0x7CF] =	sst s1;
	s1 =	sadd.s32 s29, s19;
	s19 =	smulhi.u32 $0x6BCA1AF3, s17  }
0x104: {  	s0 =	sshra.s32 s3, $0x1F;
	s17 =	smulhi.u32 $0x6BCA1AF3, s3;
	s3 =	sld [smem:$0x794]  }
0x105: {  	s14 =	smul.u32 $0x6BCA1AF3, s0;
	s0 =	sshra.s32 s9, $0x1F;
	s9 =	sld [smem:$0x798]  }
0x106: {  	(v2sf) =	vpush v6, $0xC;
	[smem:$0x7D0] =	sst s1  }
0x107: {  	s1 =	sadd.s32 s31, s30;
	s30 =	sld [smem:$0x791]  }
0x108: {  	s31 =	sld [smem:$0x792]  }
0x109: {  	[smem:$0x7D2] =	sst s1  }
0x10a: {  	s1 =	sadd.s32 s6, s5;
	s6 =	sld [smem:$0x795]  }
0x10b: {  	[smem:$0x7D4] =	sst s1  }
0x10c: {  	s1 =	sadd.s32 s8, s7;
	s7 =	sld [smem:$0x796]  }
0x10d: {  	s8 =	sld [smem:$0x797]  }
0x10e: {  	[smem:$0x7D6] =	sst s1;
	s1 =	sadd.s32 s11, s10  }
0x10f: {  	[smem:$0x7D9] =	sst s1;
	s1 =	sadd.s32 s13, s12  }
0x110: {  	[smem:$0x7D3] =	sst s1  }
0x111: {  	s29 =	spop (v2sf);
	s1 =	sadd.s32 s31, s30;
	s30 =	sld [smem:$0x799]  }
0x112: {  	s5 =	spop (v2sf);
	s31 =	sld [smem:$0x79A]  }
0x113: {  	(v2sf) =	vpush v6, $0xE;
	s12 =	smul.u32 $0x6BCA1AF3, s0;
	[smem:$0x7D5] =	sst s1  }
0x114: {  	s13 =	smulhi.u32 $0x6BCA1AF3, s29;
	s1 =	sadd.s32 s3, s2;
	s2 =	sld [smem:$0x79B]  }
0x115: {  	(v2sf) =	vpush v6, $0xF;
	s0 =	sshra.s32 s29, $0x1F;
	s29 =	spop (v2sf);
	s3 =	sld [smem:$0x79C]  }
0x116: {  	s10 =	smul.u32 $0x6BCA1AF3, s0;
	[smem:$0x7D7] =	sst s1  }
0x117: {  	s0 =	sshra.s32 s5, $0x1F;
	s1 =	sadd.s32 s7, s6;
	s6 =	sld [smem:$0x79D]  }
0x118: {  	[smem:$0x7D8] =	sst s1;
	s1 =	sadd.s32 s9, s8;
	s8 =	smul.u32 $0x6BCA1AF3, s0  }
0x119: {  	s9 =	smulhi.u32 $0x6BCA1AF3, s29;
	s0 =	sshra.s32 s29, $0x1F;
	s29 =	sld [smem:$0x79E]  }
0x11a: {  	(v2sf) =	vpush v6, $0x9;
	[smem:$0x7DA] =	sst s1  }
0x11b: {  	s1 =	sadd.s32 s31, s30;
	s30 =	sld [smem:$0x79F]  }
0x11c: {  	[smem:$0x7DB] =	sst s1  }
0x11d: {  	s1 =	sadd.s32 s3, s2;
	s3 =	sld [smem:$0x7A0]  }
0x11e: {  	s2 =	sld [smem:$0x7A4]  }
0x11f: {  	[smem:$0x7DC] =	sst s1;
	s1 =	sadd.s32 s29, s6  }
0x120: {  	[smem:$0x7D1] =	sst s1  }
0x121: {  	s11 =	smulhi.u32 $0x6BCA1AF3, s5;
	s1 =	sadd.s32 s30, s4;
	s4 =	sld [smem:$0x7A1]  }
0x122: {  	s5 =	spop (v2sf);
	s29 =	sld [smem:$0x7A2]  }
0x123: {  	(v2sf) =	vpush v6, $0x8;
	s7 =	smul.u32 $0x6BCA1AF3, s0;
	s30 =	sld [smem:$0x7A3]  }
0x124: {  	s31 =	spop (v2sf);
	[smem:$0x7DD] =	sst s1;
	s1 =	sadd.s32 s4, s3  }
0x125: {  	(v2sf) =	vpush v6, $0xA;
	s0 =	sshra.s32 s5, $0x1F;
	s6 =	smulhi.u32 $0x6BCA1AF3, s5;
	[smem:$0x7DE] =	sst s1  }
0x126: {  	(v2sf) =	vpush v6, $0xB;
	s5 =	smul.u32 $0x6BCA1AF3, s0;
	s1 =	sadd.s32 s30, s29;
	s29 =	sld [smem:$0x7A5]  }
0x127: {  	s0 =	sshra.s32 s31, $0x1F;
	s4 =	smulhi.u32 $0x6BCA1AF3, s31;
	s30 =	sld [smem:$0x7A6]  }
0x128: {  	s3 =	smul.u32 $0x6BCA1AF3, s0;
	[smem:$0x7DF] =	sst s1  }
0x129: {  	s31 =	spop (v2sf);
	s1 =	sadd.s32 s29, s2;
	s29 =	sld [smem:$0x7A7]  }
0x12a: {  	(v2sf) =	vpush v6, $0x0;
	s0 =	sshra.s32 s31, $0x1F;
	s2 =	smulhi.u32 $0x6BCA1AF3, s31;
	s31 =	sld [smem:$0x7A8]  }
0x12b: {  	[smem:$0x7E0] =	sst s1  }
0x12c: {  	(v2sf) =	vpush v6, $0x1;
	s12 =	sadd.s32 s12, s15;
	s1 =	sadd.s32 s29, s30;
	s30 =	sld [smem:$0x7A9]  }
0x12d: {  	[dreg:$0x1e] =	wrdreg s12  }
0x12e: {  	s24 =	sadd.s32 s24, s28;
	s22 =	sadd.s32 s22, s25;
	(v2sf) =	vpush v6, $0x2;
	s29 =	sld [smem:$0x7AA]  }
0x12f: {  	s8 =	sadd.s32 s8, s11;
	s31 =	sadd.s32 s30, s31;
	s30 =	sld [smem:$0x7AB]  }
0x130: {  	s20 =	sadd.s32 s20, s23;
	s18 =	sadd.s32 s18, s21;
	(v2sf) =	vpush v6, $0x3;
	[dreg:$0x1d] =	wrdreg s8  }
0x131: {  	s16 =	sadd.s32 s16, s19;
	[smem:$0x7E1] =	sst s1;
	s1 =	smul.u32 $0x6BCA1AF3, s0  }
0x132: {  	(v2sf) =	vpush v6, $0x4;
	s0 =	spop (v2sf);
	s29 =	sadd.s32 s30, s29;
	s30 =	sld [smem:$0x7AC]  }
0x133: {  	s14 =	sadd.s32 s14, s17;
	[smem:$0x7E2] =	sst s31;
	s31 =	smulhi.u32 $0x6BCA1AF3, s0  }
0x134: {  	(v2sf) =	vpush v6, $0x5;
	s0 =	sshra.s32 s0, $0x1F;
	[smem:$0x7E3] =	sst s29;
	s29 =	spop (v2sf)  }
0x135: {  	s0 =	smul.u32 $0x6BCA1AF3, s0;
	s26 =	sadd.s32 s26, s30;
	s30 =	spop (v2sf)  }
0x136: {  	s10 =	sadd.s32 s10, s13;
	[dreg:$0x1f] =	wrdreg s26;
	s26 =	smulhi.u32 $0x6BCA1AF3, s29  }
0x137: {  	s7 =	sadd.s32 s7, s9;
	(v2sf) =	vpush v6, $0x6;
	s29 =	sshra.s32 s29, $0x1F;
	s25 =	smulhi.u32 $0x6BCA1AF3, s30  }
0x138: {  	[dreg:$0x1c] =	wrdreg s7;
	s28 =	smul.u32 $0x6BCA1AF3, s29;
	s29 =	sshra.s32 s30, $0x1F  }
0x139: {  	s5 =	sadd.s32 s5, s6;
	s30 =	spop (v2sf);
	s23 =	smul.u32 $0x6BCA1AF3, s29  }
0x13a: {  	[dreg:$0x1b] =	wrdreg s5;
	s21 =	smulhi.u32 $0x6BCA1AF3, s30;
	s29 =	sshra.s32 s30, $0x1F  }
0x13b: {  	s3 =	sadd.s32 s3, s4;
	(v2sf) =	vpush v6, $0x7;
	s30 =	spop (v2sf);
	s19 =	smul.u32 $0x6BCA1AF3, s29  }
0x13c: {  	[dreg:$0x1a] =	wrdreg s3;
	s17 =	smulhi.u32 $0x6BCA1AF3, s30;
	s29 =	sshra.s32 s30, $0x1F  }
0x13d: {  	s1 =	sadd.s32 s1, s2;
	s30 =	spop (v2sf);
	s12 =	smul.u32 $0x6BCA1AF3, s29  }
0x13e: {  	[dreg:$0x19] =	wrdreg s1;
	s13 =	smulhi.u32 $0x6BCA1AF3, s30;
	s15 =	sshra.s32 s30, $0x1F  }
0x13f: {  	s0 =	sadd.s32 s0, s31;
	s8 =	smul.u32 $0x6BCA1AF3, s15;
	s15 =	spop (v2sf)  }
0x140: {  	[dreg:$0x18] =	wrdreg s0;
	s7 =	smulhi.u32 $0x6BCA1AF3, s15;
	s29 =	sshra.s32 s15, $0x1F  }
0x141: {  	s6 =	sadd.s32 s28, s26;
	s11 =	spop (v2sf);
	s30 =	smul.u32 $0x6BCA1AF3, s29  }
0x142: {  	[dreg:$0x17] =	wrdreg s6;
	s3 =	smulhi.u32 $0x6BCA1AF3, s11  }
0x143: {  	s15 =	sshra.s32 s11, $0x1F;
	s4 =	spop (v2sf);
	s11 =	sadd.s32 s23, s25  }
0x144: {  	s23 =	sadd.s32 s19, s21;
	s21 =	sadd.s32 s12, s17;
	s17 =	sld [smem:$0x7B0]  }
0x145: {  	s19 =	sld [smem:$0x7B1];
	s29 =	smul.u32 $0x6BCA1AF3, s15  }
0x146: {  	s0 =	smulhi.u32 $0x6BCA1AF3, s4;
	s9 =	spop (v2sf)  }
0x147: {  	s2 =	sshra.s32 s4, $0x1F;
	s15 =	smulhi.u32 $0x6BCA1AF3, s9;
	s4 =	sshra.s32 s9, $0x1F  }
0x148: {  	s31 =	sadd.s32 s8, s13;
	[dreg:$0x16] =	wrdreg s11;
	s4 =	smul.u32 $0x6BCA1AF3, s4  }
0x149: {  	s11 =	sld [smem:$0x7AE];
	s2 =	smul.u32 $0x6BCA1AF3, s2;
	s30 =	sadd.s32 s30, s7  }
0x14a: {  	s25 =	spop (v2sf);
	s28 =	sadd.s32 s4, s15;
	s15 =	sld [smem:$0x7AF]  }
0x14b: {  	s29 =	sadd.s32 s29, s3;
	s5 =	sshra.s32 s17, $0x6;
	s9 =	sshra.s32 s25, $0x1F  }
0x14c: {  	s12 =	sshrl.u32 s11, $0x1F;
	s8 =	smul.u32 $0x6BCA1AF3, s9;
	s9 =	sld [smem:$0x7AD]  }
0x14d: {  	s3 =	sshra.s32 s11, $0x6;
	s11 =	sshra.s32 s19, $0x1F;
	s13 =	sshra.s32 s15, $0x1F  }
0x14e: {  	s26 =	smulhi.u32 $0x6BCA1AF3, s25;
	s25 =	sadd.s32 s2, s0;
	v7 =	vmov s13;
	s13 =	sld [smem:$0x7B3]  }
0x14f: {  	v8 =	vmov s12;
	s4 =	sshrl.u32 s17, $0x1F;
	s17 =	sld [smem:$0x7B4];
	s0 =	sshrl.u32 s9, $0x1F  }
0x150: {  	s12 =	sld [smem:$0x7B2];
	s26 =	sadd.s32 s8, s26;
	s8 =	sshra.s32 s19, $0x6;
	v8 =	vsel vm0, s0, v8  }
0x151: {  	v7 =	vsel vm3, s8, v7;
	v8 =	vsel vm1, s4, v8;
	s2 =	sshrl.u32 s13, $0x1F;
	s4 =	sshra.s32 s13, $0x6;
	s13 =	sld [smem:$0x7B5]  }
0x152: {  	s1 =	sshra.s32 s9, $0x6;
	s9 =	sshrl.u32 s19, $0x1F;
	s19 =	sshra.s32 s17, $0x6;
	v7 =	vsel vm9, s11, v7  }
0x153: {  	s7 =	sshrl.u32 s12, $0x1F;
	s0 =	sshra.s32 s12, $0x6;
	v7 =	vsel vm0, s19, v7;
	s19 =	sld [smem:$0x7B6]  }
0x154: {  	v9 =	vmov s9;
	s12 =	sshra.s32 s17, $0x1F;
	s11 =	sshrl.u32 s17, $0x1F;
	s17 =	sshrl.u32 s13, $0x1F  }
0x155: {  	v9 =	vnsel vm3, $0x0, v9;
	v10 =	vmov s17;
	s17 =	sld [smem:$0x7B7]  }
0x156: {  	v9 =	vsel vm0, s11, v9;
	s11 =	sld [smem:$0x7B8];
	v7 =	vsel vm10, s12, v7;
	s12 =	sshra.s32 s19, $0x6  }
0x157: {  	s9 =	sld [smem:$0x7BA];
	s6 =	sshra.s32 s13, $0x6;
	s13 =	sshra.s32 s19, $0x1F;
	v7 =	vsel vm1, s12, v7  }
0x158: {  	s8 =	sshrl.u32 s19, $0x1F;
	v7 =	vsel vm11, s13, v7;
	s13 =	sld [smem:$0x7B9];
	s12 =	sshra.s32 s17, $0x6  }
0x159: {  	v8 =	vsel vm2, s7, v8;
	s7 =	sshrl.u32 s11, $0x1F;
	v10 =	vsel vm0, s2, v10;
	s2 =	sshra.s32 s17, $0x1F;
	v7 =	vsel vm2, s12, v7;
	s12 =	sld [smem:$0x7BB]  }
0x15a: {  	v9 =	vsel vm1, s8, v9;
	s19 =	sshrl.u32 s17, $0x1F;
	v7 =	vsel vm12, s2, v7;
	s2 =	sshra.s32 s11, $0x6;
	s11 =	sld [smem:$0x7BC]  }
0x15b: {  	v43 =	vmov s3;
	v10 =	vsel vm1, s7, v10;
	s17 =	sshrl.u32 s9, $0x1F;
	v9 =	vsel vm2, s19, v9;
	s8 =	sshrl.u32 s13, $0x1F  }
0x15c: {  	v11 =	vsel vm2, s17, v10;
	v10 =	vsel vm0, s1, v43;
	v9 =	vsel vm4, s8, v9;
	s19 =	sshrl.u32 s12, $0x1F  }
0x15d: {  	v10 =	vsel vm1, s5, v10;
	s5 =	sshra.s32 s15, $0x6;
	v9 =	vsel vm5, s19, v9;
	s17 =	sshrl.u32 s11, $0x1F;
	s19 =	sshra.s32 s13, $0x6  }
0x15e: {  	v9 =	vsel vm6, s17, v9;
	v7 =	vsel vm4, s19, v7;
	s17 =	sshra.s32 s13, $0x1F;
	s19 =	sshrl.u32 s15, $0x1F;
	s15 =	sld [smem:$0x7C1]  }
0x15f: {  	s7 =	sshra.s32 s9, $0x6;
	s9 =	sshra.s32 s12, $0x6;
	v7 =	vsel vm13, s17, v7;
	s17 =	sld [smem:$0x7BF]  }
0x160: {  	s12 =	sshra.s32 s12, $0x1F;
	v9 =	vsel vm7, s19, v9;
	s19 =	sld [smem:$0x7BD];
	v7 =	vsel vm5, s9, v7  }
0x161: {  	s1 =	sshra.s32 s11, $0x1F;
	s13 =	sshra.s32 s11, $0x6;
	s11 =	sld [smem:$0x7BE];
	v7 =	vsel vm14, s12, v7  }
0x162: {  	s12 =	sshra.s32 s17, $0x1F;
	v7 =	vsel vm6, s13, v7;
	s13 =	sld [smem:$0x7C0]  }
0x163: {  	v12 =	vmov s6;
	v10 =	vsel vm2, s0, v10;
	s6 =	sshrl.u32 s19, $0x1F;
	s0 =	sshra.s32 s19, $0x6;
	s19 =	sshra.s32 s15, $0x6;
	v13 =	vmov s12  }
0x164: {  	v13 =	vsel vm3, s19, v13;
	s19 =	sld [smem:$0x7C3]  }
0x165: {  	s12 =	sshrl.u32 s15, $0x1F;
	s8 =	sshrl.u32 s13, $0x1F  }
0x166: {  	v7 =	vsel vm15, s1, v7;
	s1 =	sshra.s32 s13, $0x6;
	s13 =	sshra.s32 s15, $0x1F;
	s15 =	sld [smem:$0x7C2]  }
0x167: {  	v12 =	vsel vm0, s4, v12;
	s4 =	sshrl.u32 s11, $0x1F;
	s3 =	sshra.s32 s11, $0x6;
	s11 =	sshra.s32 s19, $0x6  }
0x168: {  	v12 =	vsel vm1, s2, v12;
	v44 =	vmov s12;
	v13 =	vsel vm9, s13, v13;
	s12 =	sshrl.u32 s19, $0x1F;
	s13 =	sshra.s32 s19, $0x1F;
	s19 =	sld [smem:$0x7C5]  }
0x169: {  	v14 =	vsel vm2, s7, v12;
	v12 =	vsel vm7, s5, v7;
	s5 =	sshrl.u32 s15, $0x1F;
	s2 =	sshra.s32 s15, $0x6;
	s15 =	sld [smem:$0x7C4]  }
0x16a: {  	_ = 	snop  }
0x16b: {  	v7 =	vnsel vm3, $0x0, v44;
	v13 =	vsel vm0, s11, v13  }
0x16c: {  	v7 =	vsel vm0, s12, v7;
	v13 =	vsel vm10, s13, v13;
	s12 =	sshrl.u32 s19, $0x1F;
	s13 =	sshra.s32 s19, $0x6;
	s9 =	sshrl.u32 s15, $0x1F  }
0x16d: {  	v15 =	vmov s4;
	s4 =	sshra.s32 s15, $0x6;
	s15 =	sshra.s32 s19, $0x1F;
	s19 =	sld [smem:$0x7C6]  }
0x16e: {  	v7 =	vsel vm1, s12, v7;
	s12 =	sld [smem:$0x7C7]  }
0x16f: {  	v15 =	vsel vm0, s6, v15  }
0x170: {  	v15 =	vsel vm1, s8, v15  }
0x171: {  	v16 =	vsel vm1, s13, v13;
	v13 =	vsel vm2, s5, v15;
	s7 =	sshrl.u32 s19, $0x1F;
	s13 =	sshrl.u32 s12, $0x1F;
	s5 =	sshra.s32 s19, $0x6  }
0x172: {  	s19 =	sshra.s32 s12, $0x6;
	s11 =	sshra.s32 s12, $0x1F;
	s12 =	sld [smem:$0x7C9]  }
0x173: {  	v7 =	vsel vm2, s13, v7;
	s13 =	sld [smem:$0x7C8];
	_ =	sdelay $0x1  }
0x174: {  	v45 =	vsel vm11, s15, v16;
	v46 =	vmov s7;
	s7 =	sshrl.u32 s12, $0x1F  }
0x175: {  	v15 =	vsel vm2, s19, v45;
	s6 =	sshra.s32 s12, $0x6;
	s12 =	sld [smem:$0x7CB];
	s15 =	sshrl.u32 s13, $0x1F  }
0x176: {  	v15 =	vsel vm12, s11, v15;
	s11 =	sshra.s32 s13, $0x6;
	v7 =	vsel vm4, s15, v7;
	s15 =	sld [smem:$0x7CA]  }
0x177: {  	v17 =	vsel vm4, s11, v15;
	s11 =	sld [smem:$0x7CC];
	_ =	sdelay $0x1  }
0x178: {  	v16 =	vsel vm0, s9, v46;
	s19 =	sshrl.u32 s15, $0x1F  }
0x179: {  	v18 =	vmov s5;
	v16 =	vsel vm1, s7, v16;
	s7 =	sshra.s32 s13, $0x1F;
	s9 =	sshrl.u32 s12, $0x1F;
	s13 =	sshrl.u32 s11, $0x1F;
	v7 =	vsel vm5, s19, v7  }
0x17a: {  	s5 =	sld [smem:$0x7D0];
	v47 =	vsel vm13, s7, v17;
	s19 =	sshrl.u32 s17, $0x1F;
	v16 =	vsel vm2, s13, v16;
	s13 =	sshra.s32 s15, $0x6;
	v7 =	vsel vm6, s9, v7  }
0x17b: {  	v15 =	vsel vm7, s19, v7;
	v7 =	vsel vm5, s13, v47;
	s13 =	sshra.s32 s17, $0x6;
	s17 =	sld [smem:$0x7CE]  }
0x17c: {  	v18 =	vsel vm0, s4, v18;
	s4 =	sld [smem:$0x7CF];
	s7 =	sshra.s32 s11, $0x6;
	s19 =	sshra.s32 s15, $0x1F  }
0x17d: {  	v48 =	vmov s3;
	s11 =	sshra.s32 s12, $0x6;
	s12 =	sshra.s32 s12, $0x1F;
	s15 =	sld [smem:$0x7CD];
	v7 =	vsel vm14, s19, v7  }
0x17e: {  	v17 =	vsel vm0, s0, v48;
	v7 =	vsel vm6, s11, v7;
	s19 =	sshrl.u32 s17, $0x1F;
	s3 =	sshra.s32 s17, $0x6;
	s17 =	sld [smem:$0x7D1]  }
0x17f: {  	v17 =	vsel vm1, s1, v17;
	v7 =	vsel vm15, s12, v7;
	s12 =	sld [smem:$0x7D2]  }
0x180: {  	v19 =	vsel vm1, s6, v18;
	v18 =	vsel vm2, s2, v17;
	v17 =	vsel vm7, s13, v7;
	s13 =	sld [smem:$0x7D3]  }
0x181: {  	s1 =	sshra.s32 s5, $0x6;
	s2 =	sshrl.u32 s5, $0x1F;
	s9 =	sshrl.u32 s15, $0x1F  }
0x182: {  	v19 =	vsel vm2, s7, v19;
	s0 =	sshra.s32 s15, $0x6;
	s7 =	sshra.s32 s17, $0x1F;
	s5 =	sshrl.u32 s12, $0x1F  }
0x183: {  	v20 =	vmov s7;
	s15 =	sshrl.u32 s13, $0x1F;
	s7 =	sshra.s32 s12, $0x6;
	s12 =	sld [smem:$0x7D4]  }
0x184: {  	v49 =	vmov s19;
	s19 =	sshra.s32 s13, $0x6;
	s11 =	sshra.s32 s13, $0x1F;
	s13 =	sld [smem:$0x7D5]  }
0x185: {  	_ = 	snop  }
0x186: {  	s6 =	sshrl.u32 s4, $0x1F;
	v7 =	vsel vm0, s9, v49  }
0x187: {  	v7 =	vsel vm1, s6, v7;
	v21 =	vmov s15;
	s9 =	sshrl.u32 s12, $0x1F;
	s6 =	sshra.s32 s12, $0x6;
	s15 =	sshrl.u32 s13, $0x1F  }
0x188: {  	v20 =	vsel vm3, s19, v20;
	s19 =	sshra.s32 s13, $0x6;
	s12 =	sshra.s32 s13, $0x1F;
	s13 =	sld [smem:$0x7D7]  }
0x189: {  	v21 =	vnsel vm3, $0x0, v21  }
0x18a: {  	v22 =	vsel vm9, s11, v20;
	v50 =	vsel vm0, s15, v21;
	s15 =	sld [smem:$0x7D6]  }
0x18b: {  	v51 =	vsel vm0, s19, v22;
	v52 =	vmov s9;
	s19 =	sshrl.u32 s13, $0x1F  }
0x18c: {  	v21 =	vsel vm10, s12, v51;
	v22 =	vsel vm0, s5, v52;
	s12 =	sshra.s32 s13, $0x6;
	s5 =	sshra.s32 s13, $0x1F;
	s13 =	sld [smem:$0x7DA]  }
0x18d: {  	v20 =	vsel vm2, s2, v7;
	s8 =	sshrl.u32 s15, $0x1F;
	s2 =	sshra.s32 s15, $0x6;
	s15 =	sld [smem:$0x7D8]  }
0x18e: {  	v21 =	vsel vm1, s12, v21;
	s12 =	sld [smem:$0x7D9];
	_ =	sdelay $0x1  }
0x18f: {  	v7 =	vsel vm1, s19, v50;
	s19 =	sshrl.u32 s13, $0x1F;
	s11 =	sshrl.u32 s15, $0x1F  }
0x190: {  	v21 =	vsel vm11, s5, v21;
	s9 =	sshrl.u32 s12, $0x1F;
	s5 =	sshra.s32 s12, $0x6;
	s12 =	sld [smem:$0x7DB];
	v7 =	vsel vm2, s11, v7  }
0x191: {  	v22 =	vsel vm1, s8, v22;
	s8 =	sshra.s32 s15, $0x1F;
	v7 =	vsel vm4, s19, v7;
	s19 =	sshra.s32 s15, $0x6;
	s15 =	sld [smem:$0x7DC]  }
0x192: {  	v25 =	vmov s6  }
0x193: {  	v23 =	vmov s3;
	s3 =	sshra.s32 s17, $0x6;
	s6 =	sld [smem:$0x7DD];
	v56 =	vsel vm0, s7, v25;
	s11 =	sshrl.u32 s12, $0x1F  }
0x194: {  	s7 =	sld [smem:$0x7E0];
	v22 =	vsel vm2, s9, v22;
	s9 =	sshra.s32 s13, $0x1F;
	v21 =	vsel vm2, s19, v21;
	v7 =	vsel vm5, s11, v7;
	s19 =	sshrl.u32 s15, $0x1F  }
0x195: {  	s11 =	sshra.s32 s13, $0x6;
	v24 =	vsel vm12, s8, v21;
	s13 =	sshrl.u32 s17, $0x1F;
	s17 =	sld [smem:$0x7DF];
	v7 =	vsel vm6, s19, v7  }
0x196: {  	s4 =	sshra.s32 s4, $0x6;
	v54 =	vsel vm4, s11, v24;
	v21 =	vsel vm7, s13, v7;
	s13 =	sld [smem:$0x7DE]  }
0x197: {  	v53 =	vsel vm0, s0, v23;
	s0 =	sshra.s32 s6, $0x6;
	s8 =	sshra.s32 s12, $0x1F;
	s19 =	sshra.s32 s12, $0x6;
	v23 =	vsel vm13, s9, v54  }
0x198: {  	s11 =	sshra.s32 s15, $0x6;
	s12 =	sshra.s32 s15, $0x1F;
	v7 =	vsel vm1, s4, v53;
	s4 =	sshrl.u32 s6, $0x1F;
	v23 =	vsel vm5, s19, v23  }
0x199: {  	s19 =	sshrl.u32 s17, $0x1F;
	v23 =	vsel vm14, s8, v23;
	s8 =	sld [smem:$0x7E1];
	s15 =	sshrl.u32 s13, $0x1F  }
0x19a: {  	s9 =	sshra.s32 s17, $0x6;
	s6 =	sshrl.u32 s7, $0x1F;
	v55 =	vsel vm2, s1, v7;
	v7 =	vsel vm1, s2, v56;
	v57 =	vmov s15;
	s15 =	sld [smem:$0x7E2]  }
0x19b: {  	s7 =	sshra.s32 s7, $0x6;
	v26 =	vsel vm2, s5, v7;
	s1 =	sshra.s32 s13, $0x6;
	s13 =	sshra.s32 s10, $0x1F  }
0x19c: {  	v23 =	vsel vm6, s11, v23;
	s11 =	sshrl.u32 s24, $0x1F;
	s5 =	sshra.s32 s8, $0x6;
	v29 =	vmov s13;
	s13 =	sshra.s32 s18, $0x1F;
	v25 =	vsel vm0, s4, v57  }
0x19d: {  	v23 =	vsel vm15, s12, v23;
	v28 =	vmov s11;
	s4 =	sshrl.u32 s8, $0x1F;
	v27 =	vsel vm1, s19, v25;
	s19 =	sld [smem:$0x7E3];
	s17 =	sshrl.u32 s15, $0x1F  }
0x19e: {  	v58 =	vsel vm7, s3, v23;
	v59 =	vnsel vm3, $0x0, v28;
	s2 =	sshra.s32 s15, $0x6;
	v23 =	vsel vm2, s6, v27;
	s6 =	sshrl.u32 s22, $0x1F;
	s15 =	rddreg [dreg:$0x1f]  }
0x19f: {  	v7 =	vld [tilespmem:$0x50];
	v60 =	vmov s17;
	v27 =	vsel vm0, s6, v59;
	s3 =	sshrl.u32 s15, $0x1F;
	s17 =	sshrl.u32 s20, $0x1F;
	s6 =	sshra.s32 s16, $0x1F  }
0x1a0: {  	s11 =	sshrl.u32 s19, $0x1F;
	s12 =	sshra.s32 s19, $0x6;
	s19 =	sshra.s32 s24, $0x6  }
0x1a1: {  	v28 =	vsel vm0, s4, v60;
	v27 =	vsel vm1, s17, v27;
	s4 =	sshra.s32 s15, $0x6;
	s15 =	sshra.s32 s24, $0x1F;
	s17 =	sshrl.u32 s18, $0x1F  }
0x1a2: {  	s24 =	sshra.s32 s22, $0x1F;
	v29 =	vsel vm3, s19, v29;
	v27 =	vsel vm2, s17, v27;
	s19 =	sshra.s32 s22, $0x6;
	s17 =	sshrl.u32 s16, $0x1F  }
0x1a3: {  	v28 =	vsel vm1, s11, v28;
	s22 =	sshra.s32 s20, $0x1F;
	s11 =	rddreg [dreg:$0x1c];
	v29 =	vsel vm9, s15, v29;
	s15 =	sshrl.u32 s14, $0x1F  }
0x1a4: {  	(v2sf) =	vpush v7, $0xD;
	v27 =	vsel vm4, s17, v27;
	s17 =	sshra.s32 s18, $0x6;
	v29 =	vsel vm0, s19, v29;
	s19 =	sshra.s32 s20, $0x6;
	s20 =	sshrl.u32 s10, $0x1F  }
0x1a5: {  	v27 =	vsel vm5, s15, v27;
	s10 =	sshra.s32 s10, $0x6;
	s15 =	sshrl.u32 s31, $0x1F;
	v29 =	vsel vm10, s24, v29;
	s24 =	rddreg [dreg:$0x1e]  }
0x1a6: {  	v30 =	vmov s1;
	s18 =	sshrl.u32 s24, $0x1F;
	v29 =	vsel vm1, s19, v29;
	s19 =	sshra.s32 s16, $0x6;
	s16 =	sshra.s32 s24, $0x6  }
0x1a7: {  	v30 =	vsel vm0, s0, v30;
	(v2sf) =	vpush v7, $0xC;
	s8 =	sshra.s32 s24, $0x1F;
	s24 =	rddreg [dreg:$0x1d];
	v29 =	vsel vm11, s22, v29;
	s22 =	sshra.s32 s14, $0x6  }
0x1a8: {  	v30 =	vsel vm1, s9, v30;
	(v2sf) =	vpush v7, $0xE;
	v27 =	vsel vm6, s18, v27;
	s14 =	sshra.s32 s14, $0x1F;
	s1 =	sshra.s32 s24, $0x6;
	s18 =	rddreg [dreg:$0x1b]  }
0x1a9: {  	(v2sf) =	vpush v7, $0xF;
	v27 =	vsel vm7, s20, v27;
	v29 =	vsel vm2, s17, v29;
	s17 =	sshrl.u32 s24, $0x1F;
	s9 =	sshrl.u32 s18, $0x1F;
	s20 =	rddreg [dreg:$0x19]  }
0x1aa: {  	v28 =	vsel vm2, s3, v28;
	(v2sf) =	vpush v7, $0x9;
	s3 =	sshra.s32 s18, $0x6;
	s24 =	rddreg [dreg:$0x17];
	v29 =	vsel vm12, s13, v29;
	s13 =	sshrl.u32 s11, $0x1F  }
0x1ab: {  	v31 =	vmov s2;
	s11 =	sshra.s32 s11, $0x6;
	s0 =	sshra.s32 s20, $0x6;
	v29 =	vsel vm4, s19, v29;
	s19 =	rddreg [dreg:$0x1a]  }
0x1ac: {  	(v2sf) =	vpush v7, $0x8;
	v33 =	vmov s13;
	s13 =	sshrl.u32 s29, $0x1F;
	v43 =	vmov s11;
	s11 =	sshra.s32 s30, $0x1F;
	s18 =	sshrl.u32 s19, $0x1F  }
0x1ad: {  	v31 =	vsel vm0, s5, v31;
	(v2sf) =	vpush v7, $0xA;
	v29 =	vsel vm13, s6, v29;
	s2 =	sshra.s32 s19, $0x6;
	s19 =	sshrl.u32 s20, $0x1F;
	s20 =	sshrl.u32 s24, $0x1F  }
0x1ae: {  	v33 =	vsel vm0, s17, v33;
	s17 =	sshrl.u32 s28, $0x1F;
	v32 =	vsel vm5, s22, v29;
	s22 =	rddreg [dreg:$0x18];
	v29 =	vsel vm2, s7, v30;
	s7 =	sshra.s32 s24, $0x6  }
0x1af: {  	v61 =	vsel vm1, s12, v31;
	s24 =	sshrl.u32 s23, $0x1F;
	s6 =	sshrl.u32 s22, $0x1F;
	s5 =	sshra.s32 s22, $0x6  }
0x1b0: {  	v63 =	vsel vm2, s4, v61;
	v62 =	vsel vm14, s14, v32;
	s22 =	rddreg [dreg:$0x16];
	v37 =	vmov s24;
	s24 =	smov.u32 s21;
	s14 =	sshra.s32 s31, $0x1F  }
0x1b1: {  	(v2sf) =	vpush v7, $0xB;
	s12 =	sshrl.u32 s22, $0x1F;
	v36 =	vsel vm6, s16, v62;
	s4 =	sshra.s32 s22, $0x6;
	s16 =	sshrl.u32 s21, $0x1F;
	v31 =	vnsel vm3, $0x0, v37  }
0x1b2: {  	v33 =	vsel vm1, s9, v33;
	s21 =	sshrl.u32 s25, $0x1F;
	s22 =	sshrl.u32 s26, $0x1F;
	v34 =	vmov s6;
	s6 =	sshra.s32 s24, $0x6;
	v31 =	vsel vm0, s16, v31  }
0x1b3: {  	s9 =	sshra.s32 s24, $0x1F;
	v30 =	vsel vm15, s8, v36;
	s8 =	sshrl.u32 s30, $0x1F;
	v39 =	vsel vm0, s19, v34;
	s19 =	spop (v2sf);
	v35 =	vsel vm1, s15, v31  }
0x1b4: {  	v38 =	vsel vm2, s18, v33;
	s16 =	sshra.s32 s23, $0x6;
	(v2sf) =	vpush v7, $0x0;
	s15 =	sshra.s32 s23, $0x1F;
	s18 =	smulhi.u32 $0x6BCA1AF3, s19;
	v40 =	vsel vm2, s8, v35  }
0x1b5: {  	v30 =	vsel vm7, s10, v30;
	v33 =	vsel vm1, s20, v39;
	s20 =	sshra.s32 s19, $0x1F;
	s10 =	sshra.s32 s30, $0x6;
	s8 =	sshra.s32 s31, $0x6;
	v34 =	vsel vm4, s13, v40  }
0x1b6: {  	v41 =	vsel vm2, s12, v33;
	s19 =	smul.u32 $0x6BCA1AF3, s20;
	s12 =	sshra.s32 s29, $0x6;
	v42 =	vsel vm5, s21, v34;
	s21 =	spop (v2sf);
	(v2sf) =	vpush v7, $0x1  }
0x1b7: {  	s20 =	smulhi.u32 $0x6BCA1AF3, s21;
	s24 =	sshra.s32 s21, $0x1F;
	s30 =	spop (v2sf);
	(v2sf) =	vpush v7, $0x2  }
0x1b8: {  	s13 =	sshra.s32 s29, $0x1F;
	v33 =	vsel vm6, s17, v42;
	s17 =	smul.u32 $0x6BCA1AF3, s24;
	s31 =	spop (v2sf);
	(v2sf) =	vpush v7, $0x3  }
0x1b9: {  	v14 =	vcombine.low v14, v10;
	v34 =	vsel vm0, s1, v43;
	s21 =	smulhi.u32 $0x6BCA1AF3, s30;
	s1 =	sshra.s32 s30, $0x1F;
	s29 =	spop (v2sf);
	(v2sf) =	vpush v7, $0x4  }
0x1ba: {  	s23 =	sshra.s32 s26, $0x1F;
	v34 =	vsel vm1, s3, v34;
	s3 =	sadd.s32 s19, s18;
	s24 =	smul.u32 $0x6BCA1AF3, s1;
	(v2sf) =	vpush v7, $0x5  }
0x1bb: {  	v14 =	vperm.xlane v14, v0;
	s18 =	smulhi.u32 $0x6BCA1AF3, s31;
	s30 =	sshra.s32 s31, $0x1F;
	s19 =	spop (v2sf);
	(v2sf) =	vpush v7, $0x6  }
0x1bc: {  	v46 =	vmov s23;
	v33 =	vsel vm7, s22, v33;
	s23 =	smul.u32 $0x6BCA1AF3, s30;
	s22 =	spop (v2sf);
	(v2sf) =	vpush v7, $0x7  }
0x1bd: {  	v12 =	vperm.xlane v12, v1;
	v45 =	vmov s5;
	v35 =	vsel vm3, s16, v46;
	s16 =	smulhi.u32 $0x6BCA1AF3, s29;
	s31 =	sshra.s32 s29, $0x1F  }
0x1be: {  	v49 =	vsel vm9, s15, v35;
	v44 =	vsel vm2, s2, v34;
	v34 =	vsel vm0, s0, v45;
	s0 =	sshra.s32 s25, $0x1F;
	s5 =	sadd.s32 s17, s20;
	s20 =	smul.u32 $0x6BCA1AF3, s31  }
0x1bf: {  	v47 =	vsel vm8, v12, v14;
	v12 =	vsel vm0, s6, v49;
	s1 =	sshra.s32 s25, $0x6;
	s29 =	smulhi.u32 $0x6BCA1AF3, s19;
	s19 =	sshra.s32 s19, $0x1F  }
0x1c0: {  	v8 =	vcombine.low v11, v8;
	v12 =	vsel vm10, s9, v12;
	s17 =	sshrl.u32 s3, $0x1F;
	s6 =	sadd.s32 s24, s21;
	s19 =	smul.u32 $0x6BCA1AF3, s19  }
0x1c1: {  	v12 =	vsel vm1, s8, v12;
	s8 =	sadd.s32 s23, s18;
	s18 =	smulhi.u32 $0x6BCA1AF3, s22;
	s22 =	sshra.s32 s22, $0x1F  }
0x1c2: {  	v8 =	vperm.xlane v8, v0;
	v9 =	vperm.xlane v9, v1;
	s30 =	sshrl.u32 s5, $0x1F;
	s25 =	spop (v2sf);
	s22 =	smul.u32 $0x6BCA1AF3, s22  }
0x1c3: {  	v54 =	vcombine.low v26, v55;
	v55 =	vsel vm1, s7, v34;
	s24 =	sshrl.u32 s6, $0x1F;
	s7 =	smulhi.u32 $0x6BCA1AF3, s25;
	s31 =	sshra.s32 s25, $0x1F  }
0x1c4: {  	v8 =	vsel vm8, v9, v8;
	v48 =	vcombine.low v16, v13;
	v12 =	vsel vm11, s14, v12;
	s14 =	sadd.s32 s19, s29;
	s19 =	smul.u32 $0x6BCA1AF3, s31;
	s23 =	spop (v2sf)  }
0x1c5: {  	v50 =	vcombine.low v19, v18;
	v53 =	vperm.xlane v17, v1;
	v17 =	vsel vm2, s4, v55;
	s4 =	smulhi.u32 $0x6BCA1AF3, s23;
	s25 =	sshra.s32 s23, $0x1F;
	s29 =	spop (v2sf)  }
0x1c6: {  	v57 =	vperm.xlane v58, v1;
	v12 =	vsel vm2, s10, v12;
	v58 =	vmov s30;
	s9 =	sadd.s32 s20, s16;
	s23 =	smul.u32 $0x6BCA1AF3, s25;
	s30 =	spop (v2sf)  }
0x1c7: {  	v9 =	vperm.xlane v48, v0;
	v12 =	vsel vm12, s11, v12;
	v59 =	vsel vm0, s17, v58;
	s17 =	smulhi.u32 $0x6BCA1AF3, s29;
	s31 =	sshra.s32 s29, $0x1F;
	s20 =	spop (v2sf)  }
0x1c8: {  	v15 =	vperm.xlane v15, v1;
	v13 =	vperm.xlane v50, v0;
	v12 =	vsel vm4, s12, v12;
	s11 =	sadd.s32 s22, s18;
	s18 =	smul.u32 $0x6BCA1AF3, s31;
	s22 =	spop (v2sf)  }
0x1c9: {  	v62 =	vcombine.low v63, v29;
	v63 =	vsel vm13, s13, v12;
	s13 =	smulhi.u32 $0x6BCA1AF3, s30;
	s25 =	sshra.s32 s30, $0x1F;
	s10 =	spop (v2sf)  }
0x1ca: {  	v9 =	vsel vm8, v15, v9;
	v13 =	vsel vm8, v53, v13;
	s12 =	sadd.s32 s19, s7;
	s29 =	smul.u32 $0x6BCA1AF3, s25;
	s7 =	spop (v2sf)  }
0x1cb: {  	v9 =	vadd.s32 v9, v13;
	s16 =	sshrl.u32 s8, $0x1F;
	v13 =	vsel vm1, s24, v59;
	s30 =	smulhi.u32 $0x6BCA1AF3, s20;
	s31 =	spop (v2sf)  }
0x1cc: {  	v29 =	vmul.u32 $0xFFFFFF68, v9;
	v13 =	vsel vm2, s16, v13;
	s16 =	sadd.s32 s23, s4;
	s24 =	smulhi.u32 $0x6BCA1AF3, s31;
	s4 =	sshra.s32 s31, $0x1F  }
0x1cd: {  	v11 =	vcombine.low v41, v38;
	s21 =	sshrl.u32 s14, $0x1F;
	s20 =	sshra.s32 s20, $0x1F;
	s4 =	smul.u32 $0x6BCA1AF3, s4  }
0x1ce: {  	v52 =	vcombine.low v22, v20;
	v20 =	vadd.s32 v2, v29;
	s15 =	sshrl.u32 s9, $0x1F;
	v32 =	vmov s21;
	s20 =	smul.u32 $0x6BCA1AF3, s20  }
0x1cf: {  	v2 =	vperm.xlane v11, v0;
	v33 =	vperm.xlane v33, v1;
	v34 =	vsel vm0, s15, v32;
	s25 =	sshrl.u32 s11, $0x1F;
	s13 =	sadd.s32 s29, s13;
	s4 =	sadd.s32 s4, s24  }
0x1d0: {  	v15 =	vsel vm1, s25, v34;
	s29 =	sshrl.u32 s12, $0x1F;
	s20 =	sadd.s32 s20, s30;
	s30 =	sshra.s32 s4, $0x1F  }
0x1d1: {  	v11 =	vsel vm8, v33, v2;
	v2 =	vsel vm2, s29, v15;
	s31 =	sshra.s32 s16, $0x6;
	v35 =	vmov s30  }
0x1d2: {  	s15 =	sshrl.u32 s16, $0x1F;
	v13 =	vcombine.low v2, v13;
	s16 =	sshra.s32 s16, $0x1F;
	v2 =	vsel vm3, s31, v35  }
0x1d3: {  	v38 =	vsel vm9, s16, v2;
	v2 =	vld [tilespmem:$0x60];
	_ =	sdelay $0x4  }
0x1d4: {  	v8 =	vadd.s32 v8, v47;
	(v2sf) =	vpush v2, $0xD  }
0x1d5: {  	v51 =	vmul.u32 $0xFFFFFF68, v8  }
0x1d6: {  	s2 =	sshra.s32 s28, $0x6;
	s28 =	sshra.s32 s28, $0x1F;
	s3 =	sshra.s32 s3, $0x6;
	(v2sf) =	vpush v2, $0xC  }
0x1d7: {  	v3 =	vadd.s32 v3, v51;
	v10 =	vcombine.low v17, v44;
	s5 =	sshra.s32 s5, $0x6;
	s14 =	sshra.s32 s14, $0x6;
	s23 =	sshra.s32 s9, $0x6  }
0x1d8: {  	v36 =	vmov s5;
	v19 =	vsel vm5, s1, v63;
	s17 =	sadd.s32 s18, s17;
	s19 =	smulhi.u32 $0x6BCA1AF3, s22;
	s22 =	sshra.s32 s22, $0x1F;
	(v2sf) =	vpush v2, $0xE  }
0x1d9: {  	v10 =	vperm.xlane v10, v0;
	v19 =	vsel vm14, s0, v19;
	v39 =	vmov s15;
	s25 =	sshra.s32 s6, $0x6;
	s18 =	sshrl.u32 s17, $0x1F;
	s15 =	smulhi.u32 $0x6BCA1AF3, s10  }
0x1da: {  	v37 =	vmov s14;
	v19 =	vsel vm6, s2, v19;
	s21 =	sshrl.u32 s13, $0x1F;
	s29 =	sshra.s32 s11, $0x6;
	s24 =	sshra.s32 s17, $0x6;
	(v2sf) =	vpush v2, $0xF  }
0x1db: {  	v17 =	vsel vm0, s23, v37;
	v15 =	vsel vm0, s3, v36;
	s9 =	sshra.s32 s13, $0x6;
	s14 =	sshra.s32 s13, $0x1F;
	s30 =	sshra.s32 s17, $0x1F;
	v18 =	vsel vm0, s24, v38  }
0x1dc: {  	v15 =	vsel vm1, s25, v15;
	s31 =	sshra.s32 s8, $0x6;
	s8 =	sshra.s32 s12, $0x6;
	s12 =	smul.u32 $0x6BCA1AF3, s22;
	v18 =	vsel vm10, s30, v18;
	(v2sf) =	vpush v2, $0x9  }
0x1dd: {  	s3 =	sshra.s32 s26, $0x6;
	v17 =	vsel vm1, s29, v17;
	s11 =	sshrl.u32 s20, $0x1F;
	v15 =	vsel vm2, s31, v15;
	s16 =	sshra.s32 s10, $0x1F;
	v18 =	vsel vm1, s9, v18  }
0x1de: {  	s17 =	sshra.s32 s20, $0x6;
	v17 =	vsel vm2, s8, v17;
	s6 =	smul.u32 $0x6BCA1AF3, s16;
	s9 =	sadd.s32 s12, s19;
	v18 =	vsel vm11, s14, v18;
	(v2sf) =	vpush v2, $0x8  }
0x1df: {  	v40 =	vsel vm15, s28, v19;
	v15 =	vcombine.low v17, v15;
	s19 =	sshra.s32 s20, $0x1F;
	s20 =	smulhi.u32 $0x6BCA1AF3, s7;
	s7 =	sshra.s32 s7, $0x1F;
	v18 =	vsel vm2, s17, v18  }
0x1e0: {  	s8 =	sshrl.u32 s4, $0x1F;
	v17 =	vnsel vm3, $0x0, v39;
	s22 =	sshra.s32 s9, $0x6;
	s24 =	smul.u32 $0x6BCA1AF3, s7;
	v18 =	vsel vm12, s19, v18;
	(v2sf) =	vpush v2, $0xA  }
0x1e1: {  	[tilespmem:$0x100] =	vst v3;
	v3 =	vsel vm7, s3, v40;
	v17 =	vsel vm0, s18, v17;
	s23 =	sadd.s32 s6, s15;
	s25 =	sshra.s32 s9, $0x1F;
	s29 =	sshrl.u32 s9, $0x1F;
	v18 =	vsel vm4, s22, v18  }
0x1e2: {  	v17 =	vsel vm1, s21, v17;
	s30 =	sshra.s32 s23, $0x6;
	s31 =	sshrl.u32 s23, $0x1F;
	s5 =	sadd.s32 s24, s20;
	v18 =	vsel vm13, s25, v18;
	(v2sf) =	vpush v2, $0xB  }
0x1e3: {  	v3 =	vperm.xlane v3, v1;
	v17 =	vsel vm2, s11, v17;
	s1 =	sshra.s32 s23, $0x1F;
	s6 =	sshrl.u32 s5, $0x1F;
	v18 =	vsel vm5, s30, v18;
	s11 =	spop (v2sf)  }
0x1e4: {  	v17 =	vsel vm4, s29, v17;
	s7 =	sshra.s32 s5, $0x6;
	v18 =	vsel vm14, s1, v18;
	(v2sf) =	vpush v2, $0x0;
	s0 =	smulhi.u32 $0x6BCA1AF3, s11;
	s1 =	sshra.s32 s11, $0x1F  }
0x1e5: {  	v13 =	vperm.xlane v13, v0;
	v17 =	vsel vm5, s31, v17;
	s9 =	sshra.s32 s5, $0x1F;
	v42 =	vsel vm6, s7, v18;
	s12 =	spop (v2sf);
	s16 =	smul.u32 $0x6BCA1AF3, s1  }
0x1e6: {  	[tilespmem:$0x80] =	vst v8;
	s10 =	sshra.s32 s4, $0x6;
	v41 =	vsel vm6, s6, v17;
	v43 =	vsel vm15, s9, v42;
	(v2sf) =	vpush v2, $0x1;
	s5 =	smulhi.u32 $0x6BCA1AF3, s12;
	s13 =	sshra.s32 s12, $0x1F  }
0x1e7: {  	[tilespmem:$0x90] =	vst v9;
	v44 =	vperm.xlane v15, v0;
	v8 =	vsel vm7, s8, v41;
	v9 =	vsel vm7, s10, v43;
	s14 =	spop (v2sf);
	s17 =	smul.u32 $0x6BCA1AF3, s13  }
0x1e8: {  	v8 =	vperm.xlane v8, v1;
	v9 =	vperm.xlane v9, v1;
	(v2sf) =	vpush v2, $0x2;
	s6 =	smulhi.u32 $0x6BCA1AF3, s14;
	s1 =	sshra.s32 s14, $0x1F  }
0x1e9: {  	v3 =	vsel vm8, v3, v10;
	s15 =	spop (v2sf);
	(v2sf) =	vpush v2, $0x3;
	s18 =	smul.u32 $0x6BCA1AF3, s1  }
0x1ea: {  	v3 =	vadd.s32 v11, v3;
	v8 =	vsel vm8, v8, v13;
	v9 =	vsel vm8, v9, v44;
	s7 =	smulhi.u32 $0x6BCA1AF3, s15;
	s1 =	sshra.s32 s15, $0x1F  }
0x1eb: {  	v45 =	vmul.u32 $0xFFFFFF68, v3;
	v46 =	vadd.s32 v8, v9;
	s19 =	spop (v2sf);
	(v2sf) =	vpush v2, $0x4;
	s24 =	smul.u32 $0x6BCA1AF3, s1  }
0x1ec: {  	v47 =	vmul.u32 $0xFFFFFF68, v46;
	s8 =	smulhi.u32 $0x6BCA1AF3, s19;
	s1 =	sshra.s32 s19, $0x1F  }
0x1ed: {  	[tilespmem:$0xC0] =	vst v3;
	v3 =	vadd.s32 v6, v45;
	s20 =	spop (v2sf);
	(v2sf) =	vpush v2, $0x5;
	s10 =	smul.u32 $0x6BCA1AF3, s1  }
0x1ee: {  	[tilespmem:$0x140] =	vst v3;
	v3 =	vadd.s32 v7, v47;
	s9 =	smulhi.u32 $0x6BCA1AF3, s20;
	s1 =	sshra.s32 s20, $0x1F  }
0x1ef: {  	[tilespmem:$0x150] =	vst v3;
	v3 =	vld [tilespmem:$0x70];
	s21 =	spop (v2sf);
	(v2sf) =	vpush v2, $0x6;
	s28 =	smul.u32 $0x6BCA1AF3, s1  }
0x1f0: {  	s11 =	smulhi.u32 $0x6BCA1AF3, s21;
	s1 =	sshra.s32 s21, $0x1F  }
0x1f1: {  	s22 =	spop (v2sf);
	(v2sf) =	vpush v2, $0x7;
	s30 =	smul.u32 $0x6BCA1AF3, s1  }
0x1f2: {  	s12 =	smulhi.u32 $0x6BCA1AF3, s22;
	s1 =	sshra.s32 s22, $0x1F  }
0x1f3: {  	s31 =	smul.u32 $0x6BCA1AF3, s1;
	s23 =	spop (v2sf)  }
0x1f4: {  	(v2sf) =	vpush v3, $0xD;
	s13 =	smulhi.u32 $0x6BCA1AF3, s23;
	s1 =	sshra.s32 s23, $0x1F  }
0x1f5: {  	s25 =	spop (v2sf);
	s29 =	smul.u32 $0x6BCA1AF3, s1  }
0x1f6: {  	(v2sf) =	vpush v3, $0xC;
	s26 =	smulhi.u32 $0x6BCA1AF3, s25;
	s1 =	sshra.s32 s25, $0x1F  }
0x1f7: {  	s3 =	spop (v2sf);
	s25 =	smul.u32 $0x6BCA1AF3, s1  }
0x1f8: {  	s4 =	smulhi.u32 $0x6BCA1AF3, s3;
	s1 =	sshra.s32 s3, $0x1F;
	s14 =	spop (v2sf)  }
0x1f9: {  	(v2sf) =	vpush v3, $0xE;
	[smem:$0x7E4] =	sst s26;
	s23 =	smul.u32 $0x6BCA1AF3, s1  }
0x1fa: {  	s15 =	smulhi.u32 $0x6BCA1AF3, s14;
	s2 =	sshra.s32 s14, $0x1F;
	s19 =	spop (v2sf)  }
0x1fb: {  	[smem:$0x7E5] =	sst s4;
	s20 =	smul.u32 $0x6BCA1AF3, s2  }
0x1fc: {  	s21 =	smulhi.u32 $0x6BCA1AF3, s19;
	s4 =	sshra.s32 s19, $0x1F;
	s22 =	spop (v2sf)  }
0x1fd: {  	[smem:$0x7E6] =	sst s15;
	s15 =	smul.u32 $0x6BCA1AF3, s4  }
0x1fe: {  	s2 =	smulhi.u32 $0x6BCA1AF3, s22;
	s26 =	sshra.s32 s22, $0x1F;
	s3 =	spop (v2sf)  }
0x1ff: {  	v14 =	vperm.xlane v52, v0;
	(v2sf) =	vpush v3, $0xF;
	[smem:$0x7E7] =	sst s21;
	s14 =	smul.u32 $0x6BCA1AF3, s26  }
0x200: {  	v56 =	vperm.xlane v21, v1;
	v61 =	vcombine.low v28, v23;
	s4 =	smulhi.u32 $0x6BCA1AF3, s3;
	s26 =	sshra.s32 s3, $0x1F;
	s19 =	spop (v2sf)  }
0x201: {  	v16 =	vperm.xlane v54, v0;
	(v2sf) =	vpush v3, $0x9;
	[smem:$0x7E8] =	sst s2;
	s3 =	smul.u32 $0x6BCA1AF3, s26  }
0x202: {  	v14 =	vsel vm8, v56, v14;
	v25 =	vperm.xlane v61, v0;
	v26 =	vperm.xlane v27, v1;
	s21 =	smulhi.u32 $0x6BCA1AF3, s19;
	s26 =	sshra.s32 s19, $0x1F;
	[smem:$0x7E9] =	sst s4  }
0x203: {  	v60 =	vsel vm8, v57, v16;
	v27 =	vperm.xlane v62, v0;
	v28 =	vperm.xlane v30, v1;
	s2 =	smul.u32 $0x6BCA1AF3, s26;
	s22 =	spop (v2sf)  }
0x204: {  	v24 =	vadd.s32 v14, v60;
	(v2sf) =	vpush v3, $0x8;
	[smem:$0x7EA] =	sst s21;
	s4 =	smulhi.u32 $0x6BCA1AF3, s22;
	s26 =	sshra.s32 s22, $0x1F  }
0x205: {  	v14 =	vsel vm8, v26, v25;
	v30 =	vmul.u32 $0xFFFFFF68, v24;
	v16 =	vsel vm8, v28, v27;
	s21 =	spop (v2sf);
	s19 =	smul.u32 $0x6BCA1AF3, s26  }
0x206: {  	[tilespmem:$0xA0] =	vst v24;
	v14 =	vadd.s32 v14, v16;
	(v2sf) =	vpush v3, $0xA;
	s22 =	smulhi.u32 $0x6BCA1AF3, s21;
	s26 =	sshra.s32 s21, $0x1F  }
0x207: {  	[tilespmem:$0x110] =	vst v20;
	v5 =	vadd.s32 v5, v30;
	v16 =	vmul.u32 $0xFFFFFF68, v14;
	[smem:$0x7EB] =	sst s4;
	s4 =	smul.u32 $0x6BCA1AF3, s26  }
0x208: {  	[tilespmem:$0x120] =	vst v5;
	(v2sf) =	vpush v3, $0xB;
	[smem:$0x7EC] =	sst s19;
	s19 =	sadd.s32 s16, s0;
	s16 =	spop (v2sf)  }
0x209: {  	[tilespmem:$0xB0] =	vst v14;
	v4 =	vadd.s32 v4, v16;
	(v2sf) =	vpush v3, $0x0;
	[smem:$0x7ED] =	sst s22;
	s22 =	smulhi.u32 $0x6BCA1AF3, s16;
	s26 =	sshra.s32 s16, $0x1F  }
0x20a: {  	[tilespmem:$0x130] =	vst v4;
	[smem:$0x7EE] =	sst s4;
	s1 =	smul.u32 $0x6BCA1AF3, s26  }
0x20b: {  	[tilespmem:$0xD0] =	vst v46;
	(v2sf) =	vpush v3, $0x1;
	[smem:$0x7EF] =	sst s22  }
0x20c: {  	s18 =	sadd.s32 s18, s6;
	(v2sf) =	vpush v3, $0x2;
	[smem:$0x7F0] =	sst s1  }
0x20d: {  	s24 =	sadd.s32 s24, s7;
	s21 =	sadd.s32 s17, s5;
	s17 =	sld [smem:$0x7E4]  }
0x20e: {  	s28 =	sadd.s32 s28, s9;
	s4 =	spop (v2sf);
	s22 =	sld [smem:$0x7E5]  }
0x20f: {  	s30 =	sadd.s32 s30, s11;
	s1 =	sld [smem:$0x7E6];
	s5 =	smulhi.u32 $0x6BCA1AF3, s4  }
0x210: {  	s6 =	sshra.s32 s4, $0x1F;
	s7 =	spop (v2sf);
	s4 =	sld [smem:$0x7EC]  }
0x211: {  	s11 =	sadd.s32 s31, s12;
	s0 =	smul.u32 $0x6BCA1AF3, s6;
	[smem:$0x7F1] =	sst s5  }
0x212: {  	s26 =	sadd.s32 s10, s8;
	s8 =	smulhi.u32 $0x6BCA1AF3, s7;
	s5 =	sld [smem:$0x7E7]  }
0x213: {  	s9 =	spop (v2sf);
	s25 =	sadd.s32 s25, s17;
	s17 =	sld [smem:$0x7E9]  }
0x214: {  	s16 =	smulhi.u32 $0x6BCA1AF3, s9;
	s20 =	sadd.s32 s20, s1;
	s1 =	sld [smem:$0x7EA]  }
0x215: {  	s29 =	sadd.s32 s29, s13;
	s10 =	spop (v2sf);
	[smem:$0x7F2] =	sst s0  }
0x216: {  	s23 =	sadd.s32 s23, s22;
	[smem:$0x7F3] =	sst s8;
	s13 =	smulhi.u32 $0x6BCA1AF3, s10  }
0x217: {  	s0 =	sshra.s32 s7, $0x1F;
	s31 =	spop (v2sf);
	s7 =	sld [smem:$0x7E8]  }
0x218: {  	s0 =	smul.u32 $0x6BCA1AF3, s0;
	s15 =	sadd.s32 s15, s5;
	s6 =	spop (v2sf)  }
0x219: {  	s22 =	sadd.s32 s3, s17;
	s17 =	sadd.s32 s2, s1;
	s3 =	sld [smem:$0x7EB]  }
0x21a: {  	[smem:$0x7F4] =	sst s0;
	s0 =	sshra.s32 s9, $0x1F;
	s9 =	smulhi.u32 $0x6BCA1AF3, s31  }
0x21b: {  	s1 =	sld [smem:$0x7EE];
	s14 =	sadd.s32 s14, s7;
	s7 =	smulhi.u32 $0x6BCA1AF3, s6  }
0x21c: {  	(v2sf) =	vpush v3, $0x3;
	[smem:$0x7F5] =	sst s22;
	s12 =	smul.u32 $0x6BCA1AF3, s0;
	s0 =	sshra.s32 s10, $0x1F  }
0x21d: {  	s10 =	smul.u32 $0x6BCA1AF3, s0;
	s0 =	sshra.s32 s31, $0x1F;
	s31 =	spop (v2sf)  }
0x21e: {  	s2 =	sadd.s32 s4, s3;
	s8 =	smul.u32 $0x6BCA1AF3, s0;
	s0 =	sshra.s32 s6, $0x1F  }
0x21f: {  	s5 =	smulhi.u32 $0x6BCA1AF3, s31;
	[smem:$0x7F6] =	sst s2;
	s12 =	sadd.s32 s12, s16  }
0x220: {  	s6 =	smul.u32 $0x6BCA1AF3, s0;
	s0 =	sshra.s32 s31, $0x1F;
	s31 =	sld [smem:$0x7ED]  }
0x221: {  	[smem:$0x7FB] =	sst s12;
	s10 =	sadd.s32 s10, s13  }
0x222: {  	s4 =	smul.u32 $0x6BCA1AF3, s0;
	[smem:$0x7FC] =	sst s10;
	s8 =	sadd.s32 s8, s9  }
0x223: {  	s22 =	spop (v2sf);
	s2 =	sadd.s32 s1, s31;
	s31 =	sld [smem:$0x7F0]  }
0x224: {  	s3 =	smulhi.u32 $0x6BCA1AF3, s22;
	s0 =	sshra.s32 s22, $0x1F;
	s22 =	sld [smem:$0x7EF]  }
0x225: {  	s16 =	sshra.s32 s11, $0x6;
	s12 =	sshrl.u32 s24, $0x1F;
	[smem:$0x7FD] =	sst s8  }
0x226: {  	s13 =	sshrl.u32 s26, $0x1F;
	s9 =	sshrl.u32 s21, $0x1F;
	[smem:$0x7F7] =	sst s2  }
0x227: {  	s10 =	sshrl.u32 s18, $0x1F;
	s2 =	sadd.s32 s31, s22;
	s22 =	sld [smem:$0x7F1]  }
0x228: {  	s6 =	sadd.s32 s6, s7;
	s8 =	sshrl.u32 s19, $0x1F;
	(v2sf) =	vpush v3, $0x4;
	s31 =	sld [smem:$0x7F2]  }
0x229: {  	s7 =	sshra.s32 s24, $0x6;
	s24 =	sshra.s32 s28, $0x6;
	v49 =	vmov s9;
	s9 =	sshra.s32 s20, $0x6  }
0x22a: {  	s4 =	sadd.s32 s4, s5;
	[smem:$0x7F8] =	sst s2;
	s2 =	smul.u32 $0x6BCA1AF3, s0  }
0x22b: {  	s0 =	spop (v2sf);
	(v2sf) =	vpush v3, $0x5;
	s1 =	sadd.s32 s31, s22;
	s22 =	sld [smem:$0x7F3]  }
0x22c: {  	s5 =	sshra.s32 s19, $0x6;
	s19 =	sshra.s32 s26, $0x6;
	v5 =	vsel vm0, s8, v49;
	s31 =	sld [smem:$0x7F4]  }
0x22d: {  	s26 =	sshrl.u32 s30, $0x1F;
	s8 =	sshra.s32 s23, $0x6;
	v5 =	vsel vm1, s10, v5;
	s10 =	sshra.s32 s20, $0x1F;
	(v2sf) =	vpush v3, $0x6  }
0x22e: {  	v53 =	vmov s24;
	(v2sf) =	vpush v3, $0x7;
	[smem:$0x7F9] =	sst s1;
	s1 =	smulhi.u32 $0x6BCA1AF3, s0;
	s0 =	sshra.s32 s0, $0x1F  }
0x22f: {  	v9 =	vsel vm0, s19, v53;
	s19 =	sld [smem:$0x7F8];
	s0 =	smul.u32 $0x6BCA1AF3, s0;
	s22 =	sadd.s32 s31, s22  }
0x230: {  	s2 =	sadd.s32 s2, s3;
	s31 =	sshra.s32 s29, $0x6;
	[smem:$0x7FA] =	sst s22  }
0x231: {  	s3 =	sadd.s32 s0, s1;
	s1 =	sshra.s32 s21, $0x6;
	s22 =	sshra.s32 s18, $0x6  }
0x232: {  	s21 =	sshrl.u32 s28, $0x1F;
	s18 =	sshra.s32 s30, $0x6;
	s0 =	sshra.s32 s17, $0x1F  }
0x233: {  	s28 =	sshrl.u32 s11, $0x1F;
	s11 =	sshrl.u32 s29, $0x1F;
	s29 =	sshra.s32 s29, $0x1F;
	v48 =	vmov s0  }
0x234: {  	s30 =	sshrl.u32 s23, $0x1F;
	s0 =	sshrl.u32 s25, $0x1F;
	v50 =	vmov s11;
	s11 =	sshra.s32 s23, $0x1F;
	v51 =	vmov s21;
	v52 =	vmov s1  }
0x235: {  	s23 =	sshrl.u32 s20, $0x1F;
	s21 =	sshra.s32 s14, $0x6;
	v9 =	vsel vm1, s18, v9;
	s18 =	sld [smem:$0x7F9];
	v4 =	vsel vm3, s31, v48;
	v6 =	vnsel vm3, $0x0, v50  }
0x236: {  	s31 =	sshra.s32 s25, $0x6;
	s25 =	sshra.s32 s25, $0x1F;
	v8 =	vsel vm0, s5, v52;
	v9 =	vsel vm2, s16, v9;
	s16 =	sld [smem:$0x7FB];
	v4 =	vsel vm9, s29, v4  }
0x237: {  	s5 =	sshra.s32 s17, $0x6;
	v6 =	vsel vm0, s0, v6;
	v8 =	vsel vm1, s22, v8;
	s22 =	sld [smem:$0x7F6];
	v4 =	vsel vm0, s31, v4;
	s31 =	spop (v2sf)  }
0x238: {  	v6 =	vsel vm1, s30, v6;
	s30 =	sld [smem:$0x7F5];
	s24 =	sshrl.u32 s18, $0x1F;
	v4 =	vsel vm10, s25, v4;
	s0 =	smulhi.u32 $0x6BCA1AF3, s31  }
0x239: {  	s29 =	sshra.s32 s31, $0x1F;
	s31 =	sshrl.u32 s15, $0x1F;
	v6 =	vsel vm2, s23, v6;
	s23 =	sshrl.u32 s17, $0x1F;
	v4 =	vsel vm1, s8, v4  }
0x23a: {  	v5 =	vsel vm2, s12, v5;
	s8 =	sshra.s32 s15, $0x6;
	s15 =	sshra.s32 s15, $0x1F;
	v4 =	vsel vm11, s11, v4;
	s25 =	spop (v2sf)  }
0x23b: {  	v7 =	vsel vm0, s13, v51;
	s12 =	smul.u32 $0x6BCA1AF3, s29;
	s29 =	sshrl.u32 s14, $0x1F;
	v6 =	vsel vm4, s31, v6;
	v4 =	vsel vm2, s9, v4;
	s11 =	sshra.s32 s25, $0x1F  }
0x23c: {  	v7 =	vsel vm1, s26, v7;
	v6 =	vsel vm5, s29, v6;
	s31 =	sshrl.u32 s30, $0x1F;
	v4 =	vsel vm12, s10, v4;
	s10 =	smul.u32 $0x6BCA1AF3, s11;
	s11 =	spop (v2sf)  }
0x23d: {  	v7 =	vsel vm2, s28, v7;
	s28 =	sshra.s32 s30, $0x1F;
	v6 =	vsel vm6, s31, v6;
	s20 =	smulhi.u32 $0x6BCA1AF3, s25;
	s26 =	spop (v2sf)  }
0x23e: {  	v8 =	vsel vm2, s7, v8;
	v5 =	vcombine.low v7, v5;
	v6 =	vsel vm7, s23, v6;
	s23 =	sld [smem:$0x7F7];
	s29 =	smulhi.u32 $0x6BCA1AF3, s26;
	s13 =	sshra.s32 s26, $0x1F  }
0x23f: {  	v8 =	vcombine.low v9, v8;
	s9 =	sshra.s32 s14, $0x1F;
	s14 =	sadd.s32 s12, s0;
	v4 =	vsel vm4, s8, v4;
	s12 =	smul.u32 $0x6BCA1AF3, s13  }
0x240: {  	v5 =	vperm.xlane v5, v0;
	s25 =	sshra.s32 s30, $0x6;
	s30 =	sshrl.u32 s22, $0x1F;
	s8 =	sld [smem:$0x7FC];
	v6 =	vperm.xlane v6, v1;
	v4 =	vsel vm13, s15, v4  }
0x241: {  	v8 =	vperm.xlane v8, v0;
	s15 =	sshra.s32 s6, $0x6;
	v4 =	vsel vm5, s21, v4;
	s31 =	sshrl.u32 s23, $0x1F;
	s12 =	sadd.s32 s12, s29  }
0x242: {  	s21 =	sshrl.u32 s3, $0x1F;
	v5 =	vsel vm8, v6, v5;
	v4 =	vsel vm14, s9, v4;
	s9 =	sshrl.u32 s19, $0x1F;
	v54 =	vmov s31;
	s31 =	sshra.s32 s12, $0x1F  }
0x243: {  	s26 =	sshrl.u32 s16, $0x1F;
	v4 =	vsel vm6, s25, v4;
	s13 =	sadd.s32 s10, s20;
	s10 =	sld [smem:$0x7FA];
	v10 =	vsel vm0, s30, v54;
	v56 =	vmov s31  }
0x244: {  	s30 =	sshra.s32 s11, $0x1F;
	v4 =	vsel vm15, s28, v4;
	s28 =	sshrl.u32 s6, $0x1F;
	v10 =	vsel vm1, s9, v10;
	s6 =	sshra.s32 s6, $0x1F;
	v12 =	vsel vm3, s15, v56  }
0x245: {  	v57 =	vmov s26;
	s29 =	smulhi.u32 $0x6BCA1AF3, s11;
	v10 =	vsel vm2, s24, v10;
	s11 =	sshrl.u32 s4, $0x1F;
	s24 =	sshra.s32 s4, $0x6;
	v12 =	vsel vm9, s6, v12  }
0x246: {  	v4 =	vsel vm7, s5, v4;
	v55 =	vmov s28;
	s5 =	smul.u32 $0x6BCA1AF3, s30;
	s4 =	sshra.s32 s4, $0x1F;
	s30 =	sshra.s32 s23, $0x6;
	v12 =	vsel vm0, s24, v12  }
0x247: {  	s17 =	sshrl.u32 s8, $0x1F;
	s20 =	sshrl.u32 s2, $0x1F;
	v11 =	vnsel vm3, $0x0, v55;
	v58 =	vmov s30;
	s31 =	sshra.s32 s2, $0x6;
	v12 =	vsel vm10, s4, v12  }
0x248: {  	s9 =	sshra.s32 s19, $0x6;
	s25 =	sshrl.u32 s10, $0x1F;
	v4 =	vperm.xlane v4, v1;
	v11 =	vsel vm0, s11, v11;
	s2 =	sshra.s32 s2, $0x1F;
	v12 =	vsel vm1, s31, v12  }
0x249: {  	v13 =	vsel vm0, s25, v57;
	s25 =	sld [smem:$0x7FD];
	s11 =	sshra.s32 s16, $0x6;
	v11 =	vsel vm1, s20, v11;
	s15 =	sshra.s32 s3, $0x6;
	v12 =	vsel vm11, s2, v12  }
0x24a: {  	s19 =	sshra.s32 s18, $0x6;
	s16 =	sshra.s32 s10, $0x6;
	v13 =	vsel vm1, s17, v13;
	v59 =	vmov s11;
	s17 =	sshra.s32 s3, $0x1F;
	v12 =	vsel vm2, s15, v12  }
0x24b: {  	s28 =	sshrl.u32 s14, $0x1F;
	v11 =	vsel vm2, s21, v11;
	s6 =	sshra.s32 s22, $0x6;
	v15 =	vsel vm0, s16, v59;
	s21 =	sshra.s32 s14, $0x6;
	v60 =	vsel vm12, s17, v12  }
0x24c: {  	s20 =	sshra.s32 s8, $0x6;
	s22 =	sshra.s32 s14, $0x1F;
	s26 =	sshrl.u32 s25, $0x1F;
	v11 =	vsel vm4, s28, v11;
	v14 =	vsel vm0, s6, v58;
	v7 =	vsel vm4, s21, v60  }
0x24d: {  	s0 =	sadd.s32 s5, s29;
	s29 =	sshrl.u32 s13, $0x1F;
	v62 =	vsel vm1, s20, v15;
	s24 =	sshra.s32 s13, $0x6;
	v13 =	vsel vm2, s26, v13;
	v7 =	vsel vm13, s22, v7  }
0x24e: {  	s5 =	sshrl.u32 s0, $0x1F;
	s23 =	sshra.s32 s25, $0x6;
	s25 =	sshra.s32 s13, $0x1F;
	v11 =	vsel vm5, s29, v11;
	v14 =	vsel vm1, s9, v14;
	v7 =	vsel vm5, s24, v7  }
0x24f: {  	s26 =	sshra.s32 s0, $0x6;
	v11 =	vsel vm6, s5, v11;
	v61 =	vsel vm2, s19, v14;
	v7 =	vsel vm14, s25, v7  }
0x250: {  	s28 =	sshrl.u32 s12, $0x1F;
	s0 =	sshra.s32 s0, $0x1F;
	v14 =	vsel vm2, s23, v62;
	v63 =	vcombine.low v13, v10;
	v7 =	vsel vm6, s26, v7  }
0x251: {  	s29 =	sshra.s32 s12, $0x6;
	v13 =	vsel vm7, s28, v11;
	v12 =	vcombine.low v14, v61;
	v7 =	vsel vm15, s0, v7  }
0x252: {  	v6 =	vperm.xlane v63, v0;
	v10 =	vperm.xlane v13, v1;
	v7 =	vsel vm7, s29, v7  }
0x253: {  	v4 =	vsel vm8, v4, v8;
	v14 =	vperm.xlane v12, v0;
	v7 =	vperm.xlane v7, v1  }
0x254: {  	v4 =	vadd.s32 v5, v4  }
0x255: {  	v5 =	vmul.u32 $0xFFFFFF68, v4;
	v6 =	vsel vm8, v10, v6;
	v7 =	vsel vm8, v7, v14  }
0x256: {  	v6 =	vadd.s32 v6, v7  }
0x257: {  	[tilespmem:$0xE0] =	vst v4;
	v2 =	vadd.s32 v2, v5;
	v15 =	vmul.u32 $0xFFFFFF68, v6  }
0x258: {  	[tilespmem:$0x160] =	vst v2  }
0x259: {  	s30 =	rddreg [dreg:$0x6];
	[tilespmem:$0xF0] =	vst v6;
	v2 =	vadd.s32 v3, v15  }
0x25a: {  	s6 =	simm.s32 $0x1;
	s31 =	simm.s32 $0x13180;
	s5 =	simm.s32 $0x0;
	[tilespmem:$0x170] =	vst v2  }
0x25b: {  	[tilespmem:s31], [sflag:$0x3] =	stream.linear.gather [hbm4b:s30+s5], $0x9800, $0x38;
	[tilespmem:$0x1D180] =	vst v63  }
0x25c: {  	_ =	swait.ge [sflag:s6], $0x9800  }
0x25d: {  	[sflag:s6] =	ssyncset.done $0x0  }
0x25e: {  	[sflag:s6] =	ssyncadd.s32 $0xFFFF6800  }
0x25f: {  	v2 =	vld [tilespmem:$0x80]  }
0x260: {  	v3 =	vld [tilespmem:$0x100];
	_ =	sdelay $0x4  }
0x261: {  	v18 =	vld [tilespmem:$0x90];
	v16 =	vshll.u32 v2, $0x8;
	v17 =	vshll.u32 v3, $0x3  }
0x262: {  	v19 =	vld [tilespmem:$0x110];
	v2 =	vshll.u32 v2, $0x7;
	v4 =	vand.u32 $0xFFFFF800, v16;
	v5 =	vand.u32 $0xFFFFFC00, v17  }
0x263: {  	v2 =	vand.u32 $0x380, v2;
	v4 =	vadd.s32 v4, v5  }
0x264: {  	v3 =	vand.u32 $0x7F, v3;
	v2 =	vor.u32 v2, v4  }
0x265: {  	v2 =	vor.u32 v3, v2;
	_ =	sdelay $0x1  }
0x266: {  	v21 =	vld [tilespmem:$0xA0];
	v20 =	vshll.u32 v19, $0x3;
	v3 =	vshll.u32 v18, $0x8  }
0x267: {  	v22 =	vld [tilespmem:$0x120];
	v6 =	vshll.u32 v18, $0x7;
	v4 =	vand.u32 $0xFFFFFC00, v20;
	v3 =	vand.u32 $0xFFFFF800, v3  }
0x268: {  	s7 =	simm.s32 $0x180;
	v23 =	vand.u32 $0x380, v6;
	v3 =	vadd.s32 v3, v4  }
0x269: {  	v24 =	vand.u32 $0x7F, v19;
	v3 =	vor.u32 v23, v3;
	v2 =	vld.idx.msk [tilespmem:v2+s7+$0x0], $0xffff  }
0x26a: {  	v3 =	vor.u32 v24, v3;
	_ =	sdelay $0x1  }
0x26b: {  	v27 =	vld [tilespmem:$0xB0];
	v25 =	vshll.u32 v21, $0x8;
	v26 =	vshll.u32 v22, $0x3  }
0x26c: {  	v28 =	vld [tilespmem:$0x130];
	v6 =	vand.u32 $0xFFFFFC00, v26;
	v5 =	vshll.u32 v21, $0x7;
	v4 =	vand.u32 $0xFFFFF800, v25  }
0x26d: {  	v29 =	vand.u32 $0x380, v5;
	[tilespmem:$0x1C980] =	vst v2;
	v2 =	vadd.s32 v4, v6  }
0x26e: {  	v30 =	vand.u32 $0x7F, v22;
	v3 =	vld.idx.msk [tilespmem:v3+s7+$0x0], $0xffff;
	v2 =	vor.u32 v29, v2  }
0x26f: {  	v2 =	vor.u32 v30, v2;
	_ =	sdelay $0x1  }
0x270: {  	v33 =	vld [tilespmem:$0xC0];
	v31 =	vshll.u32 v27, $0x8;
	v32 =	vshll.u32 v28, $0x3  }
0x271: {  	v34 =	vld [tilespmem:$0x140];
	v7 =	vshll.u32 v27, $0x7;
	v5 =	vand.u32 $0xFFFFFC00, v32;
	v4 =	vand.u32 $0xFFFFF800, v31  }
0x272: {  	s8 =	simm.s32 $0x180;
	v35 =	vand.u32 $0x380, v7;
	[tilespmem:$0x1C990] =	vst v3;
	v3 =	vadd.s32 v4, v5  }
0x273: {  	v36 =	vand.u32 $0x7F, v28;
	v2 =	vld.idx.msk [tilespmem:v2+s8+$0x0], $0xffff;
	v3 =	vor.u32 v35, v3  }
0x274: {  	v3 =	vor.u32 v36, v3;
	_ =	sdelay $0x1  }
0x275: {  	v39 =	vld [tilespmem:$0xD0];
	v37 =	vshll.u32 v33, $0x8;
	v38 =	vshll.u32 v34, $0x3  }
0x276: {  	v40 =	vld [tilespmem:$0x150];
	v6 =	vshll.u32 v33, $0x7;
	v4 =	vand.u32 $0xFFFFF800, v37;
	v5 =	vand.u32 $0xFFFFFC00, v38  }
0x277: {  	v41 =	vand.u32 $0x380, v6;
	[tilespmem:$0x1C9A0] =	vst v2;
	v2 =	vadd.s32 v4, v5  }
0x278: {  	v42 =	vand.u32 $0x7F, v34;
	v3 =	vld.idx.msk [tilespmem:v3+s8+$0x0], $0xffff;
	v2 =	vor.u32 v41, v2  }
0x279: {  	v2 =	vor.u32 v42, v2;
	_ =	sdelay $0x1  }
0x27a: {  	v45 =	vld [tilespmem:$0xE0];
	v43 =	vshll.u32 v39, $0x8;
	v44 =	vshll.u32 v40, $0x3  }
0x27b: {  	v46 =	vld [tilespmem:$0x160];
	v7 =	vshll.u32 v39, $0x7;
	v4 =	vand.u32 $0xFFFFF800, v43;
	v5 =	vand.u32 $0xFFFFFC00, v44  }
0x27c: {  	v47 =	vand.u32 $0x380, v7;
	[tilespmem:$0x1C9B0] =	vst v3;
	v3 =	vadd.s32 v4, v5  }
0x27d: {  	v48 =	vand.u32 $0x7F, v40;
	v2 =	vld.idx.msk [tilespmem:v2+s8+$0x0], $0xffff;
	v3 =	vor.u32 v47, v3  }
0x27e: {  	v3 =	vor.u32 v48, v3;
	_ =	sdelay $0x1  }
0x27f: {  	v51 =	vld [tilespmem:$0xF0];
	v49 =	vshll.u32 v45, $0x8;
	v50 =	vshll.u32 v46, $0x3  }
0x280: {  	v52 =	vld [tilespmem:$0x170];
	v6 =	vshll.u32 v45, $0x7;
	v4 =	vand.u32 $0xFFFFF800, v49;
	v5 =	vand.u32 $0xFFFFFC00, v50  }
0x281: {  	v53 =	vand.u32 $0x380, v6;
	[tilespmem:$0x1C9C0] =	vst v2;
	v2 =	vadd.s32 v4, v5  }
0x282: {  	v54 =	vand.u32 $0x7F, v46;
	v3 =	vld.idx.msk [tilespmem:v3+s8+$0x0], $0xffff;
	v2 =	vor.u32 v53, v2  }
0x283: {  	v2 =	vor.u32 v54, v2;
	_ =	sdelay $0x1  }
0x284: {  	v55 =	vshll.u32 v51, $0x8;
	v56 =	vshll.u32 v52, $0x3  }
0x285: {  	v57 =	vshll.u32 v51, $0x7;
	v4 =	vand.u32 $0xFFFFF800, v55;
	v5 =	vand.u32 $0xFFFFFC00, v56  }
0x286: {  	v58 =	vand.u32 $0x380, v57;
	[tilespmem:$0x1C9D0] =	vst v3;
	v3 =	vadd.s32 v4, v5  }
0x287: {  	v59 =	vand.u32 $0x7F, v52;
	v2 =	vld.idx.msk [tilespmem:v2+s8+$0x0], $0xffff;
	v3 =	vor.u32 v58, v3  }
0x288: {  	v3 =	vor.u32 v59, v3;
	_ =	sdelay $0x3  }
0x289: {  	[tilespmem:$0x1C9E0] =	vst v2  }
0x28a: {  	v2 =	vld.idx.msk [tilespmem:v3+s8+$0x0], $0xffff;
	_ =	sdelay $0x4  }
0x28b: {  	s11 =	simm.s32 $0x2;
	s9 =	rddreg [dreg:$0x7];
	[tilespmem:$0x1C9F0] =	vst v2  }
0x28c: {  	[tilespmem:s8], [sflag:$0x1] =	stream.linear.gather [hbm4b:s9+s5], $0x9800, $0x38;
	[tilespmem:$0x1D180] =	vst v63  }
0x28d: {  	_ =	swait.ge [sflag:s11], $0x9800  }
0x28e: {  	[sflag:s11] =	ssyncset.done $0x0  }
0x28f: {  	[sflag:s11] =	ssyncadd.s32 $0xFFFF6800  }
0x290: {  	v2 =	vld [tilespmem:$0x80]  }
0x291: {  	v3 =	vld [tilespmem:$0x100];
	_ =	sdelay $0x4  }
0x292: {  	v62 =	vld [tilespmem:$0x90];
	v60 =	vshll.u32 v2, $0x8;
	v61 =	vshll.u32 v3, $0x3  }
0x293: {  	v63 =	vld [tilespmem:$0x110];
	v2 =	vshll.u32 v2, $0x7;
	v4 =	vand.u32 $0xFFFFF800, v60;
	v5 =	vand.u32 $0xFFFFFC00, v61  }
0x294: {  	v2 =	vand.u32 $0x380, v2;
	v4 =	vadd.s32 v4, v5  }
0x295: {  	v3 =	vand.u32 $0x7F, v3;
	v2 =	vor.u32 v2, v4  }
0x296: {  	v2 =	vor.u32 v3, v2;
	_ =	sdelay $0x1  }
0x297: {  	v13 =	vld [tilespmem:$0xA0];
	v12 =	vshll.u32 v63, $0x3;
	v3 =	vshll.u32 v62, $0x8  }
0x298: {  	v14 =	vld [tilespmem:$0x120];
	v6 =	vshll.u32 v62, $0x7;
	v4 =	vand.u32 $0xFFFFFC00, v12;
	v3 =	vand.u32 $0xFFFFF800, v3  }
0x299: {  	s12 =	simm.s32 $0x9980;
	v15 =	vand.u32 $0x380, v6;
	v3 =	vadd.s32 v3, v4  }
0x29a: {  	v16 =	vand.u32 $0x7F, v63;
	v3 =	vor.u32 v15, v3;
	v2 =	vld.idx.msk [tilespmem:v2+s12+$0x0], $0xffff  }
0x29b: {  	v3 =	vor.u32 v16, v3;
	_ =	sdelay $0x1  }
0x29c: {  	v19 =	vld [tilespmem:$0xB0];
	v17 =	vshll.u32 v13, $0x8;
	v18 =	vshll.u32 v14, $0x3  }
0x29d: {  	v20 =	vld [tilespmem:$0x130];
	v6 =	vand.u32 $0xFFFFFC00, v18;
	v5 =	vshll.u32 v13, $0x7;
	v4 =	vand.u32 $0xFFFFF800, v17  }
0x29e: {  	v21 =	vand.u32 $0x380, v5;
	[tilespmem:$0x1CA00] =	vst v2;
	v2 =	vadd.s32 v4, v6  }
0x29f: {  	v22 =	vand.u32 $0x7F, v14;
	v3 =	vld.idx.msk [tilespmem:v3+s12+$0x0], $0xffff;
	v2 =	vor.u32 v21, v2  }
0x2a0: {  	v2 =	vor.u32 v22, v2;
	_ =	sdelay $0x1  }
0x2a1: {  	v25 =	vld [tilespmem:$0xC0];
	v23 =	vshll.u32 v19, $0x8;
	v24 =	vshll.u32 v20, $0x3  }
0x2a2: {  	v26 =	vld [tilespmem:$0x140];
	v7 =	vshll.u32 v19, $0x7;
	v5 =	vand.u32 $0xFFFFFC00, v24;
	v4 =	vand.u32 $0xFFFFF800, v23  }
0x2a3: {  	s13 =	simm.s32 $0x9980;
	v27 =	vand.u32 $0x380, v7;
	[tilespmem:$0x1CA10] =	vst v3;
	v3 =	vadd.s32 v4, v5  }
0x2a4: {  	v28 =	vand.u32 $0x7F, v20;
	v2 =	vld.idx.msk [tilespmem:v2+s13+$0x0], $0xffff;
	v3 =	vor.u32 v27, v3  }
0x2a5: {  	v3 =	vor.u32 v28, v3;
	_ =	sdelay $0x1  }
0x2a6: {  	v31 =	vld [tilespmem:$0xD0];
	v29 =	vshll.u32 v25, $0x8;
	v30 =	vshll.u32 v26, $0x3  }
0x2a7: {  	v32 =	vld [tilespmem:$0x150];
	v6 =	vshll.u32 v25, $0x7;
	v4 =	vand.u32 $0xFFFFF800, v29;
	v5 =	vand.u32 $0xFFFFFC00, v30  }
0x2a8: {  	v33 =	vand.u32 $0x380, v6;
	[tilespmem:$0x1CA20] =	vst v2;
	v2 =	vadd.s32 v4, v5  }
0x2a9: {  	v34 =	vand.u32 $0x7F, v26;
	v3 =	vld.idx.msk [tilespmem:v3+s13+$0x0], $0xffff;
	v2 =	vor.u32 v33, v2  }
0x2aa: {  	v2 =	vor.u32 v34, v2;
	_ =	sdelay $0x1  }
0x2ab: {  	v37 =	vld [tilespmem:$0xE0];
	v35 =	vshll.u32 v31, $0x8;
	v36 =	vshll.u32 v32, $0x3  }
0x2ac: {  	v38 =	vld [tilespmem:$0x160];
	v7 =	vshll.u32 v31, $0x7;
	v4 =	vand.u32 $0xFFFFF800, v35;
	v5 =	vand.u32 $0xFFFFFC00, v36  }
0x2ad: {  	v39 =	vand.u32 $0x380, v7;
	[tilespmem:$0x1CA30] =	vst v3;
	v3 =	vadd.s32 v4, v5  }
0x2ae: {  	v40 =	vand.u32 $0x7F, v32;
	v2 =	vld.idx.msk [tilespmem:v2+s13+$0x0], $0xffff;
	v3 =	vor.u32 v39, v3  }
0x2af: {  	v3 =	vor.u32 v40, v3;
	_ =	sdelay $0x1  }
0x2b0: {  	v43 =	vld [tilespmem:$0xF0];
	v41 =	vshll.u32 v37, $0x8;
	v42 =	vshll.u32 v38, $0x3  }
0x2b1: {  	v44 =	vld [tilespmem:$0x170];
	v6 =	vshll.u32 v37, $0x7;
	v4 =	vand.u32 $0xFFFFF800, v41;
	v5 =	vand.u32 $0xFFFFFC00, v42  }
0x2b2: {  	v45 =	vand.u32 $0x380, v6;
	[tilespmem:$0x1CA40] =	vst v2;
	v2 =	vadd.s32 v4, v5  }
0x2b3: {  	v46 =	vand.u32 $0x7F, v38;
	v3 =	vld.idx.msk [tilespmem:v3+s13+$0x0], $0xffff;
	v2 =	vor.u32 v45, v2  }
0x2b4: {  	v2 =	vor.u32 v46, v2;
	_ =	sdelay $0x1  }
0x2b5: {  	v47 =	vshll.u32 v43, $0x8;
	v48 =	vshll.u32 v44, $0x3  }
0x2b6: {  	v49 =	vshll.u32 v43, $0x7;
	v4 =	vand.u32 $0xFFFFF800, v47;
	v5 =	vand.u32 $0xFFFFFC00, v48  }
0x2b7: {  	v50 =	vand.u32 $0x380, v49;
	[tilespmem:$0x1CA50] =	vst v3;
	v3 =	vadd.s32 v4, v5  }
0x2b8: {  	v51 =	vand.u32 $0x7F, v44;
	v2 =	vld.idx.msk [tilespmem:v2+s13+$0x0], $0xffff;
	v3 =	vor.u32 v50, v3  }
0x2b9: {  	v3 =	vor.u32 v51, v3;
	_ =	sdelay $0x3  }
0x2ba: {  	[tilespmem:$0x1CA60] =	vst v2  }
0x2bb: {  	v2 =	vld.idx.msk [tilespmem:v3+s13+$0x0], $0xffff;
	_ =	sdelay $0x4  }
0x2bc: {  	s10 =	simm.s32 $0x0;
	s15 =	simm.s32 $0x3;
	s14 =	rddreg [dreg:$0x8];
	[tilespmem:$0x1CA70] =	vst v2  }
0x2bd: {  	[tilespmem:s13], [sflag:$0x2] =	stream.linear.gather [hbm4b:s14+s10], $0x9800, $0x38;
	[tilespmem:$0x1D180] =	vst v63  }
0x2be: {  	_ =	swait.ge [sflag:s15], $0x9800  }
0x2bf: {  	[sflag:s15] =	ssyncset.done $0x0  }
0x2c0: {  	[sflag:s15] =	ssyncadd.s32 $0xFFFF6800  }
0x2c1: {  	v2 =	vld [tilespmem:$0x80]  }
0x2c2: {  	v3 =	vld [tilespmem:$0x100];
	_ =	sdelay $0x4  }
0x2c3: {  	v54 =	vld [tilespmem:$0x90];
	v52 =	vshll.u32 v2, $0x8;
	v53 =	vshll.u32 v3, $0x3  }
0x2c4: {  	v55 =	vld [tilespmem:$0x110];
	v2 =	vshll.u32 v2, $0x7;
	v4 =	vand.u32 $0xFFFFF800, v52;
	v5 =	vand.u32 $0xFFFFFC00, v53  }
0x2c5: {  	v2 =	vand.u32 $0x380, v2;
	v4 =	vadd.s32 v4, v5  }
0x2c6: {  	v3 =	vand.u32 $0x7F, v3;
	v2 =	vor.u32 v2, v4  }
0x2c7: {  	v2 =	vor.u32 v3, v2;
	_ =	sdelay $0x1  }
0x2c8: {  	v57 =	vld [tilespmem:$0xA0];
	v56 =	vshll.u32 v55, $0x3;
	v3 =	vshll.u32 v54, $0x8  }
0x2c9: {  	v58 =	vld [tilespmem:$0x120];
	v6 =	vshll.u32 v54, $0x7;
	v4 =	vand.u32 $0xFFFFFC00, v56;
	v3 =	vand.u32 $0xFFFFF800, v3  }
0x2ca: {  	v59 =	vand.u32 $0x380, v6;
	v3 =	vadd.s32 v3, v4  }
0x2cb: {  	v60 =	vand.u32 $0x7F, v55;
	v3 =	vor.u32 v59, v3;
	v2 =	vld.idx.msk [tilespmem:v2+s31+$0x0], $0xffff  }
0x2cc: {  	v3 =	vor.u32 v60, v3;
	_ =	sdelay $0x1  }
0x2cd: {  	v63 =	vld [tilespmem:$0xB0];
	v61 =	vshll.u32 v57, $0x8;
	v62 =	vshll.u32 v58, $0x3  }
0x2ce: {  	v12 =	vld [tilespmem:$0x130];
	v6 =	vand.u32 $0xFFFFFC00, v62;
	v5 =	vshll.u32 v57, $0x7;
	v4 =	vand.u32 $0xFFFFF800, v61  }
0x2cf: {  	v13 =	vand.u32 $0x380, v5;
	[tilespmem:$0x1CA80] =	vst v2;
	v2 =	vadd.s32 v4, v6  }
0x2d0: {  	v14 =	vand.u32 $0x7F, v58;
	v3 =	vld.idx.msk [tilespmem:v3+s31+$0x0], $0xffff;
	v2 =	vor.u32 v13, v2  }
0x2d1: {  	v2 =	vor.u32 v14, v2;
	_ =	sdelay $0x1  }
0x2d2: {  	v17 =	vld [tilespmem:$0xC0];
	v15 =	vshll.u32 v63, $0x8;
	v16 =	vshll.u32 v12, $0x3  }
0x2d3: {  	v18 =	vld [tilespmem:$0x140];
	v7 =	vshll.u32 v63, $0x7;
	v5 =	vand.u32 $0xFFFFFC00, v16;
	v4 =	vand.u32 $0xFFFFF800, v15  }
0x2d4: {  	v19 =	vand.u32 $0x380, v7;
	[tilespmem:$0x1CA90] =	vst v3;
	v3 =	vadd.s32 v4, v5  }
0x2d5: {  	v20 =	vand.u32 $0x7F, v12;
	v2 =	vld.idx.msk [tilespmem:v2+s31+$0x0], $0xffff;
	v3 =	vor.u32 v19, v3  }
0x2d6: {  	v3 =	vor.u32 v20, v3;
	_ =	sdelay $0x1  }
0x2d7: {  	v23 =	vld [tilespmem:$0xD0];
	v21 =	vshll.u32 v17, $0x8;
	v22 =	vshll.u32 v18, $0x3  }
0x2d8: {  	v24 =	vld [tilespmem:$0x150];
	v6 =	vshll.u32 v17, $0x7;
	v4 =	vand.u32 $0xFFFFF800, v21;
	v5 =	vand.u32 $0xFFFFFC00, v22  }
0x2d9: {  	v25 =	vand.u32 $0x380, v6;
	[tilespmem:$0x1CAA0] =	vst v2;
	v2 =	vadd.s32 v4, v5  }
0x2da: {  	v26 =	vand.u32 $0x7F, v18;
	v3 =	vld.idx.msk [tilespmem:v3+s31+$0x0], $0xffff;
	v2 =	vor.u32 v25, v2  }
0x2db: {  	v2 =	vor.u32 v26, v2;
	_ =	sdelay $0x1  }
0x2dc: {  	v29 =	vld [tilespmem:$0xE0];
	v27 =	vshll.u32 v23, $0x8;
	v28 =	vshll.u32 v24, $0x3  }
0x2dd: {  	v30 =	vld [tilespmem:$0x160];
	v7 =	vshll.u32 v23, $0x7;
	v4 =	vand.u32 $0xFFFFF800, v27;
	v5 =	vand.u32 $0xFFFFFC00, v28  }
0x2de: {  	v31 =	vand.u32 $0x380, v7;
	[tilespmem:$0x1CAB0] =	vst v3;
	v3 =	vadd.s32 v4, v5  }
0x2df: {  	v32 =	vand.u32 $0x7F, v24;
	v2 =	vld.idx.msk [tilespmem:v2+s31+$0x0], $0xffff;
	v3 =	vor.u32 v31, v3  }
0x2e0: {  	v3 =	vor.u32 v32, v3;
	_ =	sdelay $0x1  }
0x2e1: {  	v35 =	vld [tilespmem:$0xF0];
	v33 =	vshll.u32 v29, $0x8;
	v34 =	vshll.u32 v30, $0x3  }
0x2e2: {  	v36 =	vld [tilespmem:$0x170];
	v6 =	vshll.u32 v29, $0x7;
	v4 =	vand.u32 $0xFFFFF800, v33;
	v5 =	vand.u32 $0xFFFFFC00, v34  }
0x2e3: {  	v37 =	vand.u32 $0x380, v6;
	[tilespmem:$0x1CAC0] =	vst v2;
	v2 =	vadd.s32 v4, v5  }
0x2e4: {  	v38 =	vand.u32 $0x7F, v30;
	v3 =	vld.idx.msk [tilespmem:v3+s31+$0x0], $0xffff;
	v2 =	vor.u32 v37, v2  }
0x2e5: {  	v2 =	vor.u32 v38, v2;
	_ =	sdelay $0x1  }
0x2e6: {  	v39 =	vshll.u32 v35, $0x8;
	v40 =	vshll.u32 v36, $0x3  }
0x2e7: {  	v41 =	vshll.u32 v35, $0x7;
	v4 =	vand.u32 $0xFFFFF800, v39;
	v5 =	vand.u32 $0xFFFFFC00, v40  }
0x2e8: {  	v42 =	vand.u32 $0x380, v41;
	[tilespmem:$0x1CAD0] =	vst v3;
	v3 =	vadd.s32 v4, v5  }
0x2e9: {  	v43 =	vand.u32 $0x7F, v36;
	v2 =	vld.idx.msk [tilespmem:v2+s31+$0x0], $0xffff;
	v3 =	vor.u32 v42, v3  }
0x2ea: {  	v3 =	vor.u32 v43, v3;
	_ =	sdelay $0x3  }
0x2eb: {  	[tilespmem:$0x1CAE0] =	vst v2  }
0x2ec: {  	v2 =	vld.idx.msk [tilespmem:v3+s31+$0x0], $0xffff;
	_ =	sdelay $0x4  }
0x2ed: {  	s16 =	rddreg [dreg:$0x9];
	[tilespmem:$0x1CAF0] =	vst v2  }
0x2ee: {  	[tilespmem:s31], [sflag:$0x3] =	stream.linear.gather [hbm4b:s16+s10], $0x9800, $0x38;
	[tilespmem:$0x1D180] =	vst v63  }
0x2ef: {  	_ =	swait.ge [sflag:s6], $0x9800  }
0x2f0: {  	[sflag:s6] =	ssyncset.done $0x0  }
0x2f1: {  	[sflag:s6] =	ssyncadd.s32 $0xFFFF6800  }
0x2f2: {  	v2 =	vld [tilespmem:$0x80]  }
0x2f3: {  	v3 =	vld [tilespmem:$0x100];
	_ =	sdelay $0x4  }
0x2f4: {  	v46 =	vld [tilespmem:$0x90];
	v44 =	vshll.u32 v2, $0x8;
	v45 =	vshll.u32 v3, $0x3  }
0x2f5: {  	v47 =	vld [tilespmem:$0x110];
	v2 =	vshll.u32 v2, $0x7;
	v4 =	vand.u32 $0xFFFFF800, v44;
	v5 =	vand.u32 $0xFFFFFC00, v45  }
0x2f6: {  	v2 =	vand.u32 $0x380, v2;
	v4 =	vadd.s32 v4, v5  }
0x2f7: {  	v3 =	vand.u32 $0x7F, v3;
	v2 =	vor.u32 v2, v4  }
0x2f8: {  	v2 =	vor.u32 v3, v2;
	_ =	sdelay $0x1  }
0x2f9: {  	v49 =	vld [tilespmem:$0xA0];
	v48 =	vshll.u32 v47, $0x3;
	v3 =	vshll.u32 v46, $0x8  }
0x2fa: {  	v50 =	vld [tilespmem:$0x120];
	v6 =	vshll.u32 v46, $0x7;
	v4 =	vand.u32 $0xFFFFFC00, v48;
	v3 =	vand.u32 $0xFFFFF800, v3  }
0x2fb: {  	v51 =	vand.u32 $0x380, v6;
	v3 =	vadd.s32 v3, v4  }
0x2fc: {  	v52 =	vand.u32 $0x7F, v47;
	v3 =	vor.u32 v51, v3;
	v2 =	vld.idx.msk [tilespmem:v2+s8+$0x0], $0xffff  }
0x2fd: {  	v3 =	vor.u32 v52, v3;
	_ =	sdelay $0x1  }
0x2fe: {  	v55 =	vld [tilespmem:$0xB0];
	v53 =	vshll.u32 v49, $0x8;
	v54 =	vshll.u32 v50, $0x3  }
0x2ff: {  	v56 =	vld [tilespmem:$0x130];
	v6 =	vand.u32 $0xFFFFFC00, v54;
	v5 =	vshll.u32 v49, $0x7;
	v4 =	vand.u32 $0xFFFFF800, v53  }
0x300: {  	v57 =	vand.u32 $0x380, v5;
	[tilespmem:$0x1CB00] =	vst v2;
	v2 =	vadd.s32 v4, v6  }
0x301: {  	v58 =	vand.u32 $0x7F, v50;
	v3 =	vld.idx.msk [tilespmem:v3+s8+$0x0], $0xffff;
	v2 =	vor.u32 v57, v2  }
0x302: {  	v2 =	vor.u32 v58, v2;
	_ =	sdelay $0x1  }
0x303: {  	v61 =	vld [tilespmem:$0xC0];
	v59 =	vshll.u32 v55, $0x8;
	v60 =	vshll.u32 v56, $0x3  }
0x304: {  	v62 =	vld [tilespmem:$0x140];
	v7 =	vshll.u32 v55, $0x7;
	v5 =	vand.u32 $0xFFFFFC00, v60;
	v4 =	vand.u32 $0xFFFFF800, v59  }
0x305: {  	v63 =	vand.u32 $0x380, v7;
	[tilespmem:$0x1CB10] =	vst v3;
	v3 =	vadd.s32 v4, v5  }
0x306: {  	v9 =	vand.u32 $0x7F, v56;
	v2 =	vld.idx.msk [tilespmem:v2+s8+$0x0], $0xffff;
	v3 =	vor.u32 v63, v3  }
0x307: {  	v3 =	vor.u32 v9, v3;
	_ =	sdelay $0x1  }
0x308: {  	v12 =	vld [tilespmem:$0xD0];
	v10 =	vshll.u32 v61, $0x8;
	v11 =	vshll.u32 v62, $0x3  }
0x309: {  	v13 =	vld [tilespmem:$0x150];
	v6 =	vshll.u32 v61, $0x7;
	v4 =	vand.u32 $0xFFFFF800, v10;
	v5 =	vand.u32 $0xFFFFFC00, v11  }
0x30a: {  	v14 =	vand.u32 $0x380, v6;
	[tilespmem:$0x1CB20] =	vst v2;
	v2 =	vadd.s32 v4, v5  }
0x30b: {  	v15 =	vand.u32 $0x7F, v62;
	v3 =	vld.idx.msk [tilespmem:v3+s8+$0x0], $0xffff;
	v2 =	vor.u32 v14, v2  }
0x30c: {  	v2 =	vor.u32 v15, v2;
	_ =	sdelay $0x1  }
0x30d: {  	v18 =	vld [tilespmem:$0xE0];
	v16 =	vshll.u32 v12, $0x8;
	v17 =	vshll.u32 v13, $0x3  }
0x30e: {  	v19 =	vld [tilespmem:$0x160];
	v7 =	vshll.u32 v12, $0x7;
	v4 =	vand.u32 $0xFFFFF800, v16;
	v5 =	vand.u32 $0xFFFFFC00, v17  }
0x30f: {  	v20 =	vand.u32 $0x380, v7;
	[tilespmem:$0x1CB30] =	vst v3;
	v3 =	vadd.s32 v4, v5  }
0x310: {  	v21 =	vand.u32 $0x7F, v13;
	v2 =	vld.idx.msk [tilespmem:v2+s8+$0x0], $0xffff;
	v3 =	vor.u32 v20, v3  }
0x311: {  	v3 =	vor.u32 v21, v3;
	_ =	sdelay $0x1  }
0x312: {  	v24 =	vld [tilespmem:$0xF0];
	v22 =	vshll.u32 v18, $0x8;
	v23 =	vshll.u32 v19, $0x3  }
0x313: {  	v25 =	vld [tilespmem:$0x170];
	v6 =	vshll.u32 v18, $0x7;
	v4 =	vand.u32 $0xFFFFF800, v22;
	v5 =	vand.u32 $0xFFFFFC00, v23  }
0x314: {  	v26 =	vand.u32 $0x380, v6;
	[tilespmem:$0x1CB40] =	vst v2;
	v2 =	vadd.s32 v4, v5  }
0x315: {  	v27 =	vand.u32 $0x7F, v19;
	v3 =	vld.idx.msk [tilespmem:v3+s8+$0x0], $0xffff;
	v2 =	vor.u32 v26, v2  }
0x316: {  	v2 =	vor.u32 v27, v2;
	_ =	sdelay $0x1  }
0x317: {  	v28 =	vshll.u32 v24, $0x8;
	v29 =	vshll.u32 v25, $0x3  }
0x318: {  	v30 =	vshll.u32 v24, $0x7;
	v4 =	vand.u32 $0xFFFFF800, v28;
	v5 =	vand.u32 $0xFFFFFC00, v29  }
0x319: {  	v31 =	vand.u32 $0x380, v30;
	[tilespmem:$0x1CB50] =	vst v3;
	v3 =	vadd.s32 v4, v5  }
0x31a: {  	v32 =	vand.u32 $0x7F, v25;
	v2 =	vld.idx.msk [tilespmem:v2+s8+$0x0], $0xffff;
	v3 =	vor.u32 v31, v3  }
0x31b: {  	v3 =	vor.u32 v32, v3;
	_ =	sdelay $0x3  }
0x31c: {  	[tilespmem:$0x1CB60] =	vst v2  }
0x31d: {  	v2 =	vld.idx.msk [tilespmem:v3+s8+$0x0], $0xffff;
	_ =	sdelay $0x4  }
0x31e: {  	s17 =	rddreg [dreg:$0xa];
	[tilespmem:$0x1CB70] =	vst v2  }
0x31f: {  	[tilespmem:s8], [sflag:$0x1] =	stream.linear.gather [hbm4b:s17+s10], $0x9800, $0x38;
	[tilespmem:$0x1D180] =	vst v63  }
0x320: {  	_ =	swait.ge [sflag:s11], $0x9800  }
0x321: {  	[sflag:s11] =	ssyncset.done $0x0  }
0x322: {  	[sflag:s11] =	ssyncadd.s32 $0xFFFF6800  }
0x323: {  	v2 =	vld [tilespmem:$0x80]  }
0x324: {  	v3 =	vld [tilespmem:$0x100];
	_ =	sdelay $0x4  }
0x325: {  	v35 =	vld [tilespmem:$0x90];
	v33 =	vshll.u32 v2, $0x8;
	v34 =	vshll.u32 v3, $0x3  }
0x326: {  	v36 =	vld [tilespmem:$0x110];
	v2 =	vshll.u32 v2, $0x7;
	v4 =	vand.u32 $0xFFFFF800, v33;
	v5 =	vand.u32 $0xFFFFFC00, v34  }
0x327: {  	v2 =	vand.u32 $0x380, v2;
	v4 =	vadd.s32 v4, v5  }
0x328: {  	v3 =	vand.u32 $0x7F, v3;
	v2 =	vor.u32 v2, v4  }
0x329: {  	v2 =	vor.u32 v3, v2;
	_ =	sdelay $0x1  }
0x32a: {  	v38 =	vld [tilespmem:$0xA0];
	v37 =	vshll.u32 v36, $0x3;
	v3 =	vshll.u32 v35, $0x8  }
0x32b: {  	v39 =	vld [tilespmem:$0x120];
	v6 =	vshll.u32 v35, $0x7;
	v4 =	vand.u32 $0xFFFFFC00, v37;
	v3 =	vand.u32 $0xFFFFF800, v3  }
0x32c: {  	v40 =	vand.u32 $0x380, v6;
	v3 =	vadd.s32 v3, v4  }
0x32d: {  	v41 =	vand.u32 $0x7F, v36;
	v3 =	vor.u32 v40, v3;
	v2 =	vld.idx.msk [tilespmem:v2+s13+$0x0], $0xffff  }
0x32e: {  	v3 =	vor.u32 v41, v3;
	_ =	sdelay $0x1  }
0x32f: {  	v44 =	vld [tilespmem:$0xB0];
	v42 =	vshll.u32 v38, $0x8;
	v43 =	vshll.u32 v39, $0x3  }
0x330: {  	v45 =	vld [tilespmem:$0x130];
	v6 =	vand.u32 $0xFFFFFC00, v43;
	v5 =	vshll.u32 v38, $0x7;
	v4 =	vand.u32 $0xFFFFF800, v42  }
0x331: {  	v46 =	vand.u32 $0x380, v5;
	[tilespmem:$0x1CB80] =	vst v2;
	v2 =	vadd.s32 v4, v6  }
0x332: {  	v47 =	vand.u32 $0x7F, v39;
	v3 =	vld.idx.msk [tilespmem:v3+s13+$0x0], $0xffff;
	v2 =	vor.u32 v46, v2  }
0x333: {  	v2 =	vor.u32 v47, v2;
	_ =	sdelay $0x1  }
0x334: {  	v50 =	vld [tilespmem:$0xC0];
	v48 =	vshll.u32 v44, $0x8;
	v49 =	vshll.u32 v45, $0x3  }
0x335: {  	v51 =	vld [tilespmem:$0x140];
	v7 =	vshll.u32 v44, $0x7;
	v5 =	vand.u32 $0xFFFFFC00, v49;
	v4 =	vand.u32 $0xFFFFF800, v48  }
0x336: {  	v52 =	vand.u32 $0x380, v7;
	[tilespmem:$0x1CB90] =	vst v3;
	v3 =	vadd.s32 v4, v5  }
0x337: {  	v53 =	vand.u32 $0x7F, v45;
	v2 =	vld.idx.msk [tilespmem:v2+s13+$0x0], $0xffff;
	v3 =	vor.u32 v52, v3  }
0x338: {  	v3 =	vor.u32 v53, v3;
	_ =	sdelay $0x1  }
0x339: {  	v56 =	vld [tilespmem:$0xD0];
	v54 =	vshll.u32 v50, $0x8;
	v55 =	vshll.u32 v51, $0x3  }
0x33a: {  	v57 =	vld [tilespmem:$0x150];
	v6 =	vshll.u32 v50, $0x7;
	v4 =	vand.u32 $0xFFFFF800, v54;
	v5 =	vand.u32 $0xFFFFFC00, v55  }
0x33b: {  	v58 =	vand.u32 $0x380, v6;
	[tilespmem:$0x1CBA0] =	vst v2;
	v2 =	vadd.s32 v4, v5  }
0x33c: {  	v59 =	vand.u32 $0x7F, v51;
	v3 =	vld.idx.msk [tilespmem:v3+s13+$0x0], $0xffff;
	v2 =	vor.u32 v58, v2  }
0x33d: {  	v2 =	vor.u32 v59, v2;
	_ =	sdelay $0x1  }
0x33e: {  	v62 =	vld [tilespmem:$0xE0];
	v60 =	vshll.u32 v56, $0x8;
	v61 =	vshll.u32 v57, $0x3  }
0x33f: {  	v63 =	vld [tilespmem:$0x160];
	v7 =	vshll.u32 v56, $0x7;
	v4 =	vand.u32 $0xFFFFF800, v60;
	v5 =	vand.u32 $0xFFFFFC00, v61  }
0x340: {  	v11 =	vand.u32 $0x380, v7;
	[tilespmem:$0x1CBB0] =	vst v3;
	v3 =	vadd.s32 v4, v5  }
0x341: {  	v12 =	vand.u32 $0x7F, v57;
	v2 =	vld.idx.msk [tilespmem:v2+s13+$0x0], $0xffff;
	v3 =	vor.u32 v11, v3  }
0x342: {  	v3 =	vor.u32 v12, v3;
	_ =	sdelay $0x1  }
0x343: {  	v15 =	vld [tilespmem:$0xF0];
	v13 =	vshll.u32 v62, $0x8;
	v14 =	vshll.u32 v63, $0x3  }
0x344: {  	v16 =	vld [tilespmem:$0x170];
	v6 =	vshll.u32 v62, $0x7;
	v4 =	vand.u32 $0xFFFFF800, v13;
	v5 =	vand.u32 $0xFFFFFC00, v14  }
0x345: {  	v17 =	vand.u32 $0x380, v6;
	[tilespmem:$0x1CBC0] =	vst v2;
	v2 =	vadd.s32 v4, v5  }
0x346: {  	v18 =	vand.u32 $0x7F, v63;
	v3 =	vld.idx.msk [tilespmem:v3+s13+$0x0], $0xffff;
	v2 =	vor.u32 v17, v2  }
0x347: {  	v2 =	vor.u32 v18, v2;
	_ =	sdelay $0x1  }
0x348: {  	v19 =	vshll.u32 v15, $0x8;
	v20 =	vshll.u32 v16, $0x3  }
0x349: {  	v21 =	vshll.u32 v15, $0x7;
	v4 =	vand.u32 $0xFFFFF800, v19;
	v5 =	vand.u32 $0xFFFFFC00, v20  }
0x34a: {  	v22 =	vand.u32 $0x380, v21;
	[tilespmem:$0x1CBD0] =	vst v3;
	v3 =	vadd.s32 v4, v5  }
0x34b: {  	v23 =	vand.u32 $0x7F, v16;
	v2 =	vld.idx.msk [tilespmem:v2+s13+$0x0], $0xffff;
	v3 =	vor.u32 v22, v3  }
0x34c: {  	v3 =	vor.u32 v23, v3;
	_ =	sdelay $0x3  }
0x34d: {  	[tilespmem:$0x1CBE0] =	vst v2  }
0x34e: {  	v2 =	vld.idx.msk [tilespmem:v3+s13+$0x0], $0xffff;
	_ =	sdelay $0x4  }
0x34f: {  	s18 =	rddreg [dreg:$0xb];
	[tilespmem:$0x1CBF0] =	vst v2  }
0x350: {  	[tilespmem:s13], [sflag:$0x2] =	stream.linear.gather [hbm4b:s18+s10], $0x9800, $0x38;
	[tilespmem:$0x1D180] =	vst v63  }
0x351: {  	_ =	swait.ge [sflag:s15], $0x9800  }
0x352: {  	[sflag:s15] =	ssyncset.done $0x0  }
0x353: {  	[sflag:s15] =	ssyncadd.s32 $0xFFFF6800  }
0x354: {  	v2 =	vld [tilespmem:$0x80]  }
0x355: {  	v3 =	vld [tilespmem:$0x100];
	_ =	sdelay $0x4  }
0x356: {  	v26 =	vld [tilespmem:$0x90];
	v24 =	vshll.u32 v2, $0x8;
	v25 =	vshll.u32 v3, $0x3  }
0x357: {  	v27 =	vld [tilespmem:$0x110];
	v2 =	vshll.u32 v2, $0x7;
	v4 =	vand.u32 $0xFFFFF800, v24;
	v5 =	vand.u32 $0xFFFFFC00, v25  }
0x358: {  	v2 =	vand.u32 $0x380, v2;
	v4 =	vadd.s32 v4, v5  }
0x359: {  	v3 =	vand.u32 $0x7F, v3;
	v2 =	vor.u32 v2, v4  }
0x35a: {  	v2 =	vor.u32 v3, v2;
	_ =	sdelay $0x1  }
0x35b: {  	v29 =	vld [tilespmem:$0xA0];
	v28 =	vshll.u32 v27, $0x3;
	v3 =	vshll.u32 v26, $0x8  }
0x35c: {  	v30 =	vld [tilespmem:$0x120];
	v6 =	vshll.u32 v26, $0x7;
	v4 =	vand.u32 $0xFFFFFC00, v28;
	v3 =	vand.u32 $0xFFFFF800, v3  }
0x35d: {  	v31 =	vand.u32 $0x380, v6;
	v3 =	vadd.s32 v3, v4  }
0x35e: {  	v32 =	vand.u32 $0x7F, v27;
	v3 =	vor.u32 v31, v3;
	v2 =	vld.idx.msk [tilespmem:v2+s31+$0x0], $0xffff  }
0x35f: {  	v3 =	vor.u32 v32, v3;
	_ =	sdelay $0x1  }
0x360: {  	v35 =	vld [tilespmem:$0xB0];
	v33 =	vshll.u32 v29, $0x8;
	v34 =	vshll.u32 v30, $0x3  }
0x361: {  	v36 =	vld [tilespmem:$0x130];
	v6 =	vand.u32 $0xFFFFFC00, v34;
	v5 =	vshll.u32 v29, $0x7;
	v4 =	vand.u32 $0xFFFFF800, v33  }
0x362: {  	v37 =	vand.u32 $0x380, v5;
	[tilespmem:$0x1CC00] =	vst v2;
	v2 =	vadd.s32 v4, v6  }
0x363: {  	v38 =	vand.u32 $0x7F, v30;
	v3 =	vld.idx.msk [tilespmem:v3+s31+$0x0], $0xffff;
	v2 =	vor.u32 v37, v2  }
0x364: {  	v2 =	vor.u32 v38, v2;
	_ =	sdelay $0x1  }
0x365: {  	v41 =	vld [tilespmem:$0xC0];
	v39 =	vshll.u32 v35, $0x8;
	v40 =	vshll.u32 v36, $0x3  }
0x366: {  	v42 =	vld [tilespmem:$0x140];
	v7 =	vshll.u32 v35, $0x7;
	v5 =	vand.u32 $0xFFFFFC00, v40;
	v4 =	vand.u32 $0xFFFFF800, v39  }
0x367: {  	v43 =	vand.u32 $0x380, v7;
	[tilespmem:$0x1CC10] =	vst v3;
	v3 =	vadd.s32 v4, v5  }
0x368: {  	v44 =	vand.u32 $0x7F, v36;
	v2 =	vld.idx.msk [tilespmem:v2+s31+$0x0], $0xffff;
	v3 =	vor.u32 v43, v3  }
0x369: {  	v3 =	vor.u32 v44, v3;
	_ =	sdelay $0x1  }
0x36a: {  	v47 =	vld [tilespmem:$0xD0];
	v45 =	vshll.u32 v41, $0x8;
	v46 =	vshll.u32 v42, $0x3  }
0x36b: {  	v48 =	vld [tilespmem:$0x150];
	v6 =	vshll.u32 v41, $0x7;
	v4 =	vand.u32 $0xFFFFF800, v45;
	v5 =	vand.u32 $0xFFFFFC00, v46  }
0x36c: {  	v49 =	vand.u32 $0x380, v6;
	[tilespmem:$0x1CC20] =	vst v2;
	v2 =	vadd.s32 v4, v5  }
0x36d: {  	v50 =	vand.u32 $0x7F, v42;
	v3 =	vld.idx.msk [tilespmem:v3+s31+$0x0], $0xffff;
	v2 =	vor.u32 v49, v2  }
0x36e: {  	v2 =	vor.u32 v50, v2;
	_ =	sdelay $0x1  }
0x36f: {  	v53 =	vld [tilespmem:$0xE0];
	v51 =	vshll.u32 v47, $0x8;
	v52 =	vshll.u32 v48, $0x3  }
0x370: {  	v54 =	vld [tilespmem:$0x160];
	v7 =	vshll.u32 v47, $0x7;
	v4 =	vand.u32 $0xFFFFF800, v51;
	v5 =	vand.u32 $0xFFFFFC00, v52  }
0x371: {  	v55 =	vand.u32 $0x380, v7;
	[tilespmem:$0x1CC30] =	vst v3;
	v3 =	vadd.s32 v4, v5  }
0x372: {  	v56 =	vand.u32 $0x7F, v48;
	v2 =	vld.idx.msk [tilespmem:v2+s31+$0x0], $0xffff;
	v3 =	vor.u32 v55, v3  }
0x373: {  	v3 =	vor.u32 v56, v3;
	_ =	sdelay $0x1  }
0x374: {  	v59 =	vld [tilespmem:$0xF0];
	v57 =	vshll.u32 v53, $0x8;
	v58 =	vshll.u32 v54, $0x3  }
0x375: {  	v60 =	vld [tilespmem:$0x170];
	v6 =	vshll.u32 v53, $0x7;
	v4 =	vand.u32 $0xFFFFF800, v57;
	v5 =	vand.u32 $0xFFFFFC00, v58  }
0x376: {  	v61 =	vand.u32 $0x380, v6;
	[tilespmem:$0x1CC40] =	vst v2;
	v2 =	vadd.s32 v4, v5  }
0x377: {  	v62 =	vand.u32 $0x7F, v54;
	v3 =	vld.idx.msk [tilespmem:v3+s31+$0x0], $0xffff;
	v2 =	vor.u32 v61, v2  }
0x378: {  	v2 =	vor.u32 v62, v2;
	_ =	sdelay $0x1  }
0x379: {  	v63 =	vshll.u32 v59, $0x8;
	v8 =	vshll.u32 v60, $0x3  }
0x37a: {  	v10 =	vshll.u32 v59, $0x7;
	v4 =	vand.u32 $0xFFFFF800, v63;
	v5 =	vand.u32 $0xFFFFFC00, v8  }
0x37b: {  	v11 =	vand.u32 $0x380, v10;
	[tilespmem:$0x1CC50] =	vst v3;
	v3 =	vadd.s32 v4, v5  }
0x37c: {  	v12 =	vand.u32 $0x7F, v60;
	v2 =	vld.idx.msk [tilespmem:v2+s31+$0x0], $0xffff;
	v3 =	vor.u32 v11, v3  }
0x37d: {  	v3 =	vor.u32 v12, v3;
	_ =	sdelay $0x3  }
0x37e: {  	[tilespmem:$0x1CC60] =	vst v2  }
0x37f: {  	v2 =	vld.idx.msk [tilespmem:v3+s31+$0x0], $0xffff;
	_ =	sdelay $0x4  }
0x380: {  	s19 =	rddreg [dreg:$0xc];
	[tilespmem:$0x1CC70] =	vst v2  }
0x381: {  	[tilespmem:s31], [sflag:$0x3] =	stream.linear.gather [hbm4b:s19+s10], $0x9800, $0x38;
	[tilespmem:$0x1D180] =	vst v63  }
0x382: {  	_ =	swait.ge [sflag:s6], $0x9800  }
0x383: {  	[sflag:s6] =	ssyncset.done $0x0  }
0x384: {  	[sflag:s6] =	ssyncadd.s32 $0xFFFF6800  }
0x385: {  	v2 =	vld [tilespmem:$0x80]  }
0x386: {  	v3 =	vld [tilespmem:$0x100];
	_ =	sdelay $0x4  }
0x387: {  	v15 =	vld [tilespmem:$0x90];
	v13 =	vshll.u32 v2, $0x8;
	v14 =	vshll.u32 v3, $0x3  }
0x388: {  	v16 =	vld [tilespmem:$0x110];
	v2 =	vshll.u32 v2, $0x7;
	v4 =	vand.u32 $0xFFFFF800, v13;
	v5 =	vand.u32 $0xFFFFFC00, v14  }
0x389: {  	v2 =	vand.u32 $0x380, v2;
	v4 =	vadd.s32 v4, v5  }
0x38a: {  	v3 =	vand.u32 $0x7F, v3;
	v2 =	vor.u32 v2, v4  }
0x38b: {  	v2 =	vor.u32 v3, v2;
	_ =	sdelay $0x1  }
0x38c: {  	v18 =	vld [tilespmem:$0xA0];
	v17 =	vshll.u32 v16, $0x3;
	v3 =	vshll.u32 v15, $0x8  }
0x38d: {  	v19 =	vld [tilespmem:$0x120];
	v6 =	vshll.u32 v15, $0x7;
	v4 =	vand.u32 $0xFFFFFC00, v17;
	v3 =	vand.u32 $0xFFFFF800, v3  }
0x38e: {  	v20 =	vand.u32 $0x380, v6;
	v3 =	vadd.s32 v3, v4  }
0x38f: {  	v21 =	vand.u32 $0x7F, v16;
	v3 =	vor.u32 v20, v3;
	v2 =	vld.idx.msk [tilespmem:v2+s8+$0x0], $0xffff  }
0x390: {  	v3 =	vor.u32 v21, v3;
	_ =	sdelay $0x1  }
0x391: {  	v24 =	vld [tilespmem:$0xB0];
	v22 =	vshll.u32 v18, $0x8;
	v23 =	vshll.u32 v19, $0x3  }
0x392: {  	v25 =	vld [tilespmem:$0x130];
	v6 =	vand.u32 $0xFFFFFC00, v23;
	v5 =	vshll.u32 v18, $0x7;
	v4 =	vand.u32 $0xFFFFF800, v22  }
0x393: {  	v26 =	vand.u32 $0x380, v5;
	[tilespmem:$0x1CC80] =	vst v2;
	v2 =	vadd.s32 v4, v6  }
0x394: {  	v27 =	vand.u32 $0x7F, v19;
	v3 =	vld.idx.msk [tilespmem:v3+s8+$0x0], $0xffff;
	v2 =	vor.u32 v26, v2  }
0x395: {  	v2 =	vor.u32 v27, v2;
	_ =	sdelay $0x1  }
0x396: {  	v30 =	vld [tilespmem:$0xC0];
	v28 =	vshll.u32 v24, $0x8;
	v29 =	vshll.u32 v25, $0x3  }
0x397: {  	v31 =	vld [tilespmem:$0x140];
	v7 =	vshll.u32 v24, $0x7;
	v5 =	vand.u32 $0xFFFFFC00, v29;
	v4 =	vand.u32 $0xFFFFF800, v28  }
0x398: {  	v32 =	vand.u32 $0x380, v7;
	[tilespmem:$0x1CC90] =	vst v3;
	v3 =	vadd.s32 v4, v5  }
0x399: {  	v33 =	vand.u32 $0x7F, v25;
	v2 =	vld.idx.msk [tilespmem:v2+s8+$0x0], $0xffff;
	v3 =	vor.u32 v32, v3  }
0x39a: {  	v3 =	vor.u32 v33, v3;
	_ =	sdelay $0x1  }
0x39b: {  	v36 =	vld [tilespmem:$0xD0];
	v34 =	vshll.u32 v30, $0x8;
	v35 =	vshll.u32 v31, $0x3  }
0x39c: {  	v37 =	vld [tilespmem:$0x150];
	v6 =	vshll.u32 v30, $0x7;
	v4 =	vand.u32 $0xFFFFF800, v34;
	v5 =	vand.u32 $0xFFFFFC00, v35  }
0x39d: {  	v38 =	vand.u32 $0x380, v6;
	[tilespmem:$0x1CCA0] =	vst v2;
	v2 =	vadd.s32 v4, v5  }
0x39e: {  	v39 =	vand.u32 $0x7F, v31;
	v3 =	vld.idx.msk [tilespmem:v3+s8+$0x0], $0xffff;
	v2 =	vor.u32 v38, v2  }
0x39f: {  	v2 =	vor.u32 v39, v2;
	_ =	sdelay $0x1  }
0x3a0: {  	v42 =	vld [tilespmem:$0xE0];
	v40 =	vshll.u32 v36, $0x8;
	v41 =	vshll.u32 v37, $0x3  }
0x3a1: {  	v43 =	vld [tilespmem:$0x160];
	v7 =	vshll.u32 v36, $0x7;
	v4 =	vand.u32 $0xFFFFF800, v40;
	v5 =	vand.u32 $0xFFFFFC00, v41  }
0x3a2: {  	v44 =	vand.u32 $0x380, v7;
	[tilespmem:$0x1CCB0] =	vst v3;
	v3 =	vadd.s32 v4, v5  }
0x3a3: {  	v45 =	vand.u32 $0x7F, v37;
	v2 =	vld.idx.msk [tilespmem:v2+s8+$0x0], $0xffff;
	v3 =	vor.u32 v44, v3  }
0x3a4: {  	v3 =	vor.u32 v45, v3;
	_ =	sdelay $0x1  }
0x3a5: {  	v48 =	vld [tilespmem:$0xF0];
	v46 =	vshll.u32 v42, $0x8;
	v47 =	vshll.u32 v43, $0x3  }
0x3a6: {  	v49 =	vld [tilespmem:$0x170];
	v6 =	vshll.u32 v42, $0x7;
	v4 =	vand.u32 $0xFFFFF800, v46;
	v5 =	vand.u32 $0xFFFFFC00, v47  }
0x3a7: {  	v50 =	vand.u32 $0x380, v6;
	[tilespmem:$0x1CCC0] =	vst v2;
	v2 =	vadd.s32 v4, v5  }
0x3a8: {  	v51 =	vand.u32 $0x7F, v43;
	v3 =	vld.idx.msk [tilespmem:v3+s8+$0x0], $0xffff;
	v2 =	vor.u32 v50, v2  }
0x3a9: {  	v2 =	vor.u32 v51, v2;
	_ =	sdelay $0x1  }
0x3aa: {  	v52 =	vshll.u32 v48, $0x8;
	v53 =	vshll.u32 v49, $0x3  }
0x3ab: {  	v54 =	vshll.u32 v48, $0x7;
	v4 =	vand.u32 $0xFFFFF800, v52;
	v5 =	vand.u32 $0xFFFFFC00, v53  }
0x3ac: {  	v55 =	vand.u32 $0x380, v54;
	[tilespmem:$0x1CCD0] =	vst v3;
	v3 =	vadd.s32 v4, v5  }
0x3ad: {  	v56 =	vand.u32 $0x7F, v49;
	v2 =	vld.idx.msk [tilespmem:v2+s8+$0x0], $0xffff;
	v3 =	vor.u32 v55, v3  }
0x3ae: {  	v3 =	vor.u32 v56, v3;
	_ =	sdelay $0x3  }
0x3af: {  	[tilespmem:$0x1CCE0] =	vst v2  }
0x3b0: {  	v2 =	vld.idx.msk [tilespmem:v3+s8+$0x0], $0xffff;
	_ =	sdelay $0x4  }
0x3b1: {  	s20 =	rddreg [dreg:$0xd];
	[tilespmem:$0x1CCF0] =	vst v2  }
0x3b2: {  	[tilespmem:s8], [sflag:$0x1] =	stream.linear.gather [hbm4b:s20+s10], $0x9800, $0x38;
	[tilespmem:$0x1D180] =	vst v63  }
0x3b3: {  	_ =	swait.ge [sflag:s11], $0x9800  }
0x3b4: {  	[sflag:s11] =	ssyncset.done $0x0  }
0x3b5: {  	[sflag:s11] =	ssyncadd.s32 $0xFFFF6800  }
0x3b6: {  	v2 =	vld [tilespmem:$0x80]  }
0x3b7: {  	v3 =	vld [tilespmem:$0x100];
	_ =	sdelay $0x4  }
0x3b8: {  	v59 =	vld [tilespmem:$0x90];
	v57 =	vshll.u32 v2, $0x8;
	v58 =	vshll.u32 v3, $0x3  }
0x3b9: {  	v60 =	vld [tilespmem:$0x110];
	v2 =	vshll.u32 v2, $0x7;
	v4 =	vand.u32 $0xFFFFF800, v57;
	v5 =	vand.u32 $0xFFFFFC00, v58  }
0x3ba: {  	v2 =	vand.u32 $0x380, v2;
	v4 =	vadd.s32 v4, v5  }
0x3bb: {  	v3 =	vand.u32 $0x7F, v3;
	v2 =	vor.u32 v2, v4  }
0x3bc: {  	v2 =	vor.u32 v3, v2;
	_ =	sdelay $0x1  }
0x3bd: {  	v62 =	vld [tilespmem:$0xA0];
	v61 =	vshll.u32 v60, $0x3;
	v3 =	vshll.u32 v59, $0x8  }
0x3be: {  	v63 =	vld [tilespmem:$0x120];
	v6 =	vshll.u32 v59, $0x7;
	v4 =	vand.u32 $0xFFFFFC00, v61;
	v3 =	vand.u32 $0xFFFFF800, v3  }
0x3bf: {  	v9 =	vand.u32 $0x380, v6;
	v3 =	vadd.s32 v3, v4  }
0x3c0: {  	v10 =	vand.u32 $0x7F, v60;
	v3 =	vor.u32 v9, v3;
	v2 =	vld.idx.msk [tilespmem:v2+s13+$0x0], $0xffff  }
0x3c1: {  	v3 =	vor.u32 v10, v3;
	_ =	sdelay $0x1  }
0x3c2: {  	v13 =	vld [tilespmem:$0xB0];
	v11 =	vshll.u32 v62, $0x8;
	v12 =	vshll.u32 v63, $0x3  }
0x3c3: {  	v14 =	vld [tilespmem:$0x130];
	v6 =	vand.u32 $0xFFFFFC00, v12;
	v5 =	vshll.u32 v62, $0x7;
	v4 =	vand.u32 $0xFFFFF800, v11  }
0x3c4: {  	v15 =	vand.u32 $0x380, v5;
	[tilespmem:$0x1CD00] =	vst v2;
	v2 =	vadd.s32 v4, v6  }
0x3c5: {  	v16 =	vand.u32 $0x7F, v63;
	v3 =	vld.idx.msk [tilespmem:v3+s13+$0x0], $0xffff;
	v2 =	vor.u32 v15, v2  }
0x3c6: {  	v2 =	vor.u32 v16, v2;
	_ =	sdelay $0x1  }
0x3c7: {  	v19 =	vld [tilespmem:$0xC0];
	v17 =	vshll.u32 v13, $0x8;
	v18 =	vshll.u32 v14, $0x3  }
0x3c8: {  	v20 =	vld [tilespmem:$0x140];
	v7 =	vshll.u32 v13, $0x7;
	v5 =	vand.u32 $0xFFFFFC00, v18;
	v4 =	vand.u32 $0xFFFFF800, v17  }
0x3c9: {  	v21 =	vand.u32 $0x380, v7;
	[tilespmem:$0x1CD10] =	vst v3;
	v3 =	vadd.s32 v4, v5  }
0x3ca: {  	v22 =	vand.u32 $0x7F, v14;
	v2 =	vld.idx.msk [tilespmem:v2+s13+$0x0], $0xffff;
	v3 =	vor.u32 v21, v3  }
0x3cb: {  	v3 =	vor.u32 v22, v3;
	_ =	sdelay $0x1  }
0x3cc: {  	v25 =	vld [tilespmem:$0xD0];
	v23 =	vshll.u32 v19, $0x8;
	v24 =	vshll.u32 v20, $0x3  }
0x3cd: {  	v26 =	vld [tilespmem:$0x150];
	v6 =	vshll.u32 v19, $0x7;
	v4 =	vand.u32 $0xFFFFF800, v23;
	v5 =	vand.u32 $0xFFFFFC00, v24  }
0x3ce: {  	v27 =	vand.u32 $0x380, v6;
	[tilespmem:$0x1CD20] =	vst v2;
	v2 =	vadd.s32 v4, v5  }
0x3cf: {  	v28 =	vand.u32 $0x7F, v20;
	v3 =	vld.idx.msk [tilespmem:v3+s13+$0x0], $0xffff;
	v2 =	vor.u32 v27, v2  }
0x3d0: {  	v2 =	vor.u32 v28, v2;
	_ =	sdelay $0x1  }
0x3d1: {  	v31 =	vld [tilespmem:$0xE0];
	v29 =	vshll.u32 v25, $0x8;
	v30 =	vshll.u32 v26, $0x3  }
0x3d2: {  	v32 =	vld [tilespmem:$0x160];
	v7 =	vshll.u32 v25, $0x7;
	v4 =	vand.u32 $0xFFFFF800, v29;
	v5 =	vand.u32 $0xFFFFFC00, v30  }
0x3d3: {  	v33 =	vand.u32 $0x380, v7;
	[tilespmem:$0x1CD30] =	vst v3;
	v3 =	vadd.s32 v4, v5  }
0x3d4: {  	v34 =	vand.u32 $0x7F, v26;
	v2 =	vld.idx.msk [tilespmem:v2+s13+$0x0], $0xffff;
	v3 =	vor.u32 v33, v3  }
0x3d5: {  	v3 =	vor.u32 v34, v3;
	_ =	sdelay $0x1  }
0x3d6: {  	v37 =	vld [tilespmem:$0xF0];
	v35 =	vshll.u32 v31, $0x8;
	v36 =	vshll.u32 v32, $0x3  }
0x3d7: {  	v38 =	vld [tilespmem:$0x170];
	v6 =	vshll.u32 v31, $0x7;
	v4 =	vand.u32 $0xFFFFF800, v35;
	v5 =	vand.u32 $0xFFFFFC00, v36  }
0x3d8: {  	v39 =	vand.u32 $0x380, v6;
	[tilespmem:$0x1CD40] =	vst v2;
	v2 =	vadd.s32 v4, v5  }
0x3d9: {  	v40 =	vand.u32 $0x7F, v32;
	v3 =	vld.idx.msk [tilespmem:v3+s13+$0x0], $0xffff;
	v2 =	vor.u32 v39, v2  }
0x3da: {  	v2 =	vor.u32 v40, v2;
	_ =	sdelay $0x1  }
0x3db: {  	v41 =	vshll.u32 v37, $0x8;
	v42 =	vshll.u32 v38, $0x3  }
0x3dc: {  	v43 =	vshll.u32 v37, $0x7;
	v4 =	vand.u32 $0xFFFFF800, v41;
	v5 =	vand.u32 $0xFFFFFC00, v42  }
0x3dd: {  	v44 =	vand.u32 $0x380, v43;
	[tilespmem:$0x1CD50] =	vst v3;
	v3 =	vadd.s32 v4, v5  }
0x3de: {  	v45 =	vand.u32 $0x7F, v38;
	v2 =	vld.idx.msk [tilespmem:v2+s13+$0x0], $0xffff;
	v3 =	vor.u32 v44, v3  }
0x3df: {  	v3 =	vor.u32 v45, v3;
	_ =	sdelay $0x3  }
0x3e0: {  	[tilespmem:$0x1CD60] =	vst v2  }
0x3e1: {  	v2 =	vld.idx.msk [tilespmem:v3+s13+$0x0], $0xffff;
	_ =	sdelay $0x4  }
0x3e2: {  	s21 =	rddreg [dreg:$0xe];
	[tilespmem:$0x1CD70] =	vst v2  }
0x3e3: {  	[tilespmem:s13], [sflag:$0x2] =	stream.linear.gather [hbm4b:s21+s10], $0x9800, $0x38;
	[tilespmem:$0x1D180] =	vst v63  }
0x3e4: {  	_ =	swait.ge [sflag:s15], $0x9800  }
0x3e5: {  	[sflag:s15] =	ssyncset.done $0x0  }
0x3e6: {  	[sflag:s15] =	ssyncadd.s32 $0xFFFF6800  }
0x3e7: {  	v2 =	vld [tilespmem:$0x80]  }
0x3e8: {  	v3 =	vld [tilespmem:$0x100];
	_ =	sdelay $0x4  }
0x3e9: {  	v48 =	vld [tilespmem:$0x90];
	v46 =	vshll.u32 v2, $0x8;
	v47 =	vshll.u32 v3, $0x3  }
0x3ea: {  	v49 =	vld [tilespmem:$0x110];
	v2 =	vshll.u32 v2, $0x7;
	v4 =	vand.u32 $0xFFFFF800, v46;
	v5 =	vand.u32 $0xFFFFFC00, v47  }
0x3eb: {  	v2 =	vand.u32 $0x380, v2;
	v4 =	vadd.s32 v4, v5  }
0x3ec: {  	v3 =	vand.u32 $0x7F, v3;
	v2 =	vor.u32 v2, v4  }
0x3ed: {  	v2 =	vor.u32 v3, v2;
	_ =	sdelay $0x1  }
0x3ee: {  	v51 =	vld [tilespmem:$0xA0];
	v50 =	vshll.u32 v49, $0x3;
	v3 =	vshll.u32 v48, $0x8  }
0x3ef: {  	v52 =	vld [tilespmem:$0x120];
	v6 =	vshll.u32 v48, $0x7;
	v4 =	vand.u32 $0xFFFFFC00, v50;
	v3 =	vand.u32 $0xFFFFF800, v3  }
0x3f0: {  	v53 =	vand.u32 $0x380, v6;
	v3 =	vadd.s32 v3, v4  }
0x3f1: {  	v54 =	vand.u32 $0x7F, v49;
	v3 =	vor.u32 v53, v3;
	v2 =	vld.idx.msk [tilespmem:v2+s31+$0x0], $0xffff  }
0x3f2: {  	v3 =	vor.u32 v54, v3;
	_ =	sdelay $0x1  }
0x3f3: {  	v57 =	vld [tilespmem:$0xB0];
	v55 =	vshll.u32 v51, $0x8;
	v56 =	vshll.u32 v52, $0x3  }
0x3f4: {  	v58 =	vld [tilespmem:$0x130];
	v6 =	vand.u32 $0xFFFFFC00, v56;
	v5 =	vshll.u32 v51, $0x7;
	v4 =	vand.u32 $0xFFFFF800, v55  }
0x3f5: {  	v59 =	vand.u32 $0x380, v5;
	[tilespmem:$0x1CD80] =	vst v2;
	v2 =	vadd.s32 v4, v6  }
0x3f6: {  	v60 =	vand.u32 $0x7F, v52;
	v3 =	vld.idx.msk [tilespmem:v3+s31+$0x0], $0xffff;
	v2 =	vor.u32 v59, v2  }
0x3f7: {  	v2 =	vor.u32 v60, v2;
	_ =	sdelay $0x1  }
0x3f8: {  	v63 =	vld [tilespmem:$0xC0];
	v61 =	vshll.u32 v57, $0x8;
	v62 =	vshll.u32 v58, $0x3  }
0x3f9: {  	v12 =	vld [tilespmem:$0x140];
	v7 =	vshll.u32 v57, $0x7;
	v5 =	vand.u32 $0xFFFFFC00, v62;
	v4 =	vand.u32 $0xFFFFF800, v61  }
0x3fa: {  	v13 =	vand.u32 $0x380, v7;
	[tilespmem:$0x1CD90] =	vst v3;
	v3 =	vadd.s32 v4, v5  }
0x3fb: {  	v14 =	vand.u32 $0x7F, v58;
	v2 =	vld.idx.msk [tilespmem:v2+s31+$0x0], $0xffff;
	v3 =	vor.u32 v13, v3  }
0x3fc: {  	v3 =	vor.u32 v14, v3;
	_ =	sdelay $0x1  }
0x3fd: {  	v17 =	vld [tilespmem:$0xD0];
	v15 =	vshll.u32 v63, $0x8;
	v16 =	vshll.u32 v12, $0x3  }
0x3fe: {  	v18 =	vld [tilespmem:$0x150];
	v6 =	vshll.u32 v63, $0x7;
	v4 =	vand.u32 $0xFFFFF800, v15;
	v5 =	vand.u32 $0xFFFFFC00, v16  }
0x3ff: {  	v19 =	vand.u32 $0x380, v6;
	[tilespmem:$0x1CDA0] =	vst v2;
	v2 =	vadd.s32 v4, v5  }
0x400: {  	v20 =	vand.u32 $0x7F, v12;
	v3 =	vld.idx.msk [tilespmem:v3+s31+$0x0], $0xffff;
	v2 =	vor.u32 v19, v2  }
0x401: {  	v2 =	vor.u32 v20, v2;
	_ =	sdelay $0x1  }
0x402: {  	v23 =	vld [tilespmem:$0xE0];
	v21 =	vshll.u32 v17, $0x8;
	v22 =	vshll.u32 v18, $0x3  }
0x403: {  	v24 =	vld [tilespmem:$0x160];
	v7 =	vshll.u32 v17, $0x7;
	v4 =	vand.u32 $0xFFFFF800, v21;
	v5 =	vand.u32 $0xFFFFFC00, v22  }
0x404: {  	v25 =	vand.u32 $0x380, v7;
	[tilespmem:$0x1CDB0] =	vst v3;
	v3 =	vadd.s32 v4, v5  }
0x405: {  	v26 =	vand.u32 $0x7F, v18;
	v2 =	vld.idx.msk [tilespmem:v2+s31+$0x0], $0xffff;
	v3 =	vor.u32 v25, v3  }
0x406: {  	v3 =	vor.u32 v26, v3;
	_ =	sdelay $0x1  }
0x407: {  	v29 =	vld [tilespmem:$0xF0];
	v27 =	vshll.u32 v23, $0x8;
	v28 =	vshll.u32 v24, $0x3  }
0x408: {  	v30 =	vld [tilespmem:$0x170];
	v6 =	vshll.u32 v23, $0x7;
	v4 =	vand.u32 $0xFFFFF800, v27;
	v5 =	vand.u32 $0xFFFFFC00, v28  }
0x409: {  	v31 =	vand.u32 $0x380, v6;
	[tilespmem:$0x1CDC0] =	vst v2;
	v2 =	vadd.s32 v4, v5  }
0x40a: {  	v32 =	vand.u32 $0x7F, v24;
	v3 =	vld.idx.msk [tilespmem:v3+s31+$0x0], $0xffff;
	v2 =	vor.u32 v31, v2  }
0x40b: {  	v2 =	vor.u32 v32, v2;
	_ =	sdelay $0x1  }
0x40c: {  	v33 =	vshll.u32 v29, $0x8;
	v34 =	vshll.u32 v30, $0x3  }
0x40d: {  	v35 =	vshll.u32 v29, $0x7;
	v4 =	vand.u32 $0xFFFFF800, v33;
	v5 =	vand.u32 $0xFFFFFC00, v34  }
0x40e: {  	v36 =	vand.u32 $0x380, v35;
	[tilespmem:$0x1CDD0] =	vst v3;
	v3 =	vadd.s32 v4, v5  }
0x40f: {  	v37 =	vand.u32 $0x7F, v30;
	v2 =	vld.idx.msk [tilespmem:v2+s31+$0x0], $0xffff;
	v3 =	vor.u32 v36, v3  }
0x410: {  	v3 =	vor.u32 v37, v3;
	_ =	sdelay $0x3  }
0x411: {  	[tilespmem:$0x1CDE0] =	vst v2  }
0x412: {  	v2 =	vld.idx.msk [tilespmem:v3+s31+$0x0], $0xffff;
	_ =	sdelay $0x4  }
0x413: {  	s22 =	rddreg [dreg:$0xf];
	[tilespmem:$0x1CDF0] =	vst v2  }
0x414: {  	[tilespmem:s31], [sflag:$0x3] =	stream.linear.gather [hbm4b:s22+s10], $0x9800, $0x38;
	[tilespmem:$0x1D180] =	vst v63  }
0x415: {  	_ =	swait.ge [sflag:s6], $0x9800  }
0x416: {  	[sflag:s6] =	ssyncset.done $0x0  }
0x417: {  	[sflag:s6] =	ssyncadd.s32 $0xFFFF6800  }
0x418: {  	v2 =	vld [tilespmem:$0x80]  }
0x419: {  	v3 =	vld [tilespmem:$0x100];
	_ =	sdelay $0x4  }
0x41a: {  	v40 =	vld [tilespmem:$0x90];
	v38 =	vshll.u32 v2, $0x8;
	v39 =	vshll.u32 v3, $0x3  }
0x41b: {  	v41 =	vld [tilespmem:$0x110];
	v2 =	vshll.u32 v2, $0x7;
	v4 =	vand.u32 $0xFFFFF800, v38;
	v5 =	vand.u32 $0xFFFFFC00, v39  }
0x41c: {  	v2 =	vand.u32 $0x380, v2;
	v4 =	vadd.s32 v4, v5  }
0x41d: {  	v3 =	vand.u32 $0x7F, v3;
	v2 =	vor.u32 v2, v4  }
0x41e: {  	v2 =	vor.u32 v3, v2;
	_ =	sdelay $0x1  }
0x41f: {  	v43 =	vld [tilespmem:$0xA0];
	v42 =	vshll.u32 v41, $0x3;
	v3 =	vshll.u32 v40, $0x8  }
0x420: {  	v44 =	vld [tilespmem:$0x120];
	v6 =	vshll.u32 v40, $0x7;
	v4 =	vand.u32 $0xFFFFFC00, v42;
	v3 =	vand.u32 $0xFFFFF800, v3  }
0x421: {  	v45 =	vand.u32 $0x380, v6;
	v3 =	vadd.s32 v3, v4  }
0x422: {  	v46 =	vand.u32 $0x7F, v41;
	v3 =	vor.u32 v45, v3;
	v2 =	vld.idx.msk [tilespmem:v2+s8+$0x0], $0xffff  }
0x423: {  	v3 =	vor.u32 v46, v3;
	_ =	sdelay $0x1  }
0x424: {  	v49 =	vld [tilespmem:$0xB0];
	v47 =	vshll.u32 v43, $0x8;
	v48 =	vshll.u32 v44, $0x3  }
0x425: {  	v50 =	vld [tilespmem:$0x130];
	v6 =	vand.u32 $0xFFFFFC00, v48;
	v5 =	vshll.u32 v43, $0x7;
	v4 =	vand.u32 $0xFFFFF800, v47  }
0x426: {  	v51 =	vand.u32 $0x380, v5;
	[tilespmem:$0x1CE00] =	vst v2;
	v2 =	vadd.s32 v4, v6  }
0x427: {  	v52 =	vand.u32 $0x7F, v44;
	v3 =	vld.idx.msk [tilespmem:v3+s8+$0x0], $0xffff;
	v2 =	vor.u32 v51, v2  }
0x428: {  	v2 =	vor.u32 v52, v2;
	_ =	sdelay $0x1  }
0x429: {  	v55 =	vld [tilespmem:$0xC0];
	v53 =	vshll.u32 v49, $0x8;
	v54 =	vshll.u32 v50, $0x3  }
0x42a: {  	v56 =	vld [tilespmem:$0x140];
	v7 =	vshll.u32 v49, $0x7;
	v5 =	vand.u32 $0xFFFFFC00, v54;
	v4 =	vand.u32 $0xFFFFF800, v53  }
0x42b: {  	v57 =	vand.u32 $0x380, v7;
	[tilespmem:$0x1CE10] =	vst v3;
	v3 =	vadd.s32 v4, v5  }
0x42c: {  	v58 =	vand.u32 $0x7F, v50;
	v2 =	vld.idx.msk [tilespmem:v2+s8+$0x0], $0xffff;
	v3 =	vor.u32 v57, v3  }
0x42d: {  	v3 =	vor.u32 v58, v3;
	_ =	sdelay $0x1  }
0x42e: {  	v61 =	vld [tilespmem:$0xD0];
	v59 =	vshll.u32 v55, $0x8;
	v60 =	vshll.u32 v56, $0x3  }
0x42f: {  	v62 =	vld [tilespmem:$0x150];
	v6 =	vshll.u32 v55, $0x7;
	v4 =	vand.u32 $0xFFFFF800, v59;
	v5 =	vand.u32 $0xFFFFFC00, v60  }
0x430: {  	v63 =	vand.u32 $0x380, v6;
	[tilespmem:$0x1CE20] =	vst v2;
	v2 =	vadd.s32 v4, v5  }
0x431: {  	v10 =	vand.u32 $0x7F, v56;
	v3 =	vld.idx.msk [tilespmem:v3+s8+$0x0], $0xffff;
	v2 =	vor.u32 v63, v2  }
0x432: {  	v2 =	vor.u32 v10, v2;
	_ =	sdelay $0x1  }
0x433: {  	v13 =	vld [tilespmem:$0xE0];
	v11 =	vshll.u32 v61, $0x8;
	v12 =	vshll.u32 v62, $0x3  }
0x434: {  	v14 =	vld [tilespmem:$0x160];
	v7 =	vshll.u32 v61, $0x7;
	v4 =	vand.u32 $0xFFFFF800, v11;
	v5 =	vand.u32 $0xFFFFFC00, v12  }
0x435: {  	v15 =	vand.u32 $0x380, v7;
	[tilespmem:$0x1CE30] =	vst v3;
	v3 =	vadd.s32 v4, v5  }
0x436: {  	v16 =	vand.u32 $0x7F, v62;
	v2 =	vld.idx.msk [tilespmem:v2+s8+$0x0], $0xffff;
	v3 =	vor.u32 v15, v3  }
0x437: {  	v3 =	vor.u32 v16, v3;
	_ =	sdelay $0x1  }
0x438: {  	v19 =	vld [tilespmem:$0xF0];
	v17 =	vshll.u32 v13, $0x8;
	v18 =	vshll.u32 v14, $0x3  }
0x439: {  	v20 =	vld [tilespmem:$0x170];
	v6 =	vshll.u32 v13, $0x7;
	v4 =	vand.u32 $0xFFFFF800, v17;
	v5 =	vand.u32 $0xFFFFFC00, v18  }
0x43a: {  	v21 =	vand.u32 $0x380, v6;
	[tilespmem:$0x1CE40] =	vst v2;
	v2 =	vadd.s32 v4, v5  }
0x43b: {  	v22 =	vand.u32 $0x7F, v14;
	v3 =	vld.idx.msk [tilespmem:v3+s8+$0x0], $0xffff;
	v2 =	vor.u32 v21, v2  }
0x43c: {  	v2 =	vor.u32 v22, v2;
	_ =	sdelay $0x1  }
0x43d: {  	v23 =	vshll.u32 v19, $0x8;
	v24 =	vshll.u32 v20, $0x3  }
0x43e: {  	v25 =	vshll.u32 v19, $0x7;
	v4 =	vand.u32 $0xFFFFF800, v23;
	v5 =	vand.u32 $0xFFFFFC00, v24  }
0x43f: {  	v26 =	vand.u32 $0x380, v25;
	[tilespmem:$0x1CE50] =	vst v3;
	v3 =	vadd.s32 v4, v5  }
0x440: {  	v27 =	vand.u32 $0x7F, v20;
	v2 =	vld.idx.msk [tilespmem:v2+s8+$0x0], $0xffff;
	v3 =	vor.u32 v26, v3  }
0x441: {  	v3 =	vor.u32 v27, v3;
	_ =	sdelay $0x3  }
0x442: {  	[tilespmem:$0x1CE60] =	vst v2  }
0x443: {  	v2 =	vld.idx.msk [tilespmem:v3+s8+$0x0], $0xffff;
	_ =	sdelay $0x4  }
0x444: {  	[tilespmem:$0x1CE70] =	vst v2  }
0x445: {  	_ =	swait.ge [sflag:s11], $0x9800  }
0x446: {  	[sflag:s11] =	ssyncset.done $0x0  }
0x447: {  	[sflag:s11] =	ssyncadd.s32 $0xFFFF6800  }
0x448: {  	v2 =	vld [tilespmem:$0x80]  }
0x449: {  	v3 =	vld [tilespmem:$0x100];
	_ =	sdelay $0x4  }
0x44a: {  	v30 =	vld [tilespmem:$0x90];
	v28 =	vshll.u32 v2, $0x8;
	v29 =	vshll.u32 v3, $0x3  }
0x44b: {  	v31 =	vld [tilespmem:$0x110];
	v2 =	vshll.u32 v2, $0x7;
	v4 =	vand.u32 $0xFFFFF800, v28;
	v5 =	vand.u32 $0xFFFFFC00, v29  }
0x44c: {  	v2 =	vand.u32 $0x380, v2;
	v4 =	vadd.s32 v4, v5  }
0x44d: {  	v3 =	vand.u32 $0x7F, v3;
	v2 =	vor.u32 v2, v4  }
0x44e: {  	v2 =	vor.u32 v3, v2;
	_ =	sdelay $0x1  }
0x44f: {  	v33 =	vld [tilespmem:$0xA0];
	v32 =	vshll.u32 v31, $0x3;
	v3 =	vshll.u32 v30, $0x8  }
0x450: {  	v34 =	vld [tilespmem:$0x120];
	v6 =	vshll.u32 v30, $0x7;
	v4 =	vand.u32 $0xFFFFFC00, v32;
	v3 =	vand.u32 $0xFFFFF800, v3  }
0x451: {  	v35 =	vand.u32 $0x380, v6;
	v3 =	vadd.s32 v3, v4  }
0x452: {  	v36 =	vand.u32 $0x7F, v31;
	v3 =	vor.u32 v35, v3;
	v2 =	vld.idx.msk [tilespmem:v2+s13+$0x0], $0xffff  }
0x453: {  	v3 =	vor.u32 v36, v3;
	_ =	sdelay $0x1  }
0x454: {  	v39 =	vld [tilespmem:$0xB0];
	v37 =	vshll.u32 v33, $0x8;
	v38 =	vshll.u32 v34, $0x3  }
0x455: {  	v40 =	vld [tilespmem:$0x130];
	v6 =	vand.u32 $0xFFFFFC00, v38;
	v5 =	vshll.u32 v33, $0x7;
	v4 =	vand.u32 $0xFFFFF800, v37  }
0x456: {  	v41 =	vand.u32 $0x380, v5;
	[tilespmem:$0x1CE80] =	vst v2;
	v2 =	vadd.s32 v4, v6  }
0x457: {  	v42 =	vand.u32 $0x7F, v34;
	v3 =	vld.idx.msk [tilespmem:v3+s13+$0x0], $0xffff;
	v2 =	vor.u32 v41, v2  }
0x458: {  	v2 =	vor.u32 v42, v2;
	_ =	sdelay $0x1  }
0x459: {  	v45 =	vld [tilespmem:$0xC0];
	v43 =	vshll.u32 v39, $0x8;
	v44 =	vshll.u32 v40, $0x3  }
0x45a: {  	v46 =	vld [tilespmem:$0x140];
	v7 =	vshll.u32 v39, $0x7;
	v5 =	vand.u32 $0xFFFFFC00, v44;
	v4 =	vand.u32 $0xFFFFF800, v43  }
0x45b: {  	v47 =	vand.u32 $0x380, v7;
	[tilespmem:$0x1CE90] =	vst v3;
	v3 =	vadd.s32 v4, v5  }
0x45c: {  	v48 =	vand.u32 $0x7F, v40;
	v2 =	vld.idx.msk [tilespmem:v2+s13+$0x0], $0xffff;
	v3 =	vor.u32 v47, v3  }
0x45d: {  	v3 =	vor.u32 v48, v3;
	_ =	sdelay $0x1  }
0x45e: {  	v51 =	vld [tilespmem:$0xD0];
	v49 =	vshll.u32 v45, $0x8;
	v50 =	vshll.u32 v46, $0x3  }
0x45f: {  	v52 =	vld [tilespmem:$0x150];
	v6 =	vshll.u32 v45, $0x7;
	v4 =	vand.u32 $0xFFFFF800, v49;
	v5 =	vand.u32 $0xFFFFFC00, v50  }
0x460: {  	v53 =	vand.u32 $0x380, v6;
	[tilespmem:$0x1CEA0] =	vst v2;
	v2 =	vadd.s32 v4, v5  }
0x461: {  	v54 =	vand.u32 $0x7F, v46;
	v3 =	vld.idx.msk [tilespmem:v3+s13+$0x0], $0xffff;
	v2 =	vor.u32 v53, v2  }
0x462: {  	v2 =	vor.u32 v54, v2;
	_ =	sdelay $0x1  }
0x463: {  	v57 =	vld [tilespmem:$0xE0];
	v55 =	vshll.u32 v51, $0x8;
	v56 =	vshll.u32 v52, $0x3  }
0x464: {  	v58 =	vld [tilespmem:$0x160];
	v7 =	vshll.u32 v51, $0x7;
	v4 =	vand.u32 $0xFFFFF800, v55;
	v5 =	vand.u32 $0xFFFFFC00, v56  }
0x465: {  	v59 =	vand.u32 $0x380, v7;
	[tilespmem:$0x1CEB0] =	vst v3;
	v3 =	vadd.s32 v4, v5  }
0x466: {  	v60 =	vand.u32 $0x7F, v52;
	v2 =	vld.idx.msk [tilespmem:v2+s13+$0x0], $0xffff;
	v3 =	vor.u32 v59, v3  }
0x467: {  	v3 =	vor.u32 v60, v3;
	_ =	sdelay $0x1  }
0x468: {  	v63 =	vld [tilespmem:$0xF0];
	v61 =	vshll.u32 v57, $0x8;
	v62 =	vshll.u32 v58, $0x3  }
0x469: {  	v12 =	vld [tilespmem:$0x170];
	v6 =	vshll.u32 v57, $0x7;
	v4 =	vand.u32 $0xFFFFF800, v61;
	v5 =	vand.u32 $0xFFFFFC00, v62  }
0x46a: {  	v13 =	vand.u32 $0x380, v6;
	[tilespmem:$0x1CEC0] =	vst v2;
	v2 =	vadd.s32 v4, v5  }
0x46b: {  	v14 =	vand.u32 $0x7F, v58;
	v3 =	vld.idx.msk [tilespmem:v3+s13+$0x0], $0xffff;
	v2 =	vor.u32 v13, v2  }
0x46c: {  	v2 =	vor.u32 v14, v2;
	_ =	sdelay $0x1  }
0x46d: {  	v15 =	vshll.u32 v63, $0x8;
	v16 =	vshll.u32 v12, $0x3  }
0x46e: {  	v17 =	vshll.u32 v63, $0x7;
	v4 =	vand.u32 $0xFFFFF800, v15;
	v5 =	vand.u32 $0xFFFFFC00, v16  }
0x46f: {  	v18 =	vand.u32 $0x380, v17;
	[tilespmem:$0x1CED0] =	vst v3;
	v3 =	vadd.s32 v4, v5  }
0x470: {  	v19 =	vand.u32 $0x7F, v12;
	v2 =	vld.idx.msk [tilespmem:v2+s13+$0x0], $0xffff;
	v3 =	vor.u32 v18, v3  }
0x471: {  	v3 =	vor.u32 v19, v3;
	_ =	sdelay $0x3  }
0x472: {  	[tilespmem:$0x1CEE0] =	vst v2  }
0x473: {  	v2 =	vld.idx.msk [tilespmem:v3+s13+$0x0], $0xffff;
	_ =	sdelay $0x4  }
0x474: {  	[tilespmem:$0x1CEF0] =	vst v2  }
0x475: {  	_ =	swait.ge [sflag:s15], $0x9800  }
0x476: {  	[sflag:s15] =	ssyncset.done $0x0  }
0x477: {  	[sflag:s15] =	ssyncadd.s32 $0xFFFF6800  }
0x478: {  	v2 =	vld [tilespmem:$0x80]  }
0x479: {  	v3 =	vld [tilespmem:$0x100];
	_ =	sdelay $0x4  }
0x47a: {  	v22 =	vld [tilespmem:$0x90];
	v20 =	vshll.u32 v2, $0x8;
	v21 =	vshll.u32 v3, $0x3  }
0x47b: {  	v23 =	vld [tilespmem:$0x110];
	v2 =	vshll.u32 v2, $0x7;
	v4 =	vand.u32 $0xFFFFF800, v20;
	v5 =	vand.u32 $0xFFFFFC00, v21  }
0x47c: {  	v2 =	vand.u32 $0x380, v2;
	v4 =	vadd.s32 v4, v5  }
0x47d: {  	v3 =	vand.u32 $0x7F, v3;
	v2 =	vor.u32 v2, v4  }
0x47e: {  	v2 =	vor.u32 v3, v2;
	_ =	sdelay $0x1  }
0x47f: {  	v25 =	vld [tilespmem:$0xA0];
	v24 =	vshll.u32 v23, $0x3;
	v3 =	vshll.u32 v22, $0x8  }
0x480: {  	v26 =	vld [tilespmem:$0x120];
	v6 =	vshll.u32 v22, $0x7;
	v4 =	vand.u32 $0xFFFFFC00, v24;
	v3 =	vand.u32 $0xFFFFF800, v3  }
0x481: {  	v27 =	vand.u32 $0x380, v6;
	v3 =	vadd.s32 v3, v4  }
0x482: {  	v28 =	vand.u32 $0x7F, v23;
	v3 =	vor.u32 v27, v3;
	v2 =	vld.idx.msk [tilespmem:v2+s31+$0x0], $0xffff  }
0x483: {  	v3 =	vor.u32 v28, v3;
	_ =	sdelay $0x1  }
0x484: {  	v31 =	vld [tilespmem:$0xB0];
	v29 =	vshll.u32 v25, $0x8;
	v30 =	vshll.u32 v26, $0x3  }
0x485: {  	v32 =	vld [tilespmem:$0x130];
	v6 =	vand.u32 $0xFFFFFC00, v30;
	v5 =	vshll.u32 v25, $0x7;
	v4 =	vand.u32 $0xFFFFF800, v29  }
0x486: {  	v33 =	vand.u32 $0x380, v5;
	[tilespmem:$0x1CF00] =	vst v2;
	v2 =	vadd.s32 v4, v6  }
0x487: {  	v34 =	vand.u32 $0x7F, v26;
	v3 =	vld.idx.msk [tilespmem:v3+s31+$0x0], $0xffff;
	v2 =	vor.u32 v33, v2  }
0x488: {  	v2 =	vor.u32 v34, v2;
	_ =	sdelay $0x1  }
0x489: {  	v37 =	vld [tilespmem:$0xC0];
	v35 =	vshll.u32 v31, $0x8;
	v36 =	vshll.u32 v32, $0x3  }
0x48a: {  	v38 =	vld [tilespmem:$0x140];
	v7 =	vshll.u32 v31, $0x7;
	v5 =	vand.u32 $0xFFFFFC00, v36;
	v4 =	vand.u32 $0xFFFFF800, v35  }
0x48b: {  	v39 =	vand.u32 $0x380, v7;
	[tilespmem:$0x1CF10] =	vst v3;
	v3 =	vadd.s32 v4, v5  }
0x48c: {  	v40 =	vand.u32 $0x7F, v32;
	v2 =	vld.idx.msk [tilespmem:v2+s31+$0x0], $0xffff;
	v3 =	vor.u32 v39, v3  }
0x48d: {  	v3 =	vor.u32 v40, v3;
	_ =	sdelay $0x1  }
0x48e: {  	v43 =	vld [tilespmem:$0xD0];
	v41 =	vshll.u32 v37, $0x8;
	v42 =	vshll.u32 v38, $0x3  }
0x48f: {  	v44 =	vld [tilespmem:$0x150];
	v6 =	vshll.u32 v37, $0x7;
	v4 =	vand.u32 $0xFFFFF800, v41;
	v5 =	vand.u32 $0xFFFFFC00, v42  }
0x490: {  	v45 =	vand.u32 $0x380, v6;
	[tilespmem:$0x1CF20] =	vst v2;
	v2 =	vadd.s32 v4, v5  }
0x491: {  	v46 =	vand.u32 $0x7F, v38;
	v3 =	vld.idx.msk [tilespmem:v3+s31+$0x0], $0xffff;
	v2 =	vor.u32 v45, v2  }
0x492: {  	v2 =	vor.u32 v46, v2;
	_ =	sdelay $0x1  }
0x493: {  	v49 =	vld [tilespmem:$0xE0];
	v47 =	vshll.u32 v43, $0x8;
	v48 =	vshll.u32 v44, $0x3  }
0x494: {  	v50 =	vld [tilespmem:$0x160];
	v7 =	vshll.u32 v43, $0x7;
	v4 =	vand.u32 $0xFFFFF800, v47;
	v5 =	vand.u32 $0xFFFFFC00, v48  }
0x495: {  	v51 =	vand.u32 $0x380, v7;
	[tilespmem:$0x1CF30] =	vst v3;
	v3 =	vadd.s32 v4, v5  }
0x496: {  	v52 =	vand.u32 $0x7F, v44;
	v2 =	vld.idx.msk [tilespmem:v2+s31+$0x0], $0xffff;
	v3 =	vor.u32 v51, v3  }
0x497: {  	v3 =	vor.u32 v52, v3;
	_ =	sdelay $0x1  }
0x498: {  	v55 =	vld [tilespmem:$0xF0];
	v53 =	vshll.u32 v49, $0x8;
	v54 =	vshll.u32 v50, $0x3  }
0x499: {  	v56 =	vld [tilespmem:$0x170];
	v6 =	vshll.u32 v49, $0x7;
	v4 =	vand.u32 $0xFFFFF800, v53;
	v5 =	vand.u32 $0xFFFFFC00, v54  }
0x49a: {  	v57 =	vand.u32 $0x380, v6;
	[tilespmem:$0x1CF40] =	vst v2;
	v2 =	vadd.s32 v4, v5  }
0x49b: {  	v58 =	vand.u32 $0x7F, v50;
	v3 =	vld.idx.msk [tilespmem:v3+s31+$0x0], $0xffff;
	v2 =	vor.u32 v57, v2  }
0x49c: {  	v2 =	vor.u32 v58, v2;
	_ =	sdelay $0x1  }
0x49d: {  	v59 =	vshll.u32 v55, $0x8;
	v60 =	vshll.u32 v56, $0x3  }
0x49e: {  	v61 =	vshll.u32 v55, $0x7;
	v4 =	vand.u32 $0xFFFFF800, v59;
	v5 =	vand.u32 $0xFFFFFC00, v60  }
0x49f: {  	v62 =	vand.u32 $0x380, v61;
	[tilespmem:$0x1CF50] =	vst v3;
	v3 =	vadd.s32 v4, v5  }
0x4a0: {  	v63 =	vand.u32 $0x7F, v56;
	v2 =	vld.idx.msk [tilespmem:v2+s31+$0x0], $0xffff;
	v3 =	vor.u32 v62, v3  }
0x4a1: {  	v3 =	vor.u32 v63, v3;
	_ =	sdelay $0x3  }
0x4a2: {  	[tilespmem:$0x1CF60] =	vst v2  }
0x4a3: {  	v2 =	vld.idx.msk [tilespmem:v3+s31+$0x0], $0xffff;
	_ =	sdelay $0x1  }
0x4a4: {  	s23 =	rddreg [dreg:$0x10]  }
0x4a5: {  	s24 =	rddreg [dreg:$0x11]  }
0x4a6: {  	s29 =	rddreg [dreg:$0x15]  }
0x4a7: {  	s28 =	simm.s32 $0x0;
	s26 =	rddreg [dreg:$0x14];
	p0 =	sne.s32 s29, $0x1;
	[tilespmem:$0x1CF70] =	vst v2  }
0x4a8: {  	[hbm4b:s26+s28] =	stream.linear.scatter [tilespmem:s23], [sflag:$0x4], $0x400, $0x38;
	[tilespmem:$0x1D180] =	vst v63  }
.Ltmp0:
0x4a9: {  	s30 =	simm.s32 $0x4;
	s25 =	rddreg [dreg:$0x12];
	(pc) =	sbr.rel @p0 .LBB2_1-.Ltmp0, $4  }
0x4aa: {  	[hbm4b:s24+s28] =	stream.linear.scatter [tilespmem:s25], [sflag:$0x4], $0x200, $0x38;
	[tilespmem:$0x1D180] =	vst v63  }
0x4ab: {  	_ =	swait.ge [sflag:s30], $0x600  }
0x4ac: {  	s31 =	simm.s32 $0x4;
	[sflag:s30] =	ssyncset.done $0x0  }
0x4ad: {  	s2 =	sadd.s32 $0xFFFFFFFF, s29;
	[sflag:s31] =	ssyncadd.s32 $0xFFFFFA00  }
0x4ae: {  	_ =	sfence.sel $0x180000  }
0x4af: {  	[bflag:$0x0] =	sbarrier.arrive $0xFFFF  }
0x4b0: {  	_ =	strace $0x90000047  }
0x4b1: {  	s0 =	stileid.u32;
	[bflag:$0x2] =	sbarrier.arrive $0xFFFF  }
0x4b2: {  	p0 =	sne.s32 s0, $0x0;
	s0 =	rddreg [dreg:$0x3]  }
0x4b3: {  	s0 =	sadd.s32 @!p0 $0x100000, s0  }
0x4b4: {  	[sflag:s0] =	ssyncadd.tile.s32 @!p0 $0x1;
	_ =	shalt  }
.Lfunc_end2:
_tile_overlayer_lowered:
.L_overlay_start_2:
0x4b5: {  	(tag) =	ssettag $0x2  }
0x4b6: {  	s0 =	rddreg [dreg:$0x0];
	s2 =	stileid.u32  }
0x4b7: {  	s1 =	rddreg [dreg:$0x1];
	p0 =	sne.s32 s2, $0x0  }
0x4b8: {  	s3 =	rddreg [dreg:$0x2];
	[bflag:$0x3] =	sbarrier.arrive $0xFFFF;
	s2 =	simm.s32 @!p0 $0x1C04  }
0x4b9: {  	[timem:s3], [sflag:s2] =	dma.local @!p0 [hbm:s0], s1  }
0x4ba: {  	s0 =	simm.s32 @!p0 $0x4  }
0x4bb: {  	_ =	swait.ge @!p0 [sflag:s0], s1  }
0x4bc: {  	s1 =	ssub.s32 @!p0 $0x0, s1;
	[sflag:s0] =	ssyncset.done @!p0 $0x0  }
0x4bd: {  	[sflag:s0] =	ssyncadd.s32 @!p0 s1  }
0x4be: {  	[bflag:$0x3] =	sbarrier.arrive $0xFFFF  }
0x4bf: {  	_ =	shalt  }

</sc_bundles>
